<compile_context>
chip_gen: v7x
topology: tpu7x:2x2x1
jax: 0.10.2.dev20260603
libtpu: 0.0.44.dev20260713+nightly
codegen_flags: <defaults>
</compile_context>

<pallas_src>
import functools

import jax
import jax.numpy as jnp
from jax import lax
from jax.experimental import pallas as pl
from jax.experimental.pallas import tpu as pltpu
from jax.experimental.pallas import tpu_sc as plsc

B, N, D = 32, 512, 768
NUM_FREQ, NUM_TIME = 8, 64
ROWS = B * N
NC, NS = 2, 16
NW = NC * NS

S_SC = 4096
RPT = S_SC // NW
CH = 16
NCH = RPT // CH
NBUF = 2
NGRP = NCH // NBUF

BL = 512
SB = S_SC // BL


def _table_idx_body(fe_ref, te_ref, wa_ref, wb_ref, bias_ref, fp_ref, tp_ref,
                    table_ref, idx_ref, wf_ref, wtb_ref):
    dn = (((1,), (1,)), ((), ()))
    wf = lax.dot_general(fe_ref[...], wa_ref[...], dn,
                         preferred_element_type=jnp.float32)
    wt = lax.dot_general(te_ref[...], wb_ref[...], dn,
                         preferred_element_type=jnp.float32)
    wtb = wt + bias_ref[...]
    wf_ref[...] = wf
    wtb_ref[...] = wtb
    for f in range(NUM_FREQ):
        table_ref[f * NUM_TIME:(f + 1) * NUM_TIME, :] = wtb + wf[f:f + 1, :]
    idx_ref[...] = fp_ref[...] * NUM_TIME + tp_ref[...]


def _build_table_idx(fe, te, wa, wb, bias2d, fp, tp):
    return pl.pallas_call(
        _table_idx_body,
        out_shape=[
            jax.ShapeDtypeStruct((NUM_FREQ * NUM_TIME, D), jnp.float32),
            jax.ShapeDtypeStruct((B, N), jnp.int32),
            jax.ShapeDtypeStruct((NUM_FREQ, D), jnp.float32),
            jax.ShapeDtypeStruct((NUM_TIME, D), jnp.float32),
        ],
    )(fe, te, wa, wb, bias2d, fp, tp)


def _sc_body(x_hbm, idx_hbm, table_hbm, out_hbm, idx_v, *bufs):
    xb = list(bufs[0:NBUF])
    gb = list(bufs[NBUF:2 * NBUF])
    ob = list(bufs[2 * NBUF:3 * NBUF])
    xs = list(bufs[3 * NBUF:4 * NBUF])
    gs = list(bufs[4 * NBUF:5 * NBUF])
    osm = list(bufs[5 * NBUF:6 * NBUF])

    wid = lax.axis_index("s") * NC + lax.axis_index("c")
    base = wid * RPT
    pltpu.sync_copy(idx_hbm.at[pl.ds(base, RPT)], idx_v)

    def issue(c, s):
        pltpu.async_copy(x_hbm.at[pl.ds(base + c * CH, CH)], xb[s], xs[s])
        pltpu.async_copy(
            table_hbm.at[idx_v.at[pl.ds(c * CH, CH)]], gb[s], gs[s])

    for s in range(NBUF):
        issue(s, s)

    def group(g, carry):
        for k in range(NBUF):
            s = k
            c = g * NBUF + k
            pltpu.make_async_copy(
                x_hbm.at[pl.ds(base, CH)], xb[s], xs[s]).wait()
            pltpu.make_async_copy(
                table_hbm.at[idx_v.at[pl.ds(0, CH)]], gb[s], gs[s]).wait()

            @pl.when(g > 0)
            def _():
                pltpu.make_async_copy(
                    ob[s], out_hbm.at[pl.ds(base, CH)], osm[s]).wait()

            def row(r, rc):
                for j in range(D // 16):
                    sl = pl.ds(j * 16, 16)
                    ob[s][r, sl] = xb[s][r, sl] + gb[s][r, sl]
                return rc

            lax.fori_loop(0, CH, row, 0)
            pltpu.async_copy(ob[s], out_hbm.at[pl.ds(base + c * CH, CH)],
                             osm[s])

            @pl.when(g < NGRP - 1)
            def _():
                issue(c + NBUF, s)
        return carry

    lax.fori_loop(0, NGRP, group, 0)
    for s in range(NBUF):
        pltpu.make_async_copy(
            ob[s], out_hbm.at[pl.ds(base, CH)], osm[s]).wait()


def _sc_gather_add(xf, idx_flat, table):
    run = pl.kernel(
        _sc_body,
        out_type=jax.ShapeDtypeStruct((S_SC, D), jnp.float32),
        mesh=plsc.VectorSubcoreMesh(core_axis_name="c", subcore_axis_name="s"),
        scratch_types=[pltpu.VMEM((RPT,), jnp.int32)]
        + [pltpu.VMEM((CH, D), jnp.float32)] * (3 * NBUF)
        + [pltpu.SemaphoreType.DMA] * (3 * NBUF),
    )
    return run(xf, idx_flat, table)


def _tc_rows_body(fp_ref, tp_ref, wf_ref, wtb_ref, x_ref, o_ref):
    fp = fp_ref[0]
    tp = tp_ref[0]
    of = (lax.broadcasted_iota(jnp.int32, (NUM_FREQ, BL), 0) == fp
          ).astype(jnp.bfloat16)
    ot = (lax.broadcasted_iota(jnp.int32, (NUM_TIME, BL), 0) == tp
          ).astype(jnp.bfloat16)
    dn = (((0,), (0,)), ((), ()))
    ft = lax.dot_general(of, wf_ref[...].astype(jnp.bfloat16), dn,
                         preferred_element_type=jnp.float32)
    ft = ft + lax.dot_general(ot, wtb_ref[...].astype(jnp.bfloat16), dn,
                              preferred_element_type=jnp.float32)
    o_ref[...] = x_ref[...] + ft


def _tc_rows(fp3, tp3, wf, wtb, xf):
    nblk = (ROWS - S_SC) // BL
    return pl.pallas_call(
        _tc_rows_body,
        grid=(nblk,),
        in_specs=[
            pl.BlockSpec((1, 1, BL), lambda i: (i + SB, 0, 0)),
            pl.BlockSpec((1, 1, BL), lambda i: (i + SB, 0, 0)),
            pl.BlockSpec((NUM_FREQ, D), lambda i: (0, 0)),
            pl.BlockSpec((NUM_TIME, D), lambda i: (0, 0)),
            pl.BlockSpec((BL, D), lambda i: (i + SB, 0)),
        ],
        out_specs=pl.BlockSpec((BL, D), lambda i: (i + SB, 0)),
        out_shape=jax.ShapeDtypeStruct((ROWS, D), jnp.float32),
    )(fp3, tp3, wf, wtb, xf)


def kernel(x, freq_pos, time_pos, freq_embedding, time_embedding, W, bias):
    fp = freq_pos.astype(jnp.int32)
    tp = time_pos.astype(jnp.int32)
    table, idx, wf, wtb = _build_table_idx(
        freq_embedding, time_embedding, W[:, :D], W[:, D:],
        bias.reshape(1, D), fp, tp)
    xf = x.reshape(ROWS, D)
    out_sc = _sc_gather_add(xf, idx.reshape(ROWS), table)
    out_tc = _tc_rows(fp.reshape(B, 1, N), tp.reshape(B, 1, N), wf, wtb, xf)
    out = lax.dynamic_update_slice(out_tc, out_sc, (0, 0))
    return out.reshape(B, N, D)

# --- scband reference (transcript-rebuilt; emitter-appended) ---
"""Pipeline reference for scband-frequency-time-encoding-76416058131115 (READ-ONLY COPY).

The authoritative reference and input builder live on the scoring server;
editing this copy changes nothing except your own understanding.
"""

import jax, jax.numpy as jnp
import numpy as np

B, N, D = 32, 512, 768
NUM_FREQ = 8   # input_fdim // patch_size = 128 // 16
NUM_TIME = 64  # input_tdim // patch_size = 1024 // 16


def setup_inputs(seed: int = 0) -> dict:
    key = jax.random.key(seed)
    ks = jax.random.split(key, 7)
    x = jax.random.normal(ks[0], (B, N, D), dtype=jnp.float32)
    freq_pos = jax.random.randint(ks[1], (B, N), 0, NUM_FREQ, dtype=jnp.int64 if jax.config.jax_enable_x64 else jnp.int32)
    time_pos = jax.random.randint(ks[2], (B, N), 0, NUM_TIME, dtype=jnp.int64 if jax.config.jax_enable_x64 else jnp.int32)
    freq_embedding = jax.random.normal(ks[3], (NUM_FREQ, D), dtype=jnp.float32)
    time_embedding = jax.random.normal(ks[4], (NUM_TIME, D), dtype=jnp.float32)
    # nn.Linear(2D -> D): weight [D, 2D], bias [D]
    bound = 1.0 / np.sqrt(2 * D)
    W = jax.random.uniform(ks[5], (D, 2 * D), dtype=jnp.float32, minval=-bound, maxval=bound)
    bias = jax.random.uniform(ks[6], (D,), dtype=jnp.float32, minval=-bound, maxval=bound)
    return {
        'x': x,
        'freq_pos': freq_pos,
        'time_pos': time_pos,
        'freq_embedding': freq_embedding,
        'time_embedding': time_embedding,
        'W': W,
        'bias': bias,
    }


def reference(x, freq_pos, time_pos, freq_embedding, time_embedding, W, bias):
    # Gather positional embeddings (SparseCore-friendly gathers)
    freq_emb = jnp.take(freq_embedding, freq_pos, axis=0)   # [B, N, D]
    time_emb = jnp.take(time_embedding, time_pos, axis=0)   # [B, N, D]
    combined = jnp.concatenate([freq_emb, time_emb], axis=-1)  # [B, N, 2D]
    # nn.Linear: y = combined @ W.T + bias
    ft = jnp.einsum('bnk,dk->bnd', combined, W) + bias       # [B, N, D]
    return x + ft

if __name__ == "__main__":
    import jax
    _d = setup_inputs()
    print(jax.jit(kernel)(*tuple(_d.values())))

</pallas_src>

<mosaic_0001>
#map = affine_map<(d0, d1) -> (0, 0)>
#map1 = affine_map<(d0, d1) -> (0)>
module attributes {stable_mosaic.version = 14 : i64} {
  func.func @_sc_body(%arg0: i32, %arg1: i32, %arg2: memref<16384x768xf32, #tpu.memory_space<hbm>>, %arg3: memref<16384xi32, #tpu.memory_space<hbm>>, %arg4: memref<512x768xf32, #tpu.memory_space<hbm>>, %arg5: memref<4096x768xf32, #tpu.memory_space<hbm>>, %arg6: memref<128xi32, #tpu.memory_space<vmem>>, %arg7: memref<16x768xf32, #tpu.memory_space<vmem>>, %arg8: memref<16x768xf32, #tpu.memory_space<vmem>>, %arg9: memref<16x768xf32, #tpu.memory_space<vmem>>, %arg10: memref<16x768xf32, #tpu.memory_space<vmem>>, %arg11: memref<16x768xf32, #tpu.memory_space<vmem>>, %arg12: memref<16x768xf32, #tpu.memory_space<vmem>>, %arg13: memref<!tpu.dma_semaphore, #tpu.memory_space<semaphore_mem>>, %arg14: memref<!tpu.dma_semaphore, #tpu.memory_space<semaphore_mem>>, %arg15: memref<!tpu.dma_semaphore, #tpu.memory_space<semaphore_mem>>, %arg16: memref<!tpu.dma_semaphore, #tpu.memory_space<semaphore_mem>>, %arg17: memref<!tpu.dma_semaphore, #tpu.memory_space<semaphore_mem>>, %arg18: memref<!tpu.dma_semaphore, #tpu.memory_space<semaphore_mem>>) attributes {dimension_semantics = [#tpu.dimension_semantics<core_parallel>, #tpu.dimension_semantics<subcore_parallel>], iteration_bounds = array<i64: 2, 16>, scalar_prefetch = 0 : i64, scratch_operands = 13 : i64, tpu.core_type = #tpu.core_type<sc_vector_subcore>, window_params = [{transform_indices = #map}, {transform_indices = #map1}, {transform_indices = #map}, {transform_indices = #map}]} {
    %mul3A = arith.constant 2 : i32
    %mul3A_0 = arith.muli %arg1, %mul3A : i32
    %add3A = arith.addi %mul3A_0, %arg0 : i32
    %mul3A_1 = arith.constant 128 : i32
    %mul3A_2 = arith.muli %add3A, %mul3A_1 : i32
    "tpu.region"() ({
      %run_scoped3A = tpu.sem_alloc : memref<!tpu.dma_semaphore, #tpu.memory_space<semaphore_mem>>
      %dma_start3A_36 = tpu.memref_slice %arg3[%mul3A_2] : memref<16384xi32, #tpu.memory_space<hbm>> -> memref<128xi32, #tpu.memory_space<hbm>>
      %dma_start3A_37 = tpu.memref_slice %arg3[%mul3A_2] : memref<16384xi32, #tpu.memory_space<hbm>> -> memref<128xi32, #tpu.memory_space<hbm>>
      tpu.enqueue_dma source(%dma_start3A_37 : memref<128xi32, #tpu.memory_space<hbm>>) target(%arg6 : memref<128xi32, #tpu.memory_space<vmem>>) target_semaphore(%run_scoped3A : memref<!tpu.dma_semaphore, #tpu.memory_space<semaphore_mem>>)
      %dma_wait3A_38 = tpu.memref_slice %arg3[%mul3A_2] : memref<16384xi32, #tpu.memory_space<hbm>> -> memref<128xi32, #tpu.memory_space<hbm>>
      %dma_wait3A_39 = tpu.memref_slice %arg3[%mul3A_2] : memref<16384xi32, #tpu.memory_space<hbm>> -> memref<128xi32, #tpu.memory_space<hbm>>
      tpu.wait_dma2 semaphore(%run_scoped3A : memref<!tpu.dma_semaphore, #tpu.memory_space<semaphore_mem>>) src(%dma_wait3A_39 : memref<128xi32, #tpu.memory_space<hbm>>) dst(%arg6 : memref<128xi32, #tpu.memory_space<vmem>>)
      tpu.yield
    }) : () -> ()
    %add3A_3 = arith.constant 0 : i32
    %add3A_4 = arith.addi %mul3A_2, %add3A_3 : i32
    %dma_start3A = arith.constant 0 : i32
    %dma_start3A_5 = tpu.memref_slice %arg2[%add3A_4, %dma_start3A] : memref<16384x768xf32, #tpu.memory_space<hbm>> -> memref<16x768xf32, #tpu.memory_space<hbm>>
    %dma_start3A_6 = arith.constant 0 : i32
    %dma_start3A_7 = tpu.memref_slice %arg2[%add3A_4, %dma_start3A_6] : memref<16384x768xf32, #tpu.memory_space<hbm>> -> memref<16x768xf32, #tpu.memory_space<hbm>>
    tpu.enqueue_dma source(%dma_start3A_7 : memref<16x768xf32, #tpu.memory_space<hbm>>) target(%arg7 : memref<16x768xf32, #tpu.memory_space<vmem>>) target_semaphore(%arg13 : memref<!tpu.dma_semaphore, #tpu.memory_space<semaphore_mem>>)
    %dma_start3A_8 = arith.constant 0 : i32
    %dma_start3A_9 = tpu.memref_slice %arg6[%dma_start3A_8] : memref<128xi32, #tpu.memory_space<vmem>> -> memref<16xi32, #tpu.memory_space<vmem>>
    %dma_start3A_10 = arith.constant 0 : i32
    %dma_start3A_11 = arith.constant 0 : i32
    %dma_start3A_12 = tpu.memref_slice %arg4[%dma_start3A_10, %dma_start3A_11] : memref<512x768xf32, #tpu.memory_space<hbm>> -> memref<512x768xf32, #tpu.memory_space<hbm>>
    tpu.enqueue_indirect_dma source(%dma_start3A_12 : memref<512x768xf32, #tpu.memory_space<hbm>>) target(%arg9 : memref<16x768xf32, #tpu.memory_space<vmem>>) offsets(%dma_start3A_9 : memref<16xi32, #tpu.memory_space<vmem>>) semaphore(%arg15 : memref<!tpu.dma_semaphore, #tpu.memory_space<semaphore_mem>>)
    %add3A_13 = arith.constant 16 : i32
    %add3A_14 = arith.addi %mul3A_2, %add3A_13 : i32
    %dma_start3A_15 = arith.constant 0 : i32
    %dma_start3A_16 = tpu.memref_slice %arg2[%add3A_14, %dma_start3A_15] : memref<16384x768xf32, #tpu.memory_space<hbm>> -> memref<16x768xf32, #tpu.memory_space<hbm>>
    %dma_start3A_17 = arith.constant 0 : i32
    %dma_start3A_18 = tpu.memref_slice %arg2[%add3A_14, %dma_start3A_17] : memref<16384x768xf32, #tpu.memory_space<hbm>> -> memref<16x768xf32, #tpu.memory_space<hbm>>
    tpu.enqueue_dma source(%dma_start3A_18 : memref<16x768xf32, #tpu.memory_space<hbm>>) target(%arg8 : memref<16x768xf32, #tpu.memory_space<vmem>>) target_semaphore(%arg14 : memref<!tpu.dma_semaphore, #tpu.memory_space<semaphore_mem>>)
    %dma_start3A_19 = arith.constant 16 : i32
    %dma_start3A_20 = tpu.memref_slice %arg6[%dma_start3A_19] : memref<128xi32, #tpu.memory_space<vmem>> -> memref<16xi32, #tpu.memory_space<vmem>>
    %dma_start3A_21 = arith.constant 0 : i32
    %dma_start3A_22 = arith.constant 0 : i32
    %dma_start3A_23 = tpu.memref_slice %arg4[%dma_start3A_21, %dma_start3A_22] : memref<512x768xf32, #tpu.memory_space<hbm>> -> memref<512x768xf32, #tpu.memory_space<hbm>>
    tpu.enqueue_indirect_dma source(%dma_start3A_23 : memref<512x768xf32, #tpu.memory_space<hbm>>) target(%arg10 : memref<16x768xf32, #tpu.memory_space<vmem>>) offsets(%dma_start3A_20 : memref<16xi32, #tpu.memory_space<vmem>>) semaphore(%arg16 : memref<!tpu.dma_semaphore, #tpu.memory_space<semaphore_mem>>)
    %scan3A = arith.constant 0 : i32
    %scan3A_24 = arith.constant 0 : i32
    %scan3A_25 = arith.constant 4 : i32
    %scan3A_26 = arith.addi %scan3A_24, %scan3A_25 : i32
    %scan3A_27 = arith.constant 1 : i32
    scf.for %scan3A_36 = %scan3A_24 to %scan3A_26 step %scan3A_27  : i32 {
      %mul3A_37 = arith.constant 2 : i32
      %mul3A_38 = arith.muli %scan3A_36, %mul3A_37 : i32
      %add3A_39 = arith.constant 0 : i32
      %add3A_40 = arith.addi %mul3A_38, %add3A_39 : i32
      %dma_wait3A_41 = arith.constant 0 : i32
      %dma_wait3A_42 = tpu.memref_slice %arg2[%mul3A_2, %dma_wait3A_41] : memref<16384x768xf32, #tpu.memory_space<hbm>> -> memref<16x768xf32, #tpu.memory_space<hbm>>
      %dma_wait3A_43 = arith.constant 0 : i32
      %dma_wait3A_44 = tpu.memref_slice %arg2[%mul3A_2, %dma_wait3A_43] : memref<16384x768xf32, #tpu.memory_space<hbm>> -> memref<16x768xf32, #tpu.memory_space<hbm>>
      tpu.wait_dma2 semaphore(%arg13 : memref<!tpu.dma_semaphore, #tpu.memory_space<semaphore_mem>>) src(%dma_wait3A_44 : memref<16x768xf32, #tpu.memory_space<hbm>>) dst(%arg7 : memref<16x768xf32, #tpu.memory_space<vmem>>)
      %dma_wait3A_45 = arith.constant 0 : i32
      %dma_wait3A_46 = tpu.memref_slice %arg6[%dma_wait3A_45] : memref<128xi32, #tpu.memory_space<vmem>> -> memref<16xi32, #tpu.memory_space<vmem>>
      %dma_wait3A_47 = arith.constant 0 : i32
      %dma_wait3A_48 = arith.constant 0 : i32
      %dma_wait3A_49 = tpu.memref_slice %arg4[%dma_wait3A_47, %dma_wait3A_48] : memref<512x768xf32, #tpu.memory_space<hbm>> -> memref<512x768xf32, #tpu.memory_space<hbm>>
      tpu.wait_indirect_dma semaphore(%arg15 : memref<!tpu.dma_semaphore, #tpu.memory_space<semaphore_mem>>) src(%dma_wait3A_49 : memref<512x768xf32, #tpu.memory_space<hbm>>) dst(%arg9 : memref<16x768xf32, #tpu.memory_space<vmem>>)
      %gt3A = arith.constant 0 : i32
      %gt3A_50 = arith.cmpi sgt, %scan3A_36, %gt3A : i32
      %convert_element_type3A = arith.extui %gt3A_50 : i1 to i32
      %cond3A = arith.constant 0 : i32
      %cond3A_51 = arith.cmpi ne, %convert_element_type3A, %cond3A : i32
      scf.if %cond3A_51 {
        %dma_wait3A_105 = arith.constant 0 : i32
        %dma_wait3A_106 = tpu.memref_slice %arg5[%mul3A_2, %dma_wait3A_105] : memref<4096x768xf32, #tpu.memory_space<hbm>> -> memref<16x768xf32, #tpu.memory_space<hbm>>
        %dma_wait3A_107 = arith.constant 0 : i32
        %dma_wait3A_108 = tpu.memref_slice %arg5[%mul3A_2, %dma_wait3A_107] : memref<4096x768xf32, #tpu.memory_space<hbm>> -> memref<16x768xf32, #tpu.memory_space<hbm>>
        tpu.wait_dma2 semaphore(%arg17 : memref<!tpu.dma_semaphore, #tpu.memory_space<semaphore_mem>>) src(%arg11 : memref<16x768xf32, #tpu.memory_space<vmem>>) dst(%dma_wait3A_108 : memref<16x768xf32, #tpu.memory_space<hbm>>)
      } else {
      }
      %scan3A_52 = arith.constant 0 : i32
      %scan3A_53 = arith.constant 0 : i32
      %scan3A_54 = arith.constant 16 : i32
      %scan3A_55 = arith.addi %scan3A_53, %scan3A_54 : i32
      %scan3A_56 = arith.constant 1 : i32
      scf.for %scan3A_105 = %scan3A_53 to %scan3A_55 step %scan3A_56  : i32 {
        %get3A = arith.index_cast %scan3A_105 : i32 to index
        %get3A_106 = arith.constant 0 : index
        %get3A_107 = tpu.vector_load %arg7[%get3A, %get3A_106] {strides = array<i32>} : memref<16x768xf32, #tpu.memory_space<vmem>>, vector<1x16xf32>,
        %get3A_108 = vector.shape_cast %get3A_107 : vector<1x16xf32> to vector<16xf32>
        %get3A_109 = arith.index_cast %scan3A_105 : i32 to index
        %get3A_110 = arith.constant 0 : index
        %get3A_111 = tpu.vector_load %arg9[%get3A_109, %get3A_110] {strides = array<i32>} : memref<16x768xf32, #tpu.memory_space<vmem>>, vector<1x16xf32>,
        %get3A_112 = vector.shape_cast %get3A_111 : vector<1x16xf32> to vector<16xf32>
        %add3A_113 = arith.addf %get3A_108, %get3A_112 : vector<16xf32>
        %swap3A = arith.index_cast %scan3A_105 : i32 to index
        %swap3A_114 = arith.constant 0 : index
        %swap3A_115 = tpu.vector_load %arg11[%swap3A, %swap3A_114] {strides = array<i32>} : memref<16x768xf32, #tpu.memory_space<vmem>>, vector<1x16xf32>,
        %swap3A_116 = vector.shape_cast %swap3A_115 : vector<1x16xf32> to vector<16xf32>
        %swap3A_117 = vector.shape_cast %add3A_113 : vector<16xf32> to vector<1x16xf32>
        tpu.vector_store %arg11[%swap3A, %swap3A_114], %swap3A_117 {strides = array<i32>} : memref<16x768xf32, #tpu.memory_space<vmem>>, vector<1x16xf32>,
        %get3A_118 = arith.index_cast %scan3A_105 : i32 to index
        %get3A_119 = arith.constant 16 : index
        %get3A_120 = tpu.vector_load %arg7[%get3A_118, %get3A_119] {strides = array<i32>} : memref<16x768xf32, #tpu.memory_space<vmem>>, vector<1x16xf32>,
        %get3A_121 = vector.shape_cast %get3A_120 : vector<1x16xf32> to vector<16xf32>
        %get3A_122 = arith.index_cast %scan3A_105 : i32 to index
        %get3A_123 = arith.constant 16 : index
        %get3A_124 = tpu.vector_load %arg9[%get3A_122, %get3A_123] {strides = array<i32>} : memref<16x768xf32, #tpu.memory_space<vmem>>, vector<1x16xf32>,
        %get3A_125 = vector.shape_cast %get3A_124 : vector<1x16xf32> to vector<16xf32>
        %add3A_126 = arith.addf %get3A_121, %get3A_125 : vector<16xf32>
        %swap3A_127 = arith.index_cast %scan3A_105 : i32 to index
        %swap3A_128 = arith.constant 16 : index
        %swap3A_129 = tpu.vector_load %arg11[%swap3A_127, %swap3A_128] {strides = array<i32>} : memref<16x768xf32, #tpu.memory_space<vmem>>, vector<1x16xf32>,
        %swap3A_130 = vector.shape_cast %swap3A_129 : vector<1x16xf32> to vector<16xf32>
        %swap3A_131 = vector.shape_cast %add3A_126 : vector<16xf32> to vector<1x16xf32>
        tpu.vector_store %arg11[%swap3A_127, %swap3A_128], %swap3A_131 {strides = array<i32>} : memref<16x768xf32, #tpu.memory_space<vmem>>, vector<1x16xf32>,
        %get3A_132 = arith.index_cast %scan3A_105 : i32 to index
        %get3A_133 = arith.constant 32 : index
        %get3A_134 = tpu.vector_load %arg7[%get3A_132, %get3A_133] {strides = array<i32>} : memref<16x768xf32, #tpu.memory_space<vmem>>, vector<1x16xf32>,
        %get3A_135 = vector.shape_cast %get3A_134 : vector<1x16xf32> to vector<16xf32>
        %get3A_136 = arith.index_cast %scan3A_105 : i32 to index
        %get3A_137 = arith.constant 32 : index
        %get3A_138 = tpu.vector_load %arg9[%get3A_136, %get3A_137] {strides = array<i32>} : memref<16x768xf32, #tpu.memory_space<vmem>>, vector<1x16xf32>,
        %get3A_139 = vector.shape_cast %get3A_138 : vector<1x16xf32> to vector<16xf32>
        %add3A_140 = arith.addf %get3A_135, %get3A_139 : vector<16xf32>
        %swap3A_141 = arith.index_cast %scan3A_105 : i32 to index
        %swap3A_142 = arith.constant 32 : index
        %swap3A_143 = tpu.vector_load %arg11[%swap3A_141, %swap3A_142] {strides = array<i32>} : memref<16x768xf32, #tpu.memory_space<vmem>>, vector<1x16xf32>,
        %swap3A_144 = vector.shape_cast %swap3A_143 : vector<1x16xf32> to vector<16xf32>
        %swap3A_145 = vector.shape_cast %add3A_140 : vector<16xf32> to vector<1x16xf32>
        tpu.vector_store %arg11[%swap3A_141, %swap3A_142], %swap3A_145 {strides = array<i32>} : memref<16x768xf32, #tpu.memory_space<vmem>>, vector<1x16xf32>,
        %get3A_146 = arith.index_cast %scan3A_105 : i32 to index
        %get3A_147 = arith.constant 48 : index
        %get3A_148 = tpu.vector_load %arg7[%get3A_146, %get3A_147] {strides = array<i32>} : memref<16x768xf32, #tpu.memory_space<vmem>>, vector<1x16xf32>,
        %get3A_149 = vector.shape_cast %get3A_148 : vector<1x16xf32> to vector<16xf32>
        %get3A_150 = arith.index_cast %scan3A_105 : i32 to index
        %get3A_151 = arith.constant 48 : index
        %get3A_152 = tpu.vector_load %arg9[%get3A_150, %get3A_151] {strides = array<i32>} : memref<16x768xf32, #tpu.memory_space<vmem>>, vector<1x16xf32>,
        %get3A_153 = vector.shape_cast %get3A_152 : vector<1x16xf32> to vector<16xf32>
        %add3A_154 = arith.addf %get3A_149, %get3A_153 : vector<16xf32>
        %swap3A_155 = arith.index_cast %scan3A_105 : i32 to index
        %swap3A_156 = arith.constant 48 : index
        %swap3A_157 = tpu.vector_load %arg11[%swap3A_155, %swap3A_156] {strides = array<i32>} : memref<16x768xf32, #tpu.memory_space<vmem>>, vector<1x16xf32>,
        %swap3A_158 = vector.shape_cast %swap3A_157 : vector<1x16xf32> to vector<16xf32>
        %swap3A_159 = vector.shape_cast %add3A_154 : vector<16xf32> to vector<1x16xf32>
        tpu.vector_store %arg11[%swap3A_155, %swap3A_156], %swap3A_159 {strides = array<i32>} : memref<16x768xf32, #tpu.memory_space<vmem>>, vector<1x16xf32>,
        %get3A_160 = arith.index_cast %scan3A_105 : i32 to index
        %get3A_161 = arith.constant 64 : index
        %get3A_162 = tpu.vector_load %arg7[%get3A_160, %get3A_161] {strides = array<i32>} : memref<16x768xf32, #tpu.memory_space<vmem>>, vector<1x16xf32>,
        %get3A_163 = vector.shape_cast %get3A_162 : vector<1x16xf32> to vector<16xf32>
        %get3A_164 = arith.index_cast %scan3A_105 : i32 to index
        %get3A_165 = arith.constant 64 : index
        %get3A_166 = tpu.vector_load %arg9[%get3A_164, %get3A_165] {strides = array<i32>} : memref<16x768xf32, #tpu.memory_space<vmem>>, vector<1x16xf32>,
        %get3A_167 = vector.shape_cast %get3A_166 : vector<1x16xf32> to vector<16xf32>
        %add3A_168 = arith.addf %get3A_163, %get3A_167 : vector<16xf32>
        %swap3A_169 = arith.index_cast %scan3A_105 : i32 to index
        %swap3A_170 = arith.constant 64 : index
        %swap3A_171 = tpu.vector_load %arg11[%swap3A_169, %swap3A_170] {strides = array<i32>} : memref<16x768xf32, #tpu.memory_space<vmem>>, vector<1x16xf32>,
        %swap3A_172 = vector.shape_cast %swap3A_171 : vector<1x16xf32> to vector<16xf32>
        %swap3A_173 = vector.shape_cast %add3A_168 : vector<16xf32> to vector<1x16xf32>
        tpu.vector_store %arg11[%swap3A_169, %swap3A_170], %swap3A_173 {strides = array<i32>} : memref<16x768xf32, #tpu.memory_space<vmem>>, vector<1x16xf32>,
        %get3A_174 = arith.index_cast %scan3A_105 : i32 to index
        %get3A_175 = arith.constant 80 : index
        %get3A_176 = tpu.vector_load %arg7[%get3A_174, %get3A_175] {strides = array<i32>} : memref<16x768xf32, #tpu.memory_space<vmem>>, vector<1x16xf32>,
        %get3A_177 = vector.shape_cast %get3A_176 : vector<1x16xf32> to vector<16xf32>
        %get3A_178 = arith.index_cast %scan3A_105 : i32 to index
        %get3A_179 = arith.constant 80 : index
        %get3A_180 = tpu.vector_load %arg9[%get3A_178, %get3A_179] {strides = array<i32>} : memref<16x768xf32, #tpu.memory_space<vmem>>, vector<1x16xf32>,
        %get3A_181 = vector.shape_cast %get3A_180 : vector<1x16xf32> to vector<16xf32>
        %add3A_182 = arith.addf %get3A_177, %get3A_181 : vector<16xf32>
        %swap3A_183 = arith.index_cast %scan3A_105 : i32 to index
        %swap3A_184 = arith.constant 80 : index
        %swap3A_185 = tpu.vector_load %arg11[%swap3A_183, %swap3A_184] {strides = array<i32>} : memref<16x768xf32, #tpu.memory_space<vmem>>, vector<1x16xf32>,
        %swap3A_186 = vector.shape_cast %swap3A_185 : vector<1x16xf32> to vector<16xf32>
        %swap3A_187 = vector.shape_cast %add3A_182 : vector<16xf32> to vector<1x16xf32>
        tpu.vector_store %arg11[%swap3A_183, %swap3A_184], %swap3A_187 {strides = array<i32>} : memref<16x768xf32, #tpu.memory_space<vmem>>, vector<1x16xf32>,
        %get3A_188 = arith.index_cast %scan3A_105 : i32 to index
        %get3A_189 = arith.constant 96 : index
        %get3A_190 = tpu.vector_load %arg7[%get3A_188, %get3A_189] {strides = array<i32>} : memref<16x768xf32, #tpu.memory_space<vmem>>, vector<1x16xf32>,
        %get3A_191 = vector.shape_cast %get3A_190 : vector<1x16xf32> to vector<16xf32>
        %get3A_192 = arith.index_cast %scan3A_105 : i32 to index
        %get3A_193 = arith.constant 96 : index
        %get3A_194 = tpu.vector_load %arg9[%get3A_192, %get3A_193] {strides = array<i32>} : memref<16x768xf32, #tpu.memory_space<vmem>>, vector<1x16xf32>,
        %get3A_195 = vector.shape_cast %get3A_194 : vector<1x16xf32> to vector<16xf32>
        %add3A_196 = arith.addf %get3A_191, %get3A_195 : vector<16xf32>
        %swap3A_197 = arith.index_cast %scan3A_105 : i32 to index
        %swap3A_198 = arith.constant 96 : index
        %swap3A_199 = tpu.vector_load %arg11[%swap3A_197, %swap3A_198] {strides = array<i32>} : memref<16x768xf32, #tpu.memory_space<vmem>>, vector<1x16xf32>,
        %swap3A_200 = vector.shape_cast %swap3A_199 : vector<1x16xf32> to vector<16xf32>
        %swap3A_201 = vector.shape_cast %add3A_196 : vector<16xf32> to vector<1x16xf32>
        tpu.vector_store %arg11[%swap3A_197, %swap3A_198], %swap3A_201 {strides = array<i32>} : memref<16x768xf32, #tpu.memory_space<vmem>>, vector<1x16xf32>,
        %get3A_202 = arith.index_cast %scan3A_105 : i32 to index
        %get3A_203 = arith.constant 112 : index
        %get3A_204 = tpu.vector_load %arg7[%get3A_202, %get3A_203] {strides = array<i32>} : memref<16x768xf32, #tpu.memory_space<vmem>>, vector<1x16xf32>,
        %get3A_205 = vector.shape_cast %get3A_204 : vector<1x16xf32> to vector<16xf32>
        %get3A_206 = arith.index_cast %scan3A_105 : i32 to index
        %get3A_207 = arith.constant 112 : index
        %get3A_208 = tpu.vector_load %arg9[%get3A_206, %get3A_207] {strides = array<i32>} : memref<16x768xf32, #tpu.memory_space<vmem>>, vector<1x16xf32>,
        %get3A_209 = vector.shape_cast %get3A_208 : vector<1x16xf32> to vector<16xf32>
        %add3A_210 = arith.addf %get3A_205, %get3A_209 : vector<16xf32>
        %swap3A_211 = arith.index_cast %scan3A_105 : i32 to index
        %swap3A_212 = arith.constant 112 : index
        %swap3A_213 = tpu.vector_load %arg11[%swap3A_211, %swap3A_212] {strides = array<i32>} : memref<16x768xf32, #tpu.memory_space<vmem>>, vector<1x16xf32>,
        %swap3A_214 = vector.shape_cast %swap3A_213 : vector<1x16xf32> to vector<16xf32>
        %swap3A_215 = vector.shape_cast %add3A_210 : vector<16xf32> to vector<1x16xf32>
        tpu.vector_store %arg11[%swap3A_211, %swap3A_212], %swap3A_215 {strides = array<i32>} : memref<16x768xf32, #tpu.memory_space<vmem>>, vector<1x16xf32>,
        %get3A_216 = arith.index_cast %scan3A_105 : i32 to index
        %get3A_217 = arith.constant 128 : index
        %get3A_218 = tpu.vector_load %arg7[%get3A_216, %get3A_217] {strides = array<i32>} : memref<16x768xf32, #tpu.memory_space<vmem>>, vector<1x16xf32>,
        %get3A_219 = vector.shape_cast %get3A_218 : vector<1x16xf32> to vector<16xf32>
        %get3A_220 = arith.index_cast %scan3A_105 : i32 to index
        %get3A_221 = arith.constant 128 : index
        %get3A_222 = tpu.vector_load %arg9[%get3A_220, %get3A_221] {strides = array<i32>} : memref<16x768xf32, #tpu.memory_space<vmem>>, vector<1x16xf32>,
        %get3A_223 = vector.shape_cast %get3A_222 : vector<1x16xf32> to vector<16xf32>
        %add3A_224 = arith.addf %get3A_219, %get3A_223 : vector<16xf32>
        %swap3A_225 = arith.index_cast %scan3A_105 : i32 to index
        %swap3A_226 = arith.constant 128 : index
        %swap3A_227 = tpu.vector_load %arg11[%swap3A_225, %swap3A_226] {strides = array<i32>} : memref<16x768xf32, #tpu.memory_space<vmem>>, vector<1x16xf32>,
        %swap3A_228 = vector.shape_cast %swap3A_227 : vector<1x16xf32> to vector<16xf32>
        %swap3A_229 = vector.shape_cast %add3A_224 : vector<16xf32> to vector<1x16xf32>
        tpu.vector_store %arg11[%swap3A_225, %swap3A_226], %swap3A_229 {strides = array<i32>} : memref<16x768xf32, #tpu.memory_space<vmem>>, vector<1x16xf32>,
        %get3A_230 = arith.index_cast %scan3A_105 : i32 to index
        %get3A_231 = arith.constant 144 : index
        %get3A_232 = tpu.vector_load %arg7[%get3A_230, %get3A_231] {strides = array<i32>} : memref<16x768xf32, #tpu.memory_space<vmem>>, vector<1x16xf32>,
        %get3A_233 = vector.shape_cast %get3A_232 : vector<1x16xf32> to vector<16xf32>
        %get3A_234 = arith.index_cast %scan3A_105 : i32 to index
        %get3A_235 = arith.constant 144 : index
        %get3A_236 = tpu.vector_load %arg9[%get3A_234, %get3A_235] {strides = array<i32>} : memref<16x768xf32, #tpu.memory_space<vmem>>, vector<1x16xf32>,
        %get3A_237 = vector.shape_cast %get3A_236 : vector<1x16xf32> to vector<16xf32>
        %add3A_238 = arith.addf %get3A_233, %get3A_237 : vector<16xf32>
        %swap3A_239 = arith.index_cast %scan3A_105 : i32 to index
        %swap3A_240 = arith.constant 144 : index
        %swap3A_241 = tpu.vector_load %arg11[%swap3A_239, %swap3A_240] {strides = array<i32>} : memref<16x768xf32, #tpu.memory_space<vmem>>, vector<1x16xf32>,
        %swap3A_242 = vector.shape_cast %swap3A_241 : vector<1x16xf32> to vector<16xf32>
        %swap3A_243 = vector.shape_cast %add3A_238 : vector<16xf32> to vector<1x16xf32>
        tpu.vector_store %arg11[%swap3A_239, %swap3A_240], %swap3A_243 {strides = array<i32>} : memref<16x768xf32, #tpu.memory_space<vmem>>, vector<1x16xf32>,
        %get3A_244 = arith.index_cast %scan3A_105 : i32 to index
        %get3A_245 = arith.constant 160 : index
        %get3A_246 = tpu.vector_load %arg7[%get3A_244, %get3A_245] {strides = array<i32>} : memref<16x768xf32, #tpu.memory_space<vmem>>, vector<1x16xf32>,
        %get3A_247 = vector.shape_cast %get3A_246 : vector<1x16xf32> to vector<16xf32>
        %get3A_248 = arith.index_cast %scan3A_105 : i32 to index
        %get3A_249 = arith.constant 160 : index
        %get3A_250 = tpu.vector_load %arg9[%get3A_248, %get3A_249] {strides = array<i32>} : memref<16x768xf32, #tpu.memory_space<vmem>>, vector<1x16xf32>,
        %get3A_251 = vector.shape_cast %get3A_250 : vector<1x16xf32> to vector<16xf32>
        %add3A_252 = arith.addf %get3A_247, %get3A_251 : vector<16xf32>
        %swap3A_253 = arith.index_cast %scan3A_105 : i32 to index
        %swap3A_254 = arith.constant 160 : index
        %swap3A_255 = tpu.vector_load %arg11[%swap3A_253, %swap3A_254] {strides = array<i32>} : memref<16x768xf32, #tpu.memory_space<vmem>>, vector<1x16xf32>,
        %swap3A_256 = vector.shape_cast %swap3A_255 : vector<1x16xf32> to vector<16xf32>
        %swap3A_257 = vector.shape_cast %add3A_252 : vector<16xf32> to vector<1x16xf32>
        tpu.vector_store %arg11[%swap3A_253, %swap3A_254], %swap3A_257 {strides = array<i32>} : memref<16x768xf32, #tpu.memory_space<vmem>>, vector<1x16xf32>,
        %get3A_258 = arith.index_cast %scan3A_105 : i32 to index
        %get3A_259 = arith.constant 176 : index
        %get3A_260 = tpu.vector_load %arg7[%get3A_258, %get3A_259] {strides = array<i32>} : memref<16x768xf32, #tpu.memory_space<vmem>>, vector<1x16xf32>,
        %get3A_261 = vector.shape_cast %get3A_260 : vector<1x16xf32> to vector<16xf32>
        %get3A_262 = arith.index_cast %scan3A_105 : i32 to index
        %get3A_263 = arith.constant 176 : index
        %get3A_264 = tpu.vector_load %arg9[%get3A_262, %get3A_263] {strides = array<i32>} : memref<16x768xf32, #tpu.memory_space<vmem>>, vector<1x16xf32>,
        %get3A_265 = vector.shape_cast %get3A_264 : vector<1x16xf32> to vector<16xf32>
        %add3A_266 = arith.addf %get3A_261, %get3A_265 : vector<16xf32>
        %swap3A_267 = arith.index_cast %scan3A_105 : i32 to index
        %swap3A_268 = arith.constant 176 : index
        %swap3A_269 = tpu.vector_load %arg11[%swap3A_267, %swap3A_268] {strides = array<i32>} : memref<16x768xf32, #tpu.memory_space<vmem>>, vector<1x16xf32>,
        %swap3A_270 = vector.shape_cast %swap3A_269 : vector<1x16xf32> to vector<16xf32>
        %swap3A_271 = vector.shape_cast %add3A_266 : vector<16xf32> to vector<1x16xf32>
        tpu.vector_store %arg11[%swap3A_267, %swap3A_268], %swap3A_271 {strides = array<i32>} : memref<16x768xf32, #tpu.memory_space<vmem>>, vector<1x16xf32>,
        %get3A_272 = arith.index_cast %scan3A_105 : i32 to index
        %get3A_273 = arith.constant 192 : index
        %get3A_274 = tpu.vector_load %arg7[%get3A_272, %get3A_273] {strides = array<i32>} : memref<16x768xf32, #tpu.memory_space<vmem>>, vector<1x16xf32>,
        %get3A_275 = vector.shape_cast %get3A_274 : vector<1x16xf32> to vector<16xf32>
        %get3A_276 = arith.index_cast %scan3A_105 : i32 to index
        %get3A_277 = arith.constant 192 : index
        %get3A_278 = tpu.vector_load %arg9[%get3A_276, %get3A_277] {strides = array<i32>} : memref<16x768xf32, #tpu.memory_space<vmem>>, vector<1x16xf32>,
        %get3A_279 = vector.shape_cast %get3A_278 : vector<1x16xf32> to vector<16xf32>
        %add3A_280 = arith.addf %get3A_275, %get3A_279 : vector<16xf32>
        %swap3A_281 = arith.index_cast %scan3A_105 : i32 to index
        %swap3A_282 = arith.constant 192 : index
        %swap3A_283 = tpu.vector_load %arg11[%swap3A_281, %swap3A_282] {strides = array<i32>} : memref<16x768xf32, #tpu.memory_space<vmem>>, vector<1x16xf32>,
        %swap3A_284 = vector.shape_cast %swap3A_283 : vector<1x16xf32> to vector<16xf32>
        %swap3A_285 = vector.shape_cast %add3A_280 : vector<16xf32> to vector<1x16xf32>
        tpu.vector_store %arg11[%swap3A_281, %swap3A_282], %swap3A_285 {strides = array<i32>} : memref<16x768xf32, #tpu.memory_space<vmem>>, vector<1x16xf32>,
        %get3A_286 = arith.index_cast %scan3A_105 : i32 to index
        %get3A_287 = arith.constant 208 : index
        %get3A_288 = tpu.vector_load %arg7[%get3A_286, %get3A_287] {strides = array<i32>} : memref<16x768xf32, #tpu.memory_space<vmem>>, vector<1x16xf32>,
        %get3A_289 = vector.shape_cast %get3A_288 : vector<1x16xf32> to vector<16xf32>
        %get3A_290 = arith.index_cast %scan3A_105 : i32 to index
        %get3A_291 = arith.constant 208 : index
        %get3A_292 = tpu.vector_load %arg9[%get3A_290, %get3A_291] {strides = array<i32>} : memref<16x768xf32, #tpu.memory_space<vmem>>, vector<1x16xf32>,
        %get3A_293 = vector.shape_cast %get3A_292 : vector<1x16xf32> to vector<16xf32>
        %add3A_294 = arith.addf %get3A_289, %get3A_293 : vector<16xf32>
        %swap3A_295 = arith.index_cast %scan3A_105 : i32 to index
        %swap3A_296 = arith.constant 208 : index
        %swap3A_297 = tpu.vector_load %arg11[%swap3A_295, %swap3A_296] {strides = array<i32>} : memref<16x768xf32, #tpu.memory_space<vmem>>, vector<1x16xf32>,
        %swap3A_298 = vector.shape_cast %swap3A_297 : vector<1x16xf32> to vector<16xf32>
        %swap3A_299 = vector.shape_cast %add3A_294 : vector<16xf32> to vector<1x16xf32>
        tpu.vector_store %arg11[%swap3A_295, %swap3A_296], %swap3A_299 {strides = array<i32>} : memref<16x768xf32, #tpu.memory_space<vmem>>, vector<1x16xf32>,
        %get3A_300 = arith.index_cast %scan3A_105 : i32 to index
        %get3A_301 = arith.constant 224 : index
        %get3A_302 = tpu.vector_load %arg7[%get3A_300, %get3A_301] {strides = array<i32>} : memref<16x768xf32, #tpu.memory_space<vmem>>, vector<1x16xf32>,
        %get3A_303 = vector.shape_cast %get3A_302 : vector<1x16xf32> to vector<16xf32>
        %get3A_304 = arith.index_cast %scan3A_105 : i32 to index
        %get3A_305 = arith.constant 224 : index
        %get3A_306 = tpu.vector_load %arg9[%get3A_304, %get3A_305] {strides = array<i32>} : memref<16x768xf32, #tpu.memory_space<vmem>>, vector<1x16xf32>,
        %get3A_307 = vector.shape_cast %get3A_306 : vector<1x16xf32> to vector<16xf32>
        %add3A_308 = arith.addf %get3A_303, %get3A_307 : vector<16xf32>
        %swap3A_309 = arith.index_cast %scan3A_105 : i32 to index
        %swap3A_310 = arith.constant 224 : index
        %swap3A_311 = tpu.vector_load %arg11[%swap3A_309, %swap3A_310] {strides = array<i32>} : memref<16x768xf32, #tpu.memory_space<vmem>>, vector<1x16xf32>,
        %swap3A_312 = vector.shape_cast %swap3A_311 : vector<1x16xf32> to vector<16xf32>
        %swap3A_313 = vector.shape_cast %add3A_308 : vector<16xf32> to vector<1x16xf32>
        tpu.vector_store %arg11[%swap3A_309, %swap3A_310], %swap3A_313 {strides = array<i32>} : memref<16x768xf32, #tpu.memory_space<vmem>>, vector<1x16xf32>,
        %get3A_314 = arith.index_cast %scan3A_105 : i32 to index
        %get3A_315 = arith.constant 240 : index
        %get3A_316 = tpu.vector_load %arg7[%get3A_314, %get3A_315] {strides = array<i32>} : memref<16x768xf32, #tpu.memory_space<vmem>>, vector<1x16xf32>,
        %get3A_317 = vector.shape_cast %get3A_316 : vector<1x16xf32> to vector<16xf32>
        %get3A_318 = arith.index_cast %scan3A_105 : i32 to index
        %get3A_319 = arith.constant 240 : index
        %get3A_320 = tpu.vector_load %arg9[%get3A_318, %get3A_319] {strides = array<i32>} : memref<16x768xf32, #tpu.memory_space<vmem>>, vector<1x16xf32>,
        %get3A_321 = vector.shape_cast %get3A_320 : vector<1x16xf32> to vector<16xf32>
        %add3A_322 = arith.addf %get3A_317, %get3A_321 : vector<16xf32>
        %swap3A_323 = arith.index_cast %scan3A_105 : i32 to index
        %swap3A_324 = arith.constant 240 : index
        %swap3A_325 = tpu.vector_load %arg11[%swap3A_323, %swap3A_324] {strides = array<i32>} : memref<16x768xf32, #tpu.memory_space<vmem>>, vector<1x16xf32>,
        %swap3A_326 = vector.shape_cast %swap3A_325 : vector<1x16xf32> to vector<16xf32>
        %swap3A_327 = vector.shape_cast %add3A_322 : vector<16xf32> to vector<1x16xf32>
        tpu.vector_store %arg11[%swap3A_323, %swap3A_324], %swap3A_327 {strides = array<i32>} : memref<16x768xf32, #tpu.memory_space<vmem>>, vector<1x16xf32>,
        %get3A_328 = arith.index_cast %scan3A_105 : i32 to index
        %get3A_329 = arith.constant 256 : index
        %get3A_330 = tpu.vector_load %arg7[%get3A_328, %get3A_329] {strides = array<i32>} : memref<16x768xf32, #tpu.memory_space<vmem>>, vector<1x16xf32>,
        %get3A_331 = vector.shape_cast %get3A_330 : vector<1x16xf32> to vector<16xf32>
        %get3A_332 = arith.index_cast %scan3A_105 : i32 to index
        %get3A_333 = arith.constant 256 : index
        %get3A_334 = tpu.vector_load %arg9[%get3A_332, %get3A_333] {strides = array<i32>} : memref<16x768xf32, #tpu.memory_space<vmem>>, vector<1x16xf32>,
        %get3A_335 = vector.shape_cast %get3A_334 : vector<1x16xf32> to vector<16xf32>
        %add3A_336 = arith.addf %get3A_331, %get3A_335 : vector<16xf32>
        %swap3A_337 = arith.index_cast %scan3A_105 : i32 to index
        %swap3A_338 = arith.constant 256 : index
        %swap3A_339 = tpu.vector_load %arg11[%swap3A_337, %swap3A_338] {strides = array<i32>} : memref<16x768xf32, #tpu.memory_space<vmem>>, vector<1x16xf32>,
        %swap3A_340 = vector.shape_cast %swap3A_339 : vector<1x16xf32> to vector<16xf32>
        %swap3A_341 = vector.shape_cast %add3A_336 : vector<16xf32> to vector<1x16xf32>
        tpu.vector_store %arg11[%swap3A_337, %swap3A_338], %swap3A_341 {strides = array<i32>} : memref<16x768xf32, #tpu.memory_space<vmem>>, vector<1x16xf32>,
        %get3A_342 = arith.index_cast %scan3A_105 : i32 to index
        %get3A_343 = arith.constant 272 : index
        %get3A_344 = tpu.vector_load %arg7[%get3A_342, %get3A_343] {strides = array<i32>} : memref<16x768xf32, #tpu.memory_space<vmem>>, vector<1x16xf32>,
        %get3A_345 = vector.shape_cast %get3A_344 : vector<1x16xf32> to vector<16xf32>
        %get3A_346 = arith.index_cast %scan3A_105 : i32 to index
        %get3A_347 = arith.constant 272 : index
        %get3A_348 = tpu.vector_load %arg9[%get3A_346, %get3A_347] {strides = array<i32>} : memref<16x768xf32, #tpu.memory_space<vmem>>, vector<1x16xf32>,
        %get3A_349 = vector.shape_cast %get3A_348 : vector<1x16xf32> to vector<16xf32>
        %add3A_350 = arith.addf %get3A_345, %get3A_349 : vector<16xf32>
        %swap3A_351 = arith.index_cast %scan3A_105 : i32 to index
        %swap3A_352 = arith.constant 272 : index
        %swap3A_353 = tpu.vector_load %arg11[%swap3A_351, %swap3A_352] {strides = array<i32>} : memref<16x768xf32, #tpu.memory_space<vmem>>, vector<1x16xf32>,
        %swap3A_354 = vector.shape_cast %swap3A_353 : vector<1x16xf32> to vector<16xf32>
        %swap3A_355 = vector.shape_cast %add3A_350 : vector<16xf32> to vector<1x16xf32>
        tpu.vector_store %arg11[%swap3A_351, %swap3A_352], %swap3A_355 {strides = array<i32>} : memref<16x768xf32, #tpu.memory_space<vmem>>, vector<1x16xf32>,
        %get3A_356 = arith.index_cast %scan3A_105 : i32 to index
        %get3A_357 = arith.constant 288 : index
        %get3A_358 = tpu.vector_load %arg7[%get3A_356, %get3A_357] {strides = array<i32>} : memref<16x768xf32, #tpu.memory_space<vmem>>, vector<1x16xf32>,
        %get3A_359 = vector.shape_cast %get3A_358 : vector<1x16xf32> to vector<16xf32>
        %get3A_360 = arith.index_cast %scan3A_105 : i32 to index
        %get3A_361 = arith.constant 288 : index
        %get3A_362 = tpu.vector_load %arg9[%get3A_360, %get3A_361] {strides = array<i32>} : memref<16x768xf32, #tpu.memory_space<vmem>>, vector<1x16xf32>,
        %get3A_363 = vector.shape_cast %get3A_362 : vector<1x16xf32> to vector<16xf32>
        %add3A_364 = arith.addf %get3A_359, %get3A_363 : vector<16xf32>
        %swap3A_365 = arith.index_cast %scan3A_105 : i32 to index
        %swap3A_366 = arith.constant 288 : index
        %swap3A_367 = tpu.vector_load %arg11[%swap3A_365, %swap3A_366] {strides = array<i32>} : memref<16x768xf32, #tpu.memory_space<vmem>>, vector<1x16xf32>,
        %swap3A_368 = vector.shape_cast %swap3A_367 : vector<1x16xf32> to vector<16xf32>
        %swap3A_369 = vector.shape_cast %add3A_364 : vector<16xf32> to vector<1x16xf32>
        tpu.vector_store %arg11[%swap3A_365, %swap3A_366], %swap3A_369 {strides = array<i32>} : memref<16x768xf32, #tpu.memory_space<vmem>>, vector<1x16xf32>,
        %get3A_370 = arith.index_cast %scan3A_105 : i32 to index
        %get3A_371 = arith.constant 304 : index
        %get3A_372 = tpu.vector_load %arg7[%get3A_370, %get3A_371] {strides = array<i32>} : memref<16x768xf32, #tpu.memory_space<vmem>>, vector<1x16xf32>,
        %get3A_373 = vector.shape_cast %get3A_372 : vector<1x16xf32> to vector<16xf32>
        %get3A_374 = arith.index_cast %scan3A_105 : i32 to index
        %get3A_375 = arith.constant 304 : index
        %get3A_376 = tpu.vector_load %arg9[%get3A_374, %get3A_375] {strides = array<i32>} : memref<16x768xf32, #tpu.memory_space<vmem>>, vector<1x16xf32>,
        %get3A_377 = vector.shape_cast %get3A_376 : vector<1x16xf32> to vector<16xf32>
        %add3A_378 = arith.addf %get3A_373, %get3A_377 : vector<16xf32>
        %swap3A_379 = arith.index_cast %scan3A_105 : i32 to index
        %swap3A_380 = arith.constant 304 : index
        %swap3A_381 = tpu.vector_load %arg11[%swap3A_379, %swap3A_380] {strides = array<i32>} : memref<16x768xf32, #tpu.memory_space<vmem>>, vector<1x16xf32>,
        %swap3A_382 = vector.shape_cast %swap3A_381 : vector<1x16xf32> to vector<16xf32>
        %swap3A_383 = vector.shape_cast %add3A_378 : vector<16xf32> to vector<1x16xf32>
        tpu.vector_store %arg11[%swap3A_379, %swap3A_380], %swap3A_383 {strides = array<i32>} : memref<16x768xf32, #tpu.memory_space<vmem>>, vector<1x16xf32>,
        %get3A_384 = arith.index_cast %scan3A_105 : i32 to index
        %get3A_385 = arith.constant 320 : index
        %get3A_386 = tpu.vector_load %arg7[%get3A_384, %get3A_385] {strides = array<i32>} : memref<16x768xf32, #tpu.memory_space<vmem>>, vector<1x16xf32>,
        %get3A_387 = vector.shape_cast %get3A_386 : vector<1x16xf32> to vector<16xf32>
        %get3A_388 = arith.index_cast %scan3A_105 : i32 to index
        %get3A_389 = arith.constant 320 : index
        %get3A_390 = tpu.vector_load %arg9[%get3A_388, %get3A_389] {strides = array<i32>} : memref<16x768xf32, #tpu.memory_space<vmem>>, vector<1x16xf32>,
        %get3A_391 = vector.shape_cast %get3A_390 : vector<1x16xf32> to vector<16xf32>
        %add3A_392 = arith.addf %get3A_387, %get3A_391 : vector<16xf32>
        %swap3A_393 = arith.index_cast %scan3A_105 : i32 to index
        %swap3A_394 = arith.constant 320 : index
        %swap3A_395 = tpu.vector_load %arg11[%swap3A_393, %swap3A_394] {strides = array<i32>} : memref<16x768xf32, #tpu.memory_space<vmem>>, vector<1x16xf32>,
        %swap3A_396 = vector.shape_cast %swap3A_395 : vector<1x16xf32> to vector<16xf32>
        %swap3A_397 = vector.shape_cast %add3A_392 : vector<16xf32> to vector<1x16xf32>
        tpu.vector_store %arg11[%swap3A_393, %swap3A_394], %swap3A_397 {strides = array<i32>} : memref<16x768xf32, #tpu.memory_space<vmem>>, vector<1x16xf32>,
        %get3A_398 = arith.index_cast %scan3A_105 : i32 to index
        %get3A_399 = arith.constant 336 : index
        %get3A_400 = tpu.vector_load %arg7[%get3A_398, %get3A_399] {strides = array<i32>} : memref<16x768xf32, #tpu.memory_space<vmem>>, vector<1x16xf32>,
        %get3A_401 = vector.shape_cast %get3A_400 : vector<1x16xf32> to vector<16xf32>
        %get3A_402 = arith.index_cast %scan3A_105 : i32 to index
        %get3A_403 = arith.constant 336 : index
        %get3A_404 = tpu.vector_load %arg9[%get3A_402, %get3A_403] {strides = array<i32>} : memref<16x768xf32, #tpu.memory_space<vmem>>, vector<1x16xf32>,
        %get3A_405 = vector.shape_cast %get3A_404 : vector<1x16xf32> to vector<16xf32>
        %add3A_406 = arith.addf %get3A_401, %get3A_405 : vector<16xf32>
        %swap3A_407 = arith.index_cast %scan3A_105 : i32 to index
        %swap3A_408 = arith.constant 336 : index
        %swap3A_409 = tpu.vector_load %arg11[%swap3A_407, %swap3A_408] {strides = array<i32>} : memref<16x768xf32, #tpu.memory_space<vmem>>, vector<1x16xf32>,
        %swap3A_410 = vector.shape_cast %swap3A_409 : vector<1x16xf32> to vector<16xf32>
        %swap3A_411 = vector.shape_cast %add3A_406 : vector<16xf32> to vector<1x16xf32>
        tpu.vector_store %arg11[%swap3A_407, %swap3A_408], %swap3A_411 {strides = array<i32>} : memref<16x768xf32, #tpu.memory_space<vmem>>, vector<1x16xf32>,
        %get3A_412 = arith.index_cast %scan3A_105 : i32 to index
        %get3A_413 = arith.constant 352 : index
        %get3A_414 = tpu.vector_load %arg7[%get3A_412, %get3A_413] {strides = array<i32>} : memref<16x768xf32, #tpu.memory_space<vmem>>, vector<1x16xf32>,
        %get3A_415 = vector.shape_cast %get3A_414 : vector<1x16xf32> to vector<16xf32>
        %get3A_416 = arith.index_cast %scan3A_105 : i32 to index
        %get3A_417 = arith.constant 352 : index
        %get3A_418 = tpu.vector_load %arg9[%get3A_416, %get3A_417] {strides = array<i32>} : memref<16x768xf32, #tpu.memory_space<vmem>>, vector<1x16xf32>,
        %get3A_419 = vector.shape_cast %get3A_418 : vector<1x16xf32> to vector<16xf32>
        %add3A_420 = arith.addf %get3A_415, %get3A_419 : vector<16xf32>
        %swap3A_421 = arith.index_cast %scan3A_105 : i32 to index
        %swap3A_422 = arith.constant 352 : index
        %swap3A_423 = tpu.vector_load %arg11[%swap3A_421, %swap3A_422] {strides = array<i32>} : memref<16x768xf32, #tpu.memory_space<vmem>>, vector<1x16xf32>,
        %swap3A_424 = vector.shape_cast %swap3A_423 : vector<1x16xf32> to vector<16xf32>
        %swap3A_425 = vector.shape_cast %add3A_420 : vector<16xf32> to vector<1x16xf32>
        tpu.vector_store %arg11[%swap3A_421, %swap3A_422], %swap3A_425 {strides = array<i32>} : memref<16x768xf32, #tpu.memory_space<vmem>>, vector<1x16xf32>,
        %get3A_426 = arith.index_cast %scan3A_105 : i32 to index
        %get3A_427 = arith.constant 368 : index
        %get3A_428 = tpu.vector_load %arg7[%get3A_426, %get3A_427] {strides = array<i32>} : memref<16x768xf32, #tpu.memory_space<vmem>>, vector<1x16xf32>,
        %get3A_429 = vector.shape_cast %get3A_428 : vector<1x16xf32> to vector<16xf32>
        %get3A_430 = arith.index_cast %scan3A_105 : i32 to index
        %get3A_431 = arith.constant 368 : index
        %get3A_432 = tpu.vector_load %arg9[%get3A_430, %get3A_431] {strides = array<i32>} : memref<16x768xf32, #tpu.memory_space<vmem>>, vector<1x16xf32>,
        %get3A_433 = vector.shape_cast %get3A_432 : vector<1x16xf32> to vector<16xf32>
        %add3A_434 = arith.addf %get3A_429, %get3A_433 : vector<16xf32>
        %swap3A_435 = arith.index_cast %scan3A_105 : i32 to index
        %swap3A_436 = arith.constant 368 : index
        %swap3A_437 = tpu.vector_load %arg11[%swap3A_435, %swap3A_436] {strides = array<i32>} : memref<16x768xf32, #tpu.memory_space<vmem>>, vector<1x16xf32>,
        %swap3A_438 = vector.shape_cast %swap3A_437 : vector<1x16xf32> to vector<16xf32>
        %swap3A_439 = vector.shape_cast %add3A_434 : vector<16xf32> to vector<1x16xf32>
        tpu.vector_store %arg11[%swap3A_435, %swap3A_436], %swap3A_439 {strides = array<i32>} : memref<16x768xf32, #tpu.memory_space<vmem>>, vector<1x16xf32>,
        %get3A_440 = arith.index_cast %scan3A_105 : i32 to index
        %get3A_441 = arith.constant 384 : index
        %get3A_442 = tpu.vector_load %arg7[%get3A_440, %get3A_441] {strides = array<i32>} : memref<16x768xf32, #tpu.memory_space<vmem>>, vector<1x16xf32>,
        %get3A_443 = vector.shape_cast %get3A_442 : vector<1x16xf32> to vector<16xf32>
        %get3A_444 = arith.index_cast %scan3A_105 : i32 to index
        %get3A_445 = arith.constant 384 : index
        %get3A_446 = tpu.vector_load %arg9[%get3A_444, %get3A_445] {strides = array<i32>} : memref<16x768xf32, #tpu.memory_space<vmem>>, vector<1x16xf32>,
        %get3A_447 = vector.shape_cast %get3A_446 : vector<1x16xf32> to vector<16xf32>
        %add3A_448 = arith.addf %get3A_443, %get3A_447 : vector<16xf32>
        %swap3A_449 = arith.index_cast %scan3A_105 : i32 to index
        %swap3A_450 = arith.constant 384 : index
        %swap3A_451 = tpu.vector_load %arg11[%swap3A_449, %swap3A_450] {strides = array<i32>} : memref<16x768xf32, #tpu.memory_space<vmem>>, vector<1x16xf32>,
        %swap3A_452 = vector.shape_cast %swap3A_451 : vector<1x16xf32> to vector<16xf32>
        %swap3A_453 = vector.shape_cast %add3A_448 : vector<16xf32> to vector<1x16xf32>
        tpu.vector_store %arg11[%swap3A_449, %swap3A_450], %swap3A_453 {strides = array<i32>} : memref<16x768xf32, #tpu.memory_space<vmem>>, vector<1x16xf32>,
        %get3A_454 = arith.index_cast %scan3A_105 : i32 to index
        %get3A_455 = arith.constant 400 : index
        %get3A_456 = tpu.vector_load %arg7[%get3A_454, %get3A_455] {strides = array<i32>} : memref<16x768xf32, #tpu.memory_space<vmem>>, vector<1x16xf32>,
        %get3A_457 = vector.shape_cast %get3A_456 : vector<1x16xf32> to vector<16xf32>
        %get3A_458 = arith.index_cast %scan3A_105 : i32 to index
        %get3A_459 = arith.constant 400 : index
        %get3A_460 = tpu.vector_load %arg9[%get3A_458, %get3A_459] {strides = array<i32>} : memref<16x768xf32, #tpu.memory_space<vmem>>, vector<1x16xf32>,
        %get3A_461 = vector.shape_cast %get3A_460 : vector<1x16xf32> to vector<16xf32>
        %add3A_462 = arith.addf %get3A_457, %get3A_461 : vector<16xf32>
        %swap3A_463 = arith.index_cast %scan3A_105 : i32 to index
        %swap3A_464 = arith.constant 400 : index
        %swap3A_465 = tpu.vector_load %arg11[%swap3A_463, %swap3A_464] {strides = array<i32>} : memref<16x768xf32, #tpu.memory_space<vmem>>, vector<1x16xf32>,
        %swap3A_466 = vector.shape_cast %swap3A_465 : vector<1x16xf32> to vector<16xf32>
        %swap3A_467 = vector.shape_cast %add3A_462 : vector<16xf32> to vector<1x16xf32>
        tpu.vector_store %arg11[%swap3A_463, %swap3A_464], %swap3A_467 {strides = array<i32>} : memref<16x768xf32, #tpu.memory_space<vmem>>, vector<1x16xf32>,
        %get3A_468 = arith.index_cast %scan3A_105 : i32 to index
        %get3A_469 = arith.constant 416 : index
        %get3A_470 = tpu.vector_load %arg7[%get3A_468, %get3A_469] {strides = array<i32>} : memref<16x768xf32, #tpu.memory_space<vmem>>, vector<1x16xf32>,
        %get3A_471 = vector.shape_cast %get3A_470 : vector<1x16xf32> to vector<16xf32>
        %get3A_472 = arith.index_cast %scan3A_105 : i32 to index
        %get3A_473 = arith.constant 416 : index
        %get3A_474 = tpu.vector_load %arg9[%get3A_472, %get3A_473] {strides = array<i32>} : memref<16x768xf32, #tpu.memory_space<vmem>>, vector<1x16xf32>,
        %get3A_475 = vector.shape_cast %get3A_474 : vector<1x16xf32> to vector<16xf32>
        %add3A_476 = arith.addf %get3A_471, %get3A_475 : vector<16xf32>
        %swap3A_477 = arith.index_cast %scan3A_105 : i32 to index
        %swap3A_478 = arith.constant 416 : index
        %swap3A_479 = tpu.vector_load %arg11[%swap3A_477, %swap3A_478] {strides = array<i32>} : memref<16x768xf32, #tpu.memory_space<vmem>>, vector<1x16xf32>,
        %swap3A_480 = vector.shape_cast %swap3A_479 : vector<1x16xf32> to vector<16xf32>
        %swap3A_481 = vector.shape_cast %add3A_476 : vector<16xf32> to vector<1x16xf32>
        tpu.vector_store %arg11[%swap3A_477, %swap3A_478], %swap3A_481 {strides = array<i32>} : memref<16x768xf32, #tpu.memory_space<vmem>>, vector<1x16xf32>,
        %get3A_482 = arith.index_cast %scan3A_105 : i32 to index
        %get3A_483 = arith.constant 432 : index
        %get3A_484 = tpu.vector_load %arg7[%get3A_482, %get3A_483] {strides = array<i32>} : memref<16x768xf32, #tpu.memory_space<vmem>>, vector<1x16xf32>,
        %get3A_485 = vector.shape_cast %get3A_484 : vector<1x16xf32> to vector<16xf32>
        %get3A_486 = arith.index_cast %scan3A_105 : i32 to index
        %get3A_487 = arith.constant 432 : index
        %get3A_488 = tpu.vector_load %arg9[%get3A_486, %get3A_487] {strides = array<i32>} : memref<16x768xf32, #tpu.memory_space<vmem>>, vector<1x16xf32>,
        %get3A_489 = vector.shape_cast %get3A_488 : vector<1x16xf32> to vector<16xf32>
        %add3A_490 = arith.addf %get3A_485, %get3A_489 : vector<16xf32>
        %swap3A_491 = arith.index_cast %scan3A_105 : i32 to index
        %swap3A_492 = arith.constant 432 : index
        %swap3A_493 = tpu.vector_load %arg11[%swap3A_491, %swap3A_492] {strides = array<i32>} : memref<16x768xf32, #tpu.memory_space<vmem>>, vector<1x16xf32>,
        %swap3A_494 = vector.shape_cast %swap3A_493 : vector<1x16xf32> to vector<16xf32>
        %swap3A_495 = vector.shape_cast %add3A_490 : vector<16xf32> to vector<1x16xf32>
        tpu.vector_store %arg11[%swap3A_491, %swap3A_492], %swap3A_495 {strides = array<i32>} : memref<16x768xf32, #tpu.memory_space<vmem>>, vector<1x16xf32>,
        %get3A_496 = arith.index_cast %scan3A_105 : i32 to index
        %get3A_497 = arith.constant 448 : index
        %get3A_498 = tpu.vector_load %arg7[%get3A_496, %get3A_497] {strides = array<i32>} : memref<16x768xf32, #tpu.memory_space<vmem>>, vector<1x16xf32>,
        %get3A_499 = vector.shape_cast %get3A_498 : vector<1x16xf32> to vector<16xf32>
        %get3A_500 = arith.index_cast %scan3A_105 : i32 to index
        %get3A_501 = arith.constant 448 : index
        %get3A_502 = tpu.vector_load %arg9[%get3A_500, %get3A_501] {strides = array<i32>} : memref<16x768xf32, #tpu.memory_space<vmem>>, vector<1x16xf32>,
        %get3A_503 = vector.shape_cast %get3A_502 : vector<1x16xf32> to vector<16xf32>
        %add3A_504 = arith.addf %get3A_499, %get3A_503 : vector<16xf32>
        %swap3A_505 = arith.index_cast %scan3A_105 : i32 to index
        %swap3A_506 = arith.constant 448 : index
        %swap3A_507 = tpu.vector_load %arg11[%swap3A_505, %swap3A_506] {strides = array<i32>} : memref<16x768xf32, #tpu.memory_space<vmem>>, vector<1x16xf32>,
        %swap3A_508 = vector.shape_cast %swap3A_507 : vector<1x16xf32> to vector<16xf32>
        %swap3A_509 = vector.shape_cast %add3A_504 : vector<16xf32> to vector<1x16xf32>
        tpu.vector_store %arg11[%swap3A_505, %swap3A_506], %swap3A_509 {strides = array<i32>} : memref<16x768xf32, #tpu.memory_space<vmem>>, vector<1x16xf32>,
        %get3A_510 = arith.index_cast %scan3A_105 : i32 to index
        %get3A_511 = arith.constant 464 : index
        %get3A_512 = tpu.vector_load %arg7[%get3A_510, %get3A_511] {strides = array<i32>} : memref<16x768xf32, #tpu.memory_space<vmem>>, vector<1x16xf32>,
        %get3A_513 = vector.shape_cast %get3A_512 : vector<1x16xf32> to vector<16xf32>
        %get3A_514 = arith.index_cast %scan3A_105 : i32 to index
        %get3A_515 = arith.constant 464 : index
        %get3A_516 = tpu.vector_load %arg9[%get3A_514, %get3A_515] {strides = array<i32>} : memref<16x768xf32, #tpu.memory_space<vmem>>, vector<1x16xf32>,
        %get3A_517 = vector.shape_cast %get3A_516 : vector<1x16xf32> to vector<16xf32>
        %add3A_518 = arith.addf %get3A_513, %get3A_517 : vector<16xf32>
        %swap3A_519 = arith.index_cast %scan3A_105 : i32 to index
        %swap3A_520 = arith.constant 464 : index
        %swap3A_521 = tpu.vector_load %arg11[%swap3A_519, %swap3A_520] {strides = array<i32>} : memref<16x768xf32, #tpu.memory_space<vmem>>, vector<1x16xf32>,
        %swap3A_522 = vector.shape_cast %swap3A_521 : vector<1x16xf32> to vector<16xf32>
        %swap3A_523 = vector.shape_cast %add3A_518 : vector<16xf32> to vector<1x16xf32>
        tpu.vector_store %arg11[%swap3A_519, %swap3A_520], %swap3A_523 {strides = array<i32>} : memref<16x768xf32, #tpu.memory_space<vmem>>, vector<1x16xf32>,
        %get3A_524 = arith.index_cast %scan3A_105 : i32 to index
        %get3A_525 = arith.constant 480 : index
        %get3A_526 = tpu.vector_load %arg7[%get3A_524, %get3A_525] {strides = array<i32>} : memref<16x768xf32, #tpu.memory_space<vmem>>, vector<1x16xf32>,
        %get3A_527 = vector.shape_cast %get3A_526 : vector<1x16xf32> to vector<16xf32>
        %get3A_528 = arith.index_cast %scan3A_105 : i32 to index
        %get3A_529 = arith.constant 480 : index
        %get3A_530 = tpu.vector_load %arg9[%get3A_528, %get3A_529] {strides = array<i32>} : memref<16x768xf32, #tpu.memory_space<vmem>>, vector<1x16xf32>,
        %get3A_531 = vector.shape_cast %get3A_530 : vector<1x16xf32> to vector<16xf32>
        %add3A_532 = arith.addf %get3A_527, %get3A_531 : vector<16xf32>
        %swap3A_533 = arith.index_cast %scan3A_105 : i32 to index
        %swap3A_534 = arith.constant 480 : index
        %swap3A_535 = tpu.vector_load %arg11[%swap3A_533, %swap3A_534] {strides = array<i32>} : memref<16x768xf32, #tpu.memory_space<vmem>>, vector<1x16xf32>,
        %swap3A_536 = vector.shape_cast %swap3A_535 : vector<1x16xf32> to vector<16xf32>
        %swap3A_537 = vector.shape_cast %add3A_532 : vector<16xf32> to vector<1x16xf32>
        tpu.vector_store %arg11[%swap3A_533, %swap3A_534], %swap3A_537 {strides = array<i32>} : memref<16x768xf32, #tpu.memory_space<vmem>>, vector<1x16xf32>,
        %get3A_538 = arith.index_cast %scan3A_105 : i32 to index
        %get3A_539 = arith.constant 496 : index
        %get3A_540 = tpu.vector_load %arg7[%get3A_538, %get3A_539] {strides = array<i32>} : memref<16x768xf32, #tpu.memory_space<vmem>>, vector<1x16xf32>,
        %get3A_541 = vector.shape_cast %get3A_540 : vector<1x16xf32> to vector<16xf32>
        %get3A_542 = arith.index_cast %scan3A_105 : i32 to index
        %get3A_543 = arith.constant 496 : index
        %get3A_544 = tpu.vector_load %arg9[%get3A_542, %get3A_543] {strides = array<i32>} : memref<16x768xf32, #tpu.memory_space<vmem>>, vector<1x16xf32>,
        %get3A_545 = vector.shape_cast %get3A_544 : vector<1x16xf32> to vector<16xf32>
        %add3A_546 = arith.addf %get3A_541, %get3A_545 : vector<16xf32>
        %swap3A_547 = arith.index_cast %scan3A_105 : i32 to index
        %swap3A_548 = arith.constant 496 : index
        %swap3A_549 = tpu.vector_load %arg11[%swap3A_547, %swap3A_548] {strides = array<i32>} : memref<16x768xf32, #tpu.memory_space<vmem>>, vector<1x16xf32>,
        %swap3A_550 = vector.shape_cast %swap3A_549 : vector<1x16xf32> to vector<16xf32>
        %swap3A_551 = vector.shape_cast %add3A_546 : vector<16xf32> to vector<1x16xf32>
        tpu.vector_store %arg11[%swap3A_547, %swap3A_548], %swap3A_551 {strides = array<i32>} : memref<16x768xf32, #tpu.memory_space<vmem>>, vector<1x16xf32>,
        %get3A_552 = arith.index_cast %scan3A_105 : i32 to index
        %get3A_553 = arith.constant 512 : index
        %get3A_554 = tpu.vector_load %arg7[%get3A_552, %get3A_553] {strides = array<i32>} : memref<16x768xf32, #tpu.memory_space<vmem>>, vector<1x16xf32>,
        %get3A_555 = vector.shape_cast %get3A_554 : vector<1x16xf32> to vector<16xf32>
        %get3A_556 = arith.index_cast %scan3A_105 : i32 to index
        %get3A_557 = arith.constant 512 : index
        %get3A_558 = tpu.vector_load %arg9[%get3A_556, %get3A_557] {strides = array<i32>} : memref<16x768xf32, #tpu.memory_space<vmem>>, vector<1x16xf32>,
        %get3A_559 = vector.shape_cast %get3A_558 : vector<1x16xf32> to vector<16xf32>
        %add3A_560 = arith.addf %get3A_555, %get3A_559 : vector<16xf32>
        %swap3A_561 = arith.index_cast %scan3A_105 : i32 to index
        %swap3A_562 = arith.constant 512 : index
        %swap3A_563 = tpu.vector_load %arg11[%swap3A_561, %swap3A_562] {strides = array<i32>} : memref<16x768xf32, #tpu.memory_space<vmem>>, vector<1x16xf32>,
        %swap3A_564 = vector.shape_cast %swap3A_563 : vector<1x16xf32> to vector<16xf32>
        %swap3A_565 = vector.shape_cast %add3A_560 : vector<16xf32> to vector<1x16xf32>
        tpu.vector_store %arg11[%swap3A_561, %swap3A_562], %swap3A_565 {strides = array<i32>} : memref<16x768xf32, #tpu.memory_space<vmem>>, vector<1x16xf32>,
        %get3A_566 = arith.index_cast %scan3A_105 : i32 to index
        %get3A_567 = arith.constant 528 : index
        %get3A_568 = tpu.vector_load %arg7[%get3A_566, %get3A_567] {strides = array<i32>} : memref<16x768xf32, #tpu.memory_space<vmem>>, vector<1x16xf32>,
        %get3A_569 = vector.shape_cast %get3A_568 : vector<1x16xf32> to vector<16xf32>
        %get3A_570 = arith.index_cast %scan3A_105 : i32 to index
        %get3A_571 = arith.constant 528 : index
        %get3A_572 = tpu.vector_load %arg9[%get3A_570, %get3A_571] {strides = array<i32>} : memref<16x768xf32, #tpu.memory_space<vmem>>, vector<1x16xf32>,
        %get3A_573 = vector.shape_cast %get3A_572 : vector<1x16xf32> to vector<16xf32>
        %add3A_574 = arith.addf %get3A_569, %get3A_573 : vector<16xf32>
        %swap3A_575 = arith.index_cast %scan3A_105 : i32 to index
        %swap3A_576 = arith.constant 528 : index
        %swap3A_577 = tpu.vector_load %arg11[%swap3A_575, %swap3A_576] {strides = array<i32>} : memref<16x768xf32, #tpu.memory_space<vmem>>, vector<1x16xf32>,
        %swap3A_578 = vector.shape_cast %swap3A_577 : vector<1x16xf32> to vector<16xf32>
        %swap3A_579 = vector.shape_cast %add3A_574 : vector<16xf32> to vector<1x16xf32>
        tpu.vector_store %arg11[%swap3A_575, %swap3A_576], %swap3A_579 {strides = array<i32>} : memref<16x768xf32, #tpu.memory_space<vmem>>, vector<1x16xf32>,
        %get3A_580 = arith.index_cast %scan3A_105 : i32 to index
        %get3A_581 = arith.constant 544 : index
        %get3A_582 = tpu.vector_load %arg7[%get3A_580, %get3A_581] {strides = array<i32>} : memref<16x768xf32, #tpu.memory_space<vmem>>, vector<1x16xf32>,
        %get3A_583 = vector.shape_cast %get3A_582 : vector<1x16xf32> to vector<16xf32>
        %get3A_584 = arith.index_cast %scan3A_105 : i32 to index
        %get3A_585 = arith.constant 544 : index
        %get3A_586 = tpu.vector_load %arg9[%get3A_584, %get3A_585] {strides = array<i32>} : memref<16x768xf32, #tpu.memory_space<vmem>>, vector<1x16xf32>,
        %get3A_587 = vector.shape_cast %get3A_586 : vector<1x16xf32> to vector<16xf32>
        %add3A_588 = arith.addf %get3A_583, %get3A_587 : vector<16xf32>
        %swap3A_589 = arith.index_cast %scan3A_105 : i32 to index
        %swap3A_590 = arith.constant 544 : index
        %swap3A_591 = tpu.vector_load %arg11[%swap3A_589, %swap3A_590] {strides = array<i32>} : memref<16x768xf32, #tpu.memory_space<vmem>>, vector<1x16xf32>,
        %swap3A_592 = vector.shape_cast %swap3A_591 : vector<1x16xf32> to vector<16xf32>
        %swap3A_593 = vector.shape_cast %add3A_588 : vector<16xf32> to vector<1x16xf32>
        tpu.vector_store %arg11[%swap3A_589, %swap3A_590], %swap3A_593 {strides = array<i32>} : memref<16x768xf32, #tpu.memory_space<vmem>>, vector<1x16xf32>,
        %get3A_594 = arith.index_cast %scan3A_105 : i32 to index
        %get3A_595 = arith.constant 560 : index
        %get3A_596 = tpu.vector_load %arg7[%get3A_594, %get3A_595] {strides = array<i32>} : memref<16x768xf32, #tpu.memory_space<vmem>>, vector<1x16xf32>,
        %get3A_597 = vector.shape_cast %get3A_596 : vector<1x16xf32> to vector<16xf32>
        %get3A_598 = arith.index_cast %scan3A_105 : i32 to index
        %get3A_599 = arith.constant 560 : index
        %get3A_600 = tpu.vector_load %arg9[%get3A_598, %get3A_599] {strides = array<i32>} : memref<16x768xf32, #tpu.memory_space<vmem>>, vector<1x16xf32>,
        %get3A_601 = vector.shape_cast %get3A_600 : vector<1x16xf32> to vector<16xf32>
        %add3A_602 = arith.addf %get3A_597, %get3A_601 : vector<16xf32>
        %swap3A_603 = arith.index_cast %scan3A_105 : i32 to index
        %swap3A_604 = arith.constant 560 : index
        %swap3A_605 = tpu.vector_load %arg11[%swap3A_603, %swap3A_604] {strides = array<i32>} : memref<16x768xf32, #tpu.memory_space<vmem>>, vector<1x16xf32>,
        %swap3A_606 = vector.shape_cast %swap3A_605 : vector<1x16xf32> to vector<16xf32>
        %swap3A_607 = vector.shape_cast %add3A_602 : vector<16xf32> to vector<1x16xf32>
        tpu.vector_store %arg11[%swap3A_603, %swap3A_604], %swap3A_607 {strides = array<i32>} : memref<16x768xf32, #tpu.memory_space<vmem>>, vector<1x16xf32>,
        %get3A_608 = arith.index_cast %scan3A_105 : i32 to index
        %get3A_609 = arith.constant 576 : index
        %get3A_610 = tpu.vector_load %arg7[%get3A_608, %get3A_609] {strides = array<i32>} : memref<16x768xf32, #tpu.memory_space<vmem>>, vector<1x16xf32>,
        %get3A_611 = vector.shape_cast %get3A_610 : vector<1x16xf32> to vector<16xf32>
        %get3A_612 = arith.index_cast %scan3A_105 : i32 to index
        %get3A_613 = arith.constant 576 : index
        %get3A_614 = tpu.vector_load %arg9[%get3A_612, %get3A_613] {strides = array<i32>} : memref<16x768xf32, #tpu.memory_space<vmem>>, vector<1x16xf32>,
        %get3A_615 = vector.shape_cast %get3A_614 : vector<1x16xf32> to vector<16xf32>
        %add3A_616 = arith.addf %get3A_611, %get3A_615 : vector<16xf32>
        %swap3A_617 = arith.index_cast %scan3A_105 : i32 to index
        %swap3A_618 = arith.constant 576 : index
        %swap3A_619 = tpu.vector_load %arg11[%swap3A_617, %swap3A_618] {strides = array<i32>} : memref<16x768xf32, #tpu.memory_space<vmem>>, vector<1x16xf32>,
        %swap3A_620 = vector.shape_cast %swap3A_619 : vector<1x16xf32> to vector<16xf32>
        %swap3A_621 = vector.shape_cast %add3A_616 : vector<16xf32> to vector<1x16xf32>
        tpu.vector_store %arg11[%swap3A_617, %swap3A_618], %swap3A_621 {strides = array<i32>} : memref<16x768xf32, #tpu.memory_space<vmem>>, vector<1x16xf32>,
        %get3A_622 = arith.index_cast %scan3A_105 : i32 to index
        %get3A_623 = arith.constant 592 : index
        %get3A_624 = tpu.vector_load %arg7[%get3A_622, %get3A_623] {strides = array<i32>} : memref<16x768xf32, #tpu.memory_space<vmem>>, vector<1x16xf32>,
        %get3A_625 = vector.shape_cast %get3A_624 : vector<1x16xf32> to vector<16xf32>
        %get3A_626 = arith.index_cast %scan3A_105 : i32 to index
        %get3A_627 = arith.constant 592 : index
        %get3A_628 = tpu.vector_load %arg9[%get3A_626, %get3A_627] {strides = array<i32>} : memref<16x768xf32, #tpu.memory_space<vmem>>, vector<1x16xf32>,
        %get3A_629 = vector.shape_cast %get3A_628 : vector<1x16xf32> to vector<16xf32>
        %add3A_630 = arith.addf %get3A_625, %get3A_629 : vector<16xf32>
        %swap3A_631 = arith.index_cast %scan3A_105 : i32 to index
        %swap3A_632 = arith.constant 592 : index
        %swap3A_633 = tpu.vector_load %arg11[%swap3A_631, %swap3A_632] {strides = array<i32>} : memref<16x768xf32, #tpu.memory_space<vmem>>, vector<1x16xf32>,
        %swap3A_634 = vector.shape_cast %swap3A_633 : vector<1x16xf32> to vector<16xf32>
        %swap3A_635 = vector.shape_cast %add3A_630 : vector<16xf32> to vector<1x16xf32>
        tpu.vector_store %arg11[%swap3A_631, %swap3A_632], %swap3A_635 {strides = array<i32>} : memref<16x768xf32, #tpu.memory_space<vmem>>, vector<1x16xf32>,
        %get3A_636 = arith.index_cast %scan3A_105 : i32 to index
        %get3A_637 = arith.constant 608 : index
        %get3A_638 = tpu.vector_load %arg7[%get3A_636, %get3A_637] {strides = array<i32>} : memref<16x768xf32, #tpu.memory_space<vmem>>, vector<1x16xf32>,
        %get3A_639 = vector.shape_cast %get3A_638 : vector<1x16xf32> to vector<16xf32>
        %get3A_640 = arith.index_cast %scan3A_105 : i32 to index
        %get3A_641 = arith.constant 608 : index
        %get3A_642 = tpu.vector_load %arg9[%get3A_640, %get3A_641] {strides = array<i32>} : memref<16x768xf32, #tpu.memory_space<vmem>>, vector<1x16xf32>,
        %get3A_643 = vector.shape_cast %get3A_642 : vector<1x16xf32> to vector<16xf32>
        %add3A_644 = arith.addf %get3A_639, %get3A_643 : vector<16xf32>
        %swap3A_645 = arith.index_cast %scan3A_105 : i32 to index
        %swap3A_646 = arith.constant 608 : index
        %swap3A_647 = tpu.vector_load %arg11[%swap3A_645, %swap3A_646] {strides = array<i32>} : memref<16x768xf32, #tpu.memory_space<vmem>>, vector<1x16xf32>,
        %swap3A_648 = vector.shape_cast %swap3A_647 : vector<1x16xf32> to vector<16xf32>
        %swap3A_649 = vector.shape_cast %add3A_644 : vector<16xf32> to vector<1x16xf32>
        tpu.vector_store %arg11[%swap3A_645, %swap3A_646], %swap3A_649 {strides = array<i32>} : memref<16x768xf32, #tpu.memory_space<vmem>>, vector<1x16xf32>,
        %get3A_650 = arith.index_cast %scan3A_105 : i32 to index
        %get3A_651 = arith.constant 624 : index
        %get3A_652 = tpu.vector_load %arg7[%get3A_650, %get3A_651] {strides = array<i32>} : memref<16x768xf32, #tpu.memory_space<vmem>>, vector<1x16xf32>,
        %get3A_653 = vector.shape_cast %get3A_652 : vector<1x16xf32> to vector<16xf32>
        %get3A_654 = arith.index_cast %scan3A_105 : i32 to index
        %get3A_655 = arith.constant 624 : index
        %get3A_656 = tpu.vector_load %arg9[%get3A_654, %get3A_655] {strides = array<i32>} : memref<16x768xf32, #tpu.memory_space<vmem>>, vector<1x16xf32>,
        %get3A_657 = vector.shape_cast %get3A_656 : vector<1x16xf32> to vector<16xf32>
        %add3A_658 = arith.addf %get3A_653, %get3A_657 : vector<16xf32>
        %swap3A_659 = arith.index_cast %scan3A_105 : i32 to index
        %swap3A_660 = arith.constant 624 : index
        %swap3A_661 = tpu.vector_load %arg11[%swap3A_659, %swap3A_660] {strides = array<i32>} : memref<16x768xf32, #tpu.memory_space<vmem>>, vector<1x16xf32>,
        %swap3A_662 = vector.shape_cast %swap3A_661 : vector<1x16xf32> to vector<16xf32>
        %swap3A_663 = vector.shape_cast %add3A_658 : vector<16xf32> to vector<1x16xf32>
        tpu.vector_store %arg11[%swap3A_659, %swap3A_660], %swap3A_663 {strides = array<i32>} : memref<16x768xf32, #tpu.memory_space<vmem>>, vector<1x16xf32>,
        %get3A_664 = arith.index_cast %scan3A_105 : i32 to index
        %get3A_665 = arith.constant 640 : index
        %get3A_666 = tpu.vector_load %arg7[%get3A_664, %get3A_665] {strides = array<i32>} : memref<16x768xf32, #tpu.memory_space<vmem>>, vector<1x16xf32>,
        %get3A_667 = vector.shape_cast %get3A_666 : vector<1x16xf32> to vector<16xf32>
        %get3A_668 = arith.index_cast %scan3A_105 : i32 to index
        %get3A_669 = arith.constant 640 : index
        %get3A_670 = tpu.vector_load %arg9[%get3A_668, %get3A_669] {strides = array<i32>} : memref<16x768xf32, #tpu.memory_space<vmem>>, vector<1x16xf32>,
        %get3A_671 = vector.shape_cast %get3A_670 : vector<1x16xf32> to vector<16xf32>
        %add3A_672 = arith.addf %get3A_667, %get3A_671 : vector<16xf32>
        %swap3A_673 = arith.index_cast %scan3A_105 : i32 to index
        %swap3A_674 = arith.constant 640 : index
        %swap3A_675 = tpu.vector_load %arg11[%swap3A_673, %swap3A_674] {strides = array<i32>} : memref<16x768xf32, #tpu.memory_space<vmem>>, vector<1x16xf32>,
        %swap3A_676 = vector.shape_cast %swap3A_675 : vector<1x16xf32> to vector<16xf32>
        %swap3A_677 = vector.shape_cast %add3A_672 : vector<16xf32> to vector<1x16xf32>
        tpu.vector_store %arg11[%swap3A_673, %swap3A_674], %swap3A_677 {strides = array<i32>} : memref<16x768xf32, #tpu.memory_space<vmem>>, vector<1x16xf32>,
        %get3A_678 = arith.index_cast %scan3A_105 : i32 to index
        %get3A_679 = arith.constant 656 : index
        %get3A_680 = tpu.vector_load %arg7[%get3A_678, %get3A_679] {strides = array<i32>} : memref<16x768xf32, #tpu.memory_space<vmem>>, vector<1x16xf32>,
        %get3A_681 = vector.shape_cast %get3A_680 : vector<1x16xf32> to vector<16xf32>
        %get3A_682 = arith.index_cast %scan3A_105 : i32 to index
        %get3A_683 = arith.constant 656 : index
        %get3A_684 = tpu.vector_load %arg9[%get3A_682, %get3A_683] {strides = array<i32>} : memref<16x768xf32, #tpu.memory_space<vmem>>, vector<1x16xf32>,
        %get3A_685 = vector.shape_cast %get3A_684 : vector<1x16xf32> to vector<16xf32>
        %add3A_686 = arith.addf %get3A_681, %get3A_685 : vector<16xf32>
        %swap3A_687 = arith.index_cast %scan3A_105 : i32 to index
        %swap3A_688 = arith.constant 656 : index
        %swap3A_689 = tpu.vector_load %arg11[%swap3A_687, %swap3A_688] {strides = array<i32>} : memref<16x768xf32, #tpu.memory_space<vmem>>, vector<1x16xf32>,
        %swap3A_690 = vector.shape_cast %swap3A_689 : vector<1x16xf32> to vector<16xf32>
        %swap3A_691 = vector.shape_cast %add3A_686 : vector<16xf32> to vector<1x16xf32>
        tpu.vector_store %arg11[%swap3A_687, %swap3A_688], %swap3A_691 {strides = array<i32>} : memref<16x768xf32, #tpu.memory_space<vmem>>, vector<1x16xf32>,
        %get3A_692 = arith.index_cast %scan3A_105 : i32 to index
        %get3A_693 = arith.constant 672 : index
        %get3A_694 = tpu.vector_load %arg7[%get3A_692, %get3A_693] {strides = array<i32>} : memref<16x768xf32, #tpu.memory_space<vmem>>, vector<1x16xf32>,
        %get3A_695 = vector.shape_cast %get3A_694 : vector<1x16xf32> to vector<16xf32>
        %get3A_696 = arith.index_cast %scan3A_105 : i32 to index
        %get3A_697 = arith.constant 672 : index
        %get3A_698 = tpu.vector_load %arg9[%get3A_696, %get3A_697] {strides = array<i32>} : memref<16x768xf32, #tpu.memory_space<vmem>>, vector<1x16xf32>,
        %get3A_699 = vector.shape_cast %get3A_698 : vector<1x16xf32> to vector<16xf32>
        %add3A_700 = arith.addf %get3A_695, %get3A_699 : vector<16xf32>
        %swap3A_701 = arith.index_cast %scan3A_105 : i32 to index
        %swap3A_702 = arith.constant 672 : index
        %swap3A_703 = tpu.vector_load %arg11[%swap3A_701, %swap3A_702] {strides = array<i32>} : memref<16x768xf32, #tpu.memory_space<vmem>>, vector<1x16xf32>,
        %swap3A_704 = vector.shape_cast %swap3A_703 : vector<1x16xf32> to vector<16xf32>
        %swap3A_705 = vector.shape_cast %add3A_700 : vector<16xf32> to vector<1x16xf32>
        tpu.vector_store %arg11[%swap3A_701, %swap3A_702], %swap3A_705 {strides = array<i32>} : memref<16x768xf32, #tpu.memory_space<vmem>>, vector<1x16xf32>,
        %get3A_706 = arith.index_cast %scan3A_105 : i32 to index
        %get3A_707 = arith.constant 688 : index
        %get3A_708 = tpu.vector_load %arg7[%get3A_706, %get3A_707] {strides = array<i32>} : memref<16x768xf32, #tpu.memory_space<vmem>>, vector<1x16xf32>,
        %get3A_709 = vector.shape_cast %get3A_708 : vector<1x16xf32> to vector<16xf32>
        %get3A_710 = arith.index_cast %scan3A_105 : i32 to index
        %get3A_711 = arith.constant 688 : index
        %get3A_712 = tpu.vector_load %arg9[%get3A_710, %get3A_711] {strides = array<i32>} : memref<16x768xf32, #tpu.memory_space<vmem>>, vector<1x16xf32>,
        %get3A_713 = vector.shape_cast %get3A_712 : vector<1x16xf32> to vector<16xf32>
        %add3A_714 = arith.addf %get3A_709, %get3A_713 : vector<16xf32>
        %swap3A_715 = arith.index_cast %scan3A_105 : i32 to index
        %swap3A_716 = arith.constant 688 : index
        %swap3A_717 = tpu.vector_load %arg11[%swap3A_715, %swap3A_716] {strides = array<i32>} : memref<16x768xf32, #tpu.memory_space<vmem>>, vector<1x16xf32>,
        %swap3A_718 = vector.shape_cast %swap3A_717 : vector<1x16xf32> to vector<16xf32>
        %swap3A_719 = vector.shape_cast %add3A_714 : vector<16xf32> to vector<1x16xf32>
        tpu.vector_store %arg11[%swap3A_715, %swap3A_716], %swap3A_719 {strides = array<i32>} : memref<16x768xf32, #tpu.memory_space<vmem>>, vector<1x16xf32>,
        %get3A_720 = arith.index_cast %scan3A_105 : i32 to index
        %get3A_721 = arith.constant 704 : index
        %get3A_722 = tpu.vector_load %arg7[%get3A_720, %get3A_721] {strides = array<i32>} : memref<16x768xf32, #tpu.memory_space<vmem>>, vector<1x16xf32>,
        %get3A_723 = vector.shape_cast %get3A_722 : vector<1x16xf32> to vector<16xf32>
        %get3A_724 = arith.index_cast %scan3A_105 : i32 to index
        %get3A_725 = arith.constant 704 : index
        %get3A_726 = tpu.vector_load %arg9[%get3A_724, %get3A_725] {strides = array<i32>} : memref<16x768xf32, #tpu.memory_space<vmem>>, vector<1x16xf32>,
        %get3A_727 = vector.shape_cast %get3A_726 : vector<1x16xf32> to vector<16xf32>
        %add3A_728 = arith.addf %get3A_723, %get3A_727 : vector<16xf32>
        %swap3A_729 = arith.index_cast %scan3A_105 : i32 to index
        %swap3A_730 = arith.constant 704 : index
        %swap3A_731 = tpu.vector_load %arg11[%swap3A_729, %swap3A_730] {strides = array<i32>} : memref<16x768xf32, #tpu.memory_space<vmem>>, vector<1x16xf32>,
        %swap3A_732 = vector.shape_cast %swap3A_731 : vector<1x16xf32> to vector<16xf32>
        %swap3A_733 = vector.shape_cast %add3A_728 : vector<16xf32> to vector<1x16xf32>
        tpu.vector_store %arg11[%swap3A_729, %swap3A_730], %swap3A_733 {strides = array<i32>} : memref<16x768xf32, #tpu.memory_space<vmem>>, vector<1x16xf32>,
        %get3A_734 = arith.index_cast %scan3A_105 : i32 to index
        %get3A_735 = arith.constant 720 : index
        %get3A_736 = tpu.vector_load %arg7[%get3A_734, %get3A_735] {strides = array<i32>} : memref<16x768xf32, #tpu.memory_space<vmem>>, vector<1x16xf32>,
        %get3A_737 = vector.shape_cast %get3A_736 : vector<1x16xf32> to vector<16xf32>
        %get3A_738 = arith.index_cast %scan3A_105 : i32 to index
        %get3A_739 = arith.constant 720 : index
        %get3A_740 = tpu.vector_load %arg9[%get3A_738, %get3A_739] {strides = array<i32>} : memref<16x768xf32, #tpu.memory_space<vmem>>, vector<1x16xf32>,
        %get3A_741 = vector.shape_cast %get3A_740 : vector<1x16xf32> to vector<16xf32>
        %add3A_742 = arith.addf %get3A_737, %get3A_741 : vector<16xf32>
        %swap3A_743 = arith.index_cast %scan3A_105 : i32 to index
        %swap3A_744 = arith.constant 720 : index
        %swap3A_745 = tpu.vector_load %arg11[%swap3A_743, %swap3A_744] {strides = array<i32>} : memref<16x768xf32, #tpu.memory_space<vmem>>, vector<1x16xf32>,
        %swap3A_746 = vector.shape_cast %swap3A_745 : vector<1x16xf32> to vector<16xf32>
        %swap3A_747 = vector.shape_cast %add3A_742 : vector<16xf32> to vector<1x16xf32>
        tpu.vector_store %arg11[%swap3A_743, %swap3A_744], %swap3A_747 {strides = array<i32>} : memref<16x768xf32, #tpu.memory_space<vmem>>, vector<1x16xf32>,
        %get3A_748 = arith.index_cast %scan3A_105 : i32 to index
        %get3A_749 = arith.constant 736 : index
        %get3A_750 = tpu.vector_load %arg7[%get3A_748, %get3A_749] {strides = array<i32>} : memref<16x768xf32, #tpu.memory_space<vmem>>, vector<1x16xf32>,
        %get3A_751 = vector.shape_cast %get3A_750 : vector<1x16xf32> to vector<16xf32>
        %get3A_752 = arith.index_cast %scan3A_105 : i32 to index
        %get3A_753 = arith.constant 736 : index
        %get3A_754 = tpu.vector_load %arg9[%get3A_752, %get3A_753] {strides = array<i32>} : memref<16x768xf32, #tpu.memory_space<vmem>>, vector<1x16xf32>,
        %get3A_755 = vector.shape_cast %get3A_754 : vector<1x16xf32> to vector<16xf32>
        %add3A_756 = arith.addf %get3A_751, %get3A_755 : vector<16xf32>
        %swap3A_757 = arith.index_cast %scan3A_105 : i32 to index
        %swap3A_758 = arith.constant 736 : index
        %swap3A_759 = tpu.vector_load %arg11[%swap3A_757, %swap3A_758] {strides = array<i32>} : memref<16x768xf32, #tpu.memory_space<vmem>>, vector<1x16xf32>,
        %swap3A_760 = vector.shape_cast %swap3A_759 : vector<1x16xf32> to vector<16xf32>
        %swap3A_761 = vector.shape_cast %add3A_756 : vector<16xf32> to vector<1x16xf32>
        tpu.vector_store %arg11[%swap3A_757, %swap3A_758], %swap3A_761 {strides = array<i32>} : memref<16x768xf32, #tpu.memory_space<vmem>>, vector<1x16xf32>,
        %get3A_762 = arith.index_cast %scan3A_105 : i32 to index
        %get3A_763 = arith.constant 752 : index
        %get3A_764 = tpu.vector_load %arg7[%get3A_762, %get3A_763] {strides = array<i32>} : memref<16x768xf32, #tpu.memory_space<vmem>>, vector<1x16xf32>,
        %get3A_765 = vector.shape_cast %get3A_764 : vector<1x16xf32> to vector<16xf32>
        %get3A_766 = arith.index_cast %scan3A_105 : i32 to index
        %get3A_767 = arith.constant 752 : index
        %get3A_768 = tpu.vector_load %arg9[%get3A_766, %get3A_767] {strides = array<i32>} : memref<16x768xf32, #tpu.memory_space<vmem>>, vector<1x16xf32>,
        %get3A_769 = vector.shape_cast %get3A_768 : vector<1x16xf32> to vector<16xf32>
        %add3A_770 = arith.addf %get3A_765, %get3A_769 : vector<16xf32>
        %swap3A_771 = arith.index_cast %scan3A_105 : i32 to index
        %swap3A_772 = arith.constant 752 : index
        %swap3A_773 = tpu.vector_load %arg11[%swap3A_771, %swap3A_772] {strides = array<i32>} : memref<16x768xf32, #tpu.memory_space<vmem>>, vector<1x16xf32>,
        %swap3A_774 = vector.shape_cast %swap3A_773 : vector<1x16xf32> to vector<16xf32>
        %swap3A_775 = vector.shape_cast %add3A_770 : vector<16xf32> to vector<1x16xf32>
        tpu.vector_store %arg11[%swap3A_771, %swap3A_772], %swap3A_775 {strides = array<i32>} : memref<16x768xf32, #tpu.memory_space<vmem>>, vector<1x16xf32>,
      }
      %scan3A_57 = arith.constant 16 : i32
      %mul3A_58 = arith.constant 16 : i32
      %mul3A_59 = arith.muli %add3A_40, %mul3A_58 : i32
      %add3A_60 = arith.addi %mul3A_2, %mul3A_59 : i32
      %dma_start3A_61 = arith.constant 0 : i32
      %dma_start3A_62 = tpu.memref_slice %arg5[%add3A_60, %dma_start3A_61] : memref<4096x768xf32, #tpu.memory_space<hbm>> -> memref<16x768xf32, #tpu.memory_space<hbm>>
      %dma_start3A_63 = arith.constant 0 : i32
      %dma_start3A_64 = tpu.memref_slice %arg5[%add3A_60, %dma_start3A_63] : memref<4096x768xf32, #tpu.memory_space<hbm>> -> memref<16x768xf32, #tpu.memory_space<hbm>>
      tpu.enqueue_dma source(%arg11 : memref<16x768xf32, #tpu.memory_space<vmem>>) target(%dma_start3A_64 : memref<16x768xf32, #tpu.memory_space<hbm>>) target_semaphore(%arg17 : memref<!tpu.dma_semaphore, #tpu.memory_space<semaphore_mem>>)
      %lt3A = arith.constant 3 : i32
      %lt3A_65 = arith.cmpi slt, %scan3A_36, %lt3A : i32
      %convert_element_type3A_66 = arith.extui %lt3A_65 : i1 to i32
      %cond3A_67 = arith.constant 0 : i32
      %cond3A_68 = arith.cmpi ne, %convert_element_type3A_66, %cond3A_67 : i32
      scf.if %cond3A_68 {
        %add3A_105 = arith.constant 2 : i32
        %add3A_106 = arith.addi %add3A_40, %add3A_105 : i32
        %mul3A_107 = arith.constant 16 : i32
        %mul3A_108 = arith.muli %add3A_106, %mul3A_107 : i32
        %add3A_109 = arith.addi %mul3A_2, %mul3A_108 : i32
        %dma_start3A_110 = arith.constant 0 : i32
        %dma_start3A_111 = tpu.memref_slice %arg2[%add3A_109, %dma_start3A_110] : memref<16384x768xf32, #tpu.memory_space<hbm>> -> memref<16x768xf32, #tpu.memory_space<hbm>>
        %dma_start3A_112 = arith.constant 0 : i32
        %dma_start3A_113 = tpu.memref_slice %arg2[%add3A_109, %dma_start3A_112] : memref<16384x768xf32, #tpu.memory_space<hbm>> -> memref<16x768xf32, #tpu.memory_space<hbm>>
        tpu.enqueue_dma source(%dma_start3A_113 : memref<16x768xf32, #tpu.memory_space<hbm>>) target(%arg7 : memref<16x768xf32, #tpu.memory_space<vmem>>) target_semaphore(%arg13 : memref<!tpu.dma_semaphore, #tpu.memory_space<semaphore_mem>>)
        %mul3A_114 = arith.constant 16 : i32
        %mul3A_115 = arith.muli %add3A_106, %mul3A_114 : i32
        %dma_start3A_116 = tpu.memref_slice %arg6[%mul3A_115] : memref<128xi32, #tpu.memory_space<vmem>> -> memref<16xi32, #tpu.memory_space<vmem>>
        %dma_start3A_117 = arith.constant 0 : i32
        %dma_start3A_118 = arith.constant 0 : i32
        %dma_start3A_119 = tpu.memref_slice %arg4[%dma_start3A_117, %dma_start3A_118] : memref<512x768xf32, #tpu.memory_space<hbm>> -> memref<512x768xf32, #tpu.memory_space<hbm>>
        tpu.enqueue_indirect_dma source(%dma_start3A_119 : memref<512x768xf32, #tpu.memory_space<hbm>>) target(%arg9 : memref<16x768xf32, #tpu.memory_space<vmem>>) offsets(%dma_start3A_116 : memref<16xi32, #tpu.memory_space<vmem>>) semaphore(%arg15 : memref<!tpu.dma_semaphore, #tpu.memory_space<semaphore_mem>>)
      } else {
      }
      %mul3A_69 = arith.constant 2 : i32
      %mul3A_70 = arith.muli %scan3A_36, %mul3A_69 : i32
      %add3A_71 = arith.constant 1 : i32
      %add3A_72 = arith.addi %mul3A_70, %add3A_71 : i32
      %dma_wait3A_73 = arith.constant 0 : i32
      %dma_wait3A_74 = tpu.memref_slice %arg2[%mul3A_2, %dma_wait3A_73] : memref<16384x768xf32, #tpu.memory_space<hbm>> -> memref<16x768xf32, #tpu.memory_space<hbm>>
      %dma_wait3A_75 = arith.constant 0 : i32
      %dma_wait3A_76 = tpu.memref_slice %arg2[%mul3A_2, %dma_wait3A_75] : memref<16384x768xf32, #tpu.memory_space<hbm>> -> memref<16x768xf32, #tpu.memory_space<hbm>>
      tpu.wait_dma2 semaphore(%arg14 : memref<!tpu.dma_semaphore, #tpu.memory_space<semaphore_mem>>) src(%dma_wait3A_76 : memref<16x768xf32, #tpu.memory_space<hbm>>) dst(%arg8 : memref<16x768xf32, #tpu.memory_space<vmem>>)
      %dma_wait3A_77 = arith.constant 0 : i32
      %dma_wait3A_78 = tpu.memref_slice %arg6[%dma_wait3A_77] : memref<128xi32, #tpu.memory_space<vmem>> -> memref<16xi32, #tpu.memory_space<vmem>>
      %dma_wait3A_79 = arith.constant 0 : i32
      %dma_wait3A_80 = arith.constant 0 : i32
      %dma_wait3A_81 = tpu.memref_slice %arg4[%dma_wait3A_79, %dma_wait3A_80] : memref<512x768xf32, #tpu.memory_space<hbm>> -> memref<512x768xf32, #tpu.memory_space<hbm>>
      tpu.wait_indirect_dma semaphore(%arg16 : memref<!tpu.dma_semaphore, #tpu.memory_space<semaphore_mem>>) src(%dma_wait3A_81 : memref<512x768xf32, #tpu.memory_space<hbm>>) dst(%arg10 : memref<16x768xf32, #tpu.memory_space<vmem>>)
      %gt3A_82 = arith.constant 0 : i32
      %gt3A_83 = arith.cmpi sgt, %scan3A_36, %gt3A_82 : i32
      %convert_element_type3A_84 = arith.extui %gt3A_83 : i1 to i32
      %cond3A_85 = arith.constant 0 : i32
      %cond3A_86 = arith.cmpi ne, %convert_element_type3A_84, %cond3A_85 : i32
      scf.if %cond3A_86 {
        %dma_wait3A_105 = arith.constant 0 : i32
        %dma_wait3A_106 = tpu.memref_slice %arg5[%mul3A_2, %dma_wait3A_105] : memref<4096x768xf32, #tpu.memory_space<hbm>> -> memref<16x768xf32, #tpu.memory_space<hbm>>
        %dma_wait3A_107 = arith.constant 0 : i32
        %dma_wait3A_108 = tpu.memref_slice %arg5[%mul3A_2, %dma_wait3A_107] : memref<4096x768xf32, #tpu.memory_space<hbm>> -> memref<16x768xf32, #tpu.memory_space<hbm>>
        tpu.wait_dma2 semaphore(%arg18 : memref<!tpu.dma_semaphore, #tpu.memory_space<semaphore_mem>>) src(%arg12 : memref<16x768xf32, #tpu.memory_space<vmem>>) dst(%dma_wait3A_108 : memref<16x768xf32, #tpu.memory_space<hbm>>)
      } else {
      }
      %scan3A_87 = arith.constant 0 : i32
      %scan3A_88 = arith.constant 0 : i32
      %scan3A_89 = arith.constant 16 : i32
      %scan3A_90 = arith.addi %scan3A_88, %scan3A_89 : i32
      %scan3A_91 = arith.constant 1 : i32
      scf.for %scan3A_105 = %scan3A_88 to %scan3A_90 step %scan3A_91  : i32 {
        %get3A = arith.index_cast %scan3A_105 : i32 to index
        %get3A_106 = arith.constant 0 : index
        %get3A_107 = tpu.vector_load %arg8[%get3A, %get3A_106] {strides = array<i32>} : memref<16x768xf32, #tpu.memory_space<vmem>>, vector<1x16xf32>,
        %get3A_108 = vector.shape_cast %get3A_107 : vector<1x16xf32> to vector<16xf32>
        %get3A_109 = arith.index_cast %scan3A_105 : i32 to index
        %get3A_110 = arith.constant 0 : index
        %get3A_111 = tpu.vector_load %arg10[%get3A_109, %get3A_110] {strides = array<i32>} : memref<16x768xf32, #tpu.memory_space<vmem>>, vector<1x16xf32>,
        %get3A_112 = vector.shape_cast %get3A_111 : vector<1x16xf32> to vector<16xf32>
        %add3A_113 = arith.addf %get3A_108, %get3A_112 : vector<16xf32>
        %swap3A = arith.index_cast %scan3A_105 : i32 to index
        %swap3A_114 = arith.constant 0 : index
        %swap3A_115 = tpu.vector_load %arg12[%swap3A, %swap3A_114] {strides = array<i32>} : memref<16x768xf32, #tpu.memory_space<vmem>>, vector<1x16xf32>,
        %swap3A_116 = vector.shape_cast %swap3A_115 : vector<1x16xf32> to vector<16xf32>
        %swap3A_117 = vector.shape_cast %add3A_113 : vector<16xf32> to vector<1x16xf32>
        tpu.vector_store %arg12[%swap3A, %swap3A_114], %swap3A_117 {strides = array<i32>} : memref<16x768xf32, #tpu.memory_space<vmem>>, vector<1x16xf32>,
        %get3A_118 = arith.index_cast %scan3A_105 : i32 to index
        %get3A_119 = arith.constant 16 : index
        %get3A_120 = tpu.vector_load %arg8[%get3A_118, %get3A_119] {strides = array<i32>} : memref<16x768xf32, #tpu.memory_space<vmem>>, vector<1x16xf32>,
        %get3A_121 = vector.shape_cast %get3A_120 : vector<1x16xf32> to vector<16xf32>
        %get3A_122 = arith.index_cast %scan3A_105 : i32 to index
        %get3A_123 = arith.constant 16 : index
        %get3A_124 = tpu.vector_load %arg10[%get3A_122, %get3A_123] {strides = array<i32>} : memref<16x768xf32, #tpu.memory_space<vmem>>, vector<1x16xf32>,
        %get3A_125 = vector.shape_cast %get3A_124 : vector<1x16xf32> to vector<16xf32>
        %add3A_126 = arith.addf %get3A_121, %get3A_125 : vector<16xf32>
        %swap3A_127 = arith.index_cast %scan3A_105 : i32 to index
        %swap3A_128 = arith.constant 16 : index
        %swap3A_129 = tpu.vector_load %arg12[%swap3A_127, %swap3A_128] {strides = array<i32>} : memref<16x768xf32, #tpu.memory_space<vmem>>, vector<1x16xf32>,
        %swap3A_130 = vector.shape_cast %swap3A_129 : vector<1x16xf32> to vector<16xf32>
        %swap3A_131 = vector.shape_cast %add3A_126 : vector<16xf32> to vector<1x16xf32>
        tpu.vector_store %arg12[%swap3A_127, %swap3A_128], %swap3A_131 {strides = array<i32>} : memref<16x768xf32, #tpu.memory_space<vmem>>, vector<1x16xf32>,
        %get3A_132 = arith.index_cast %scan3A_105 : i32 to index
        %get3A_133 = arith.constant 32 : index
        %get3A_134 = tpu.vector_load %arg8[%get3A_132, %get3A_133] {strides = array<i32>} : memref<16x768xf32, #tpu.memory_space<vmem>>, vector<1x16xf32>,
        %get3A_135 = vector.shape_cast %get3A_134 : vector<1x16xf32> to vector<16xf32>
        %get3A_136 = arith.index_cast %scan3A_105 : i32 to index
        %get3A_137 = arith.constant 32 : index
        %get3A_138 = tpu.vector_load %arg10[%get3A_136, %get3A_137] {strides = array<i32>} : memref<16x768xf32, #tpu.memory_space<vmem>>, vector<1x16xf32>,
        %get3A_139 = vector.shape_cast %get3A_138 : vector<1x16xf32> to vector<16xf32>
        %add3A_140 = arith.addf %get3A_135, %get3A_139 : vector<16xf32>
        %swap3A_141 = arith.index_cast %scan3A_105 : i32 to index
        %swap3A_142 = arith.constant 32 : index
        %swap3A_143 = tpu.vector_load %arg12[%swap3A_141, %swap3A_142] {strides = array<i32>} : memref<16x768xf32, #tpu.memory_space<vmem>>, vector<1x16xf32>,
        %swap3A_144 = vector.shape_cast %swap3A_143 : vector<1x16xf32> to vector<16xf32>
        %swap3A_145 = vector.shape_cast %add3A_140 : vector<16xf32> to vector<1x16xf32>
        tpu.vector_store %arg12[%swap3A_141, %swap3A_142], %swap3A_145 {strides = array<i32>} : memref<16x768xf32, #tpu.memory_space<vmem>>, vector<1x16xf32>,
        %get3A_146 = arith.index_cast %scan3A_105 : i32 to index
        %get3A_147 = arith.constant 48 : index
        %get3A_148 = tpu.vector_load %arg8[%get3A_146, %get3A_147] {strides = array<i32>} : memref<16x768xf32, #tpu.memory_space<vmem>>, vector<1x16xf32>,
        %get3A_149 = vector.shape_cast %get3A_148 : vector<1x16xf32> to vector<16xf32>
        %get3A_150 = arith.index_cast %scan3A_105 : i32 to index
        %get3A_151 = arith.constant 48 : index
        %get3A_152 = tpu.vector_load %arg10[%get3A_150, %get3A_151] {strides = array<i32>} : memref<16x768xf32, #tpu.memory_space<vmem>>, vector<1x16xf32>,
        %get3A_153 = vector.shape_cast %get3A_152 : vector<1x16xf32> to vector<16xf32>
        %add3A_154 = arith.addf %get3A_149, %get3A_153 : vector<16xf32>
        %swap3A_155 = arith.index_cast %scan3A_105 : i32 to index
        %swap3A_156 = arith.constant 48 : index
        %swap3A_157 = tpu.vector_load %arg12[%swap3A_155, %swap3A_156] {strides = array<i32>} : memref<16x768xf32, #tpu.memory_space<vmem>>, vector<1x16xf32>,
        %swap3A_158 = vector.shape_cast %swap3A_157 : vector<1x16xf32> to vector<16xf32>
        %swap3A_159 = vector.shape_cast %add3A_154 : vector<16xf32> to vector<1x16xf32>
        tpu.vector_store %arg12[%swap3A_155, %swap3A_156], %swap3A_159 {strides = array<i32>} : memref<16x768xf32, #tpu.memory_space<vmem>>, vector<1x16xf32>,
        %get3A_160 = arith.index_cast %scan3A_105 : i32 to index
        %get3A_161 = arith.constant 64 : index
        %get3A_162 = tpu.vector_load %arg8[%get3A_160, %get3A_161] {strides = array<i32>} : memref<16x768xf32, #tpu.memory_space<vmem>>, vector<1x16xf32>,
        %get3A_163 = vector.shape_cast %get3A_162 : vector<1x16xf32> to vector<16xf32>
        %get3A_164 = arith.index_cast %scan3A_105 : i32 to index
        %get3A_165 = arith.constant 64 : index
        %get3A_166 = tpu.vector_load %arg10[%get3A_164, %get3A_165] {strides = array<i32>} : memref<16x768xf32, #tpu.memory_space<vmem>>, vector<1x16xf32>,
        %get3A_167 = vector.shape_cast %get3A_166 : vector<1x16xf32> to vector<16xf32>
        %add3A_168 = arith.addf %get3A_163, %get3A_167 : vector<16xf32>
        %swap3A_169 = arith.index_cast %scan3A_105 : i32 to index
        %swap3A_170 = arith.constant 64 : index
        %swap3A_171 = tpu.vector_load %arg12[%swap3A_169, %swap3A_170] {strides = array<i32>} : memref<16x768xf32, #tpu.memory_space<vmem>>, vector<1x16xf32>,
        %swap3A_172 = vector.shape_cast %swap3A_171 : vector<1x16xf32> to vector<16xf32>
        %swap3A_173 = vector.shape_cast %add3A_168 : vector<16xf32> to vector<1x16xf32>
        tpu.vector_store %arg12[%swap3A_169, %swap3A_170], %swap3A_173 {strides = array<i32>} : memref<16x768xf32, #tpu.memory_space<vmem>>, vector<1x16xf32>,
        %get3A_174 = arith.index_cast %scan3A_105 : i32 to index
        %get3A_175 = arith.constant 80 : index
        %get3A_176 = tpu.vector_load %arg8[%get3A_174, %get3A_175] {strides = array<i32>} : memref<16x768xf32, #tpu.memory_space<vmem>>, vector<1x16xf32>,
        %get3A_177 = vector.shape_cast %get3A_176 : vector<1x16xf32> to vector<16xf32>
        %get3A_178 = arith.index_cast %scan3A_105 : i32 to index
        %get3A_179 = arith.constant 80 : index
        %get3A_180 = tpu.vector_load %arg10[%get3A_178, %get3A_179] {strides = array<i32>} : memref<16x768xf32, #tpu.memory_space<vmem>>, vector<1x16xf32>,
        %get3A_181 = vector.shape_cast %get3A_180 : vector<1x16xf32> to vector<16xf32>
        %add3A_182 = arith.addf %get3A_177, %get3A_181 : vector<16xf32>
        %swap3A_183 = arith.index_cast %scan3A_105 : i32 to index
        %swap3A_184 = arith.constant 80 : index
        %swap3A_185 = tpu.vector_load %arg12[%swap3A_183, %swap3A_184] {strides = array<i32>} : memref<16x768xf32, #tpu.memory_space<vmem>>, vector<1x16xf32>,
        %swap3A_186 = vector.shape_cast %swap3A_185 : vector<1x16xf32> to vector<16xf32>
        %swap3A_187 = vector.shape_cast %add3A_182 : vector<16xf32> to vector<1x16xf32>
        tpu.vector_store %arg12[%swap3A_183, %swap3A_184], %swap3A_187 {strides = array<i32>} : memref<16x768xf32, #tpu.memory_space<vmem>>, vector<1x16xf32>,
        %get3A_188 = arith.index_cast %scan3A_105 : i32 to index
        %get3A_189 = arith.constant 96 : index
        %get3A_190 = tpu.vector_load %arg8[%get3A_188, %get3A_189] {strides = array<i32>} : memref<16x768xf32, #tpu.memory_space<vmem>>, vector<1x16xf32>,
        %get3A_191 = vector.shape_cast %get3A_190 : vector<1x16xf32> to vector<16xf32>
        %get3A_192 = arith.index_cast %scan3A_105 : i32 to index
        %get3A_193 = arith.constant 96 : index
        %get3A_194 = tpu.vector_load %arg10[%get3A_192, %get3A_193] {strides = array<i32>} : memref<16x768xf32, #tpu.memory_space<vmem>>, vector<1x16xf32>,
        %get3A_195 = vector.shape_cast %get3A_194 : vector<1x16xf32> to vector<16xf32>
        %add3A_196 = arith.addf %get3A_191, %get3A_195 : vector<16xf32>
        %swap3A_197 = arith.index_cast %scan3A_105 : i32 to index
        %swap3A_198 = arith.constant 96 : index
        %swap3A_199 = tpu.vector_load %arg12[%swap3A_197, %swap3A_198] {strides = array<i32>} : memref<16x768xf32, #tpu.memory_space<vmem>>, vector<1x16xf32>,
        %swap3A_200 = vector.shape_cast %swap3A_199 : vector<1x16xf32> to vector<16xf32>
        %swap3A_201 = vector.shape_cast %add3A_196 : vector<16xf32> to vector<1x16xf32>
        tpu.vector_store %arg12[%swap3A_197, %swap3A_198], %swap3A_201 {strides = array<i32>} : memref<16x768xf32, #tpu.memory_space<vmem>>, vector<1x16xf32>,
        %get3A_202 = arith.index_cast %scan3A_105 : i32 to index
        %get3A_203 = arith.constant 112 : index
        %get3A_204 = tpu.vector_load %arg8[%get3A_202, %get3A_203] {strides = array<i32>} : memref<16x768xf32, #tpu.memory_space<vmem>>, vector<1x16xf32>,
        %get3A_205 = vector.shape_cast %get3A_204 : vector<1x16xf32> to vector<16xf32>
        %get3A_206 = arith.index_cast %scan3A_105 : i32 to index
        %get3A_207 = arith.constant 112 : index
        %get3A_208 = tpu.vector_load %arg10[%get3A_206, %get3A_207] {strides = array<i32>} : memref<16x768xf32, #tpu.memory_space<vmem>>, vector<1x16xf32>,
        %get3A_209 = vector.shape_cast %get3A_208 : vector<1x16xf32> to vector<16xf32>
        %add3A_210 = arith.addf %get3A_205, %get3A_209 : vector<16xf32>
        %swap3A_211 = arith.index_cast %scan3A_105 : i32 to index
        %swap3A_212 = arith.constant 112 : index
        %swap3A_213 = tpu.vector_load %arg12[%swap3A_211, %swap3A_212] {strides = array<i32>} : memref<16x768xf32, #tpu.memory_space<vmem>>, vector<1x16xf32>,
        %swap3A_214 = vector.shape_cast %swap3A_213 : vector<1x16xf32> to vector<16xf32>
        %swap3A_215 = vector.shape_cast %add3A_210 : vector<16xf32> to vector<1x16xf32>
        tpu.vector_store %arg12[%swap3A_211, %swap3A_212], %swap3A_215 {strides = array<i32>} : memref<16x768xf32, #tpu.memory_space<vmem>>, vector<1x16xf32>,
        %get3A_216 = arith.index_cast %scan3A_105 : i32 to index
        %get3A_217 = arith.constant 128 : index
        %get3A_218 = tpu.vector_load %arg8[%get3A_216, %get3A_217] {strides = array<i32>} : memref<16x768xf32, #tpu.memory_space<vmem>>, vector<1x16xf32>,
        %get3A_219 = vector.shape_cast %get3A_218 : vector<1x16xf32> to vector<16xf32>
        %get3A_220 = arith.index_cast %scan3A_105 : i32 to index
        %get3A_221 = arith.constant 128 : index
        %get3A_222 = tpu.vector_load %arg10[%get3A_220, %get3A_221] {strides = array<i32>} : memref<16x768xf32, #tpu.memory_space<vmem>>, vector<1x16xf32>,
        %get3A_223 = vector.shape_cast %get3A_222 : vector<1x16xf32> to vector<16xf32>
        %add3A_224 = arith.addf %get3A_219, %get3A_223 : vector<16xf32>
        %swap3A_225 = arith.index_cast %scan3A_105 : i32 to index
        %swap3A_226 = arith.constant 128 : index
        %swap3A_227 = tpu.vector_load %arg12[%swap3A_225, %swap3A_226] {strides = array<i32>} : memref<16x768xf32, #tpu.memory_space<vmem>>, vector<1x16xf32>,
        %swap3A_228 = vector.shape_cast %swap3A_227 : vector<1x16xf32> to vector<16xf32>
        %swap3A_229 = vector.shape_cast %add3A_224 : vector<16xf32> to vector<1x16xf32>
        tpu.vector_store %arg12[%swap3A_225, %swap3A_226], %swap3A_229 {strides = array<i32>} : memref<16x768xf32, #tpu.memory_space<vmem>>, vector<1x16xf32>,
        %get3A_230 = arith.index_cast %scan3A_105 : i32 to index
        %get3A_231 = arith.constant 144 : index
        %get3A_232 = tpu.vector_load %arg8[%get3A_230, %get3A_231] {strides = array<i32>} : memref<16x768xf32, #tpu.memory_space<vmem>>, vector<1x16xf32>,
        %get3A_233 = vector.shape_cast %get3A_232 : vector<1x16xf32> to vector<16xf32>
        %get3A_234 = arith.index_cast %scan3A_105 : i32 to index
        %get3A_235 = arith.constant 144 : index
        %get3A_236 = tpu.vector_load %arg10[%get3A_234, %get3A_235] {strides = array<i32>} : memref<16x768xf32, #tpu.memory_space<vmem>>, vector<1x16xf32>,
        %get3A_237 = vector.shape_cast %get3A_236 : vector<1x16xf32> to vector<16xf32>
        %add3A_238 = arith.addf %get3A_233, %get3A_237 : vector<16xf32>
        %swap3A_239 = arith.index_cast %scan3A_105 : i32 to index
        %swap3A_240 = arith.constant 144 : index
        %swap3A_241 = tpu.vector_load %arg12[%swap3A_239, %swap3A_240] {strides = array<i32>} : memref<16x768xf32, #tpu.memory_space<vmem>>, vector<1x16xf32>,
        %swap3A_242 = vector.shape_cast %swap3A_241 : vector<1x16xf32> to vector<16xf32>
        %swap3A_243 = vector.shape_cast %add3A_238 : vector<16xf32> to vector<1x16xf32>
        tpu.vector_store %arg12[%swap3A_239, %swap3A_240], %swap3A_243 {strides = array<i32>} : memref<16x768xf32, #tpu.memory_space<vmem>>, vector<1x16xf32>,
        %get3A_244 = arith.index_cast %scan3A_105 : i32 to index
        %get3A_245 = arith.constant 160 : index
        %get3A_246 = tpu.vector_load %arg8[%get3A_244, %get3A_245] {strides = array<i32>} : memref<16x768xf32, #tpu.memory_space<vmem>>, vector<1x16xf32>,
        %get3A_247 = vector.shape_cast %get3A_246 : vector<1x16xf32> to vector<16xf32>
        %get3A_248 = arith.index_cast %scan3A_105 : i32 to index
        %get3A_249 = arith.constant 160 : index
        %get3A_250 = tpu.vector_load %arg10[%get3A_248, %get3A_249] {strides = array<i32>} : memref<16x768xf32, #tpu.memory_space<vmem>>, vector<1x16xf32>,
        %get3A_251 = vector.shape_cast %get3A_250 : vector<1x16xf32> to vector<16xf32>
        %add3A_252 = arith.addf %get3A_247, %get3A_251 : vector<16xf32>
        %swap3A_253 = arith.index_cast %scan3A_105 : i32 to index
        %swap3A_254 = arith.constant 160 : index
        %swap3A_255 = tpu.vector_load %arg12[%swap3A_253, %swap3A_254] {strides = array<i32>} : memref<16x768xf32, #tpu.memory_space<vmem>>, vector<1x16xf32>,
        %swap3A_256 = vector.shape_cast %swap3A_255 : vector<1x16xf32> to vector<16xf32>
        %swap3A_257 = vector.shape_cast %add3A_252 : vector<16xf32> to vector<1x16xf32>
        tpu.vector_store %arg12[%swap3A_253, %swap3A_254], %swap3A_257 {strides = array<i32>} : memref<16x768xf32, #tpu.memory_space<vmem>>, vector<1x16xf32>,
        %get3A_258 = arith.index_cast %scan3A_105 : i32 to index
        %get3A_259 = arith.constant 176 : index
        %get3A_260 = tpu.vector_load %arg8[%get3A_258, %get3A_259] {strides = array<i32>} : memref<16x768xf32, #tpu.memory_space<vmem>>, vector<1x16xf32>,
        %get3A_261 = vector.shape_cast %get3A_260 : vector<1x16xf32> to vector<16xf32>
        %get3A_262 = arith.index_cast %scan3A_105 : i32 to index
        %get3A_263 = arith.constant 176 : index
        %get3A_264 = tpu.vector_load %arg10[%get3A_262, %get3A_263] {strides = array<i32>} : memref<16x768xf32, #tpu.memory_space<vmem>>, vector<1x16xf32>,
        %get3A_265 = vector.shape_cast %get3A_264 : vector<1x16xf32> to vector<16xf32>
        %add3A_266 = arith.addf %get3A_261, %get3A_265 : vector<16xf32>
        %swap3A_267 = arith.index_cast %scan3A_105 : i32 to index
        %swap3A_268 = arith.constant 176 : index
        %swap3A_269 = tpu.vector_load %arg12[%swap3A_267, %swap3A_268] {strides = array<i32>} : memref<16x768xf32, #tpu.memory_space<vmem>>, vector<1x16xf32>,
        %swap3A_270 = vector.shape_cast %swap3A_269 : vector<1x16xf32> to vector<16xf32>
        %swap3A_271 = vector.shape_cast %add3A_266 : vector<16xf32> to vector<1x16xf32>
        tpu.vector_store %arg12[%swap3A_267, %swap3A_268], %swap3A_271 {strides = array<i32>} : memref<16x768xf32, #tpu.memory_space<vmem>>, vector<1x16xf32>,
        %get3A_272 = arith.index_cast %scan3A_105 : i32 to index
        %get3A_273 = arith.constant 192 : index
        %get3A_274 = tpu.vector_load %arg8[%get3A_272, %get3A_273] {strides = array<i32>} : memref<16x768xf32, #tpu.memory_space<vmem>>, vector<1x16xf32>,
        %get3A_275 = vector.shape_cast %get3A_274 : vector<1x16xf32> to vector<16xf32>
        %get3A_276 = arith.index_cast %scan3A_105 : i32 to index
        %get3A_277 = arith.constant 192 : index
        %get3A_278 = tpu.vector_load %arg10[%get3A_276, %get3A_277] {strides = array<i32>} : memref<16x768xf32, #tpu.memory_space<vmem>>, vector<1x16xf32>,
        %get3A_279 = vector.shape_cast %get3A_278 : vector<1x16xf32> to vector<16xf32>
        %add3A_280 = arith.addf %get3A_275, %get3A_279 : vector<16xf32>
        %swap3A_281 = arith.index_cast %scan3A_105 : i32 to index
        %swap3A_282 = arith.constant 192 : index
        %swap3A_283 = tpu.vector_load %arg12[%swap3A_281, %swap3A_282] {strides = array<i32>} : memref<16x768xf32, #tpu.memory_space<vmem>>, vector<1x16xf32>,
        %swap3A_284 = vector.shape_cast %swap3A_283 : vector<1x16xf32> to vector<16xf32>
        %swap3A_285 = vector.shape_cast %add3A_280 : vector<16xf32> to vector<1x16xf32>
        tpu.vector_store %arg12[%swap3A_281, %swap3A_282], %swap3A_285 {strides = array<i32>} : memref<16x768xf32, #tpu.memory_space<vmem>>, vector<1x16xf32>,
        %get3A_286 = arith.index_cast %scan3A_105 : i32 to index
        %get3A_287 = arith.constant 208 : index
        %get3A_288 = tpu.vector_load %arg8[%get3A_286, %get3A_287] {strides = array<i32>} : memref<16x768xf32, #tpu.memory_space<vmem>>, vector<1x16xf32>,
        %get3A_289 = vector.shape_cast %get3A_288 : vector<1x16xf32> to vector<16xf32>
        %get3A_290 = arith.index_cast %scan3A_105 : i32 to index
        %get3A_291 = arith.constant 208 : index
        %get3A_292 = tpu.vector_load %arg10[%get3A_290, %get3A_291] {strides = array<i32>} : memref<16x768xf32, #tpu.memory_space<vmem>>, vector<1x16xf32>,
        %get3A_293 = vector.shape_cast %get3A_292 : vector<1x16xf32> to vector<16xf32>
        %add3A_294 = arith.addf %get3A_289, %get3A_293 : vector<16xf32>
        %swap3A_295 = arith.index_cast %scan3A_105 : i32 to index
        %swap3A_296 = arith.constant 208 : index
        %swap3A_297 = tpu.vector_load %arg12[%swap3A_295, %swap3A_296] {strides = array<i32>} : memref<16x768xf32, #tpu.memory_space<vmem>>, vector<1x16xf32>,
        %swap3A_298 = vector.shape_cast %swap3A_297 : vector<1x16xf32> to vector<16xf32>
        %swap3A_299 = vector.shape_cast %add3A_294 : vector<16xf32> to vector<1x16xf32>
        tpu.vector_store %arg12[%swap3A_295, %swap3A_296], %swap3A_299 {strides = array<i32>} : memref<16x768xf32, #tpu.memory_space<vmem>>, vector<1x16xf32>,
        %get3A_300 = arith.index_cast %scan3A_105 : i32 to index
        %get3A_301 = arith.constant 224 : index
        %get3A_302 = tpu.vector_load %arg8[%get3A_300, %get3A_301] {strides = array<i32>} : memref<16x768xf32, #tpu.memory_space<vmem>>, vector<1x16xf32>,
        %get3A_303 = vector.shape_cast %get3A_302 : vector<1x16xf32> to vector<16xf32>
        %get3A_304 = arith.index_cast %scan3A_105 : i32 to index
        %get3A_305 = arith.constant 224 : index
        %get3A_306 = tpu.vector_load %arg10[%get3A_304, %get3A_305] {strides = array<i32>} : memref<16x768xf32, #tpu.memory_space<vmem>>, vector<1x16xf32>,
        %get3A_307 = vector.shape_cast %get3A_306 : vector<1x16xf32> to vector<16xf32>
        %add3A_308 = arith.addf %get3A_303, %get3A_307 : vector<16xf32>
        %swap3A_309 = arith.index_cast %scan3A_105 : i32 to index
        %swap3A_310 = arith.constant 224 : index
        %swap3A_311 = tpu.vector_load %arg12[%swap3A_309, %swap3A_310] {strides = array<i32>} : memref<16x768xf32, #tpu.memory_space<vmem>>, vector<1x16xf32>,
        %swap3A_312 = vector.shape_cast %swap3A_311 : vector<1x16xf32> to vector<16xf32>
        %swap3A_313 = vector.shape_cast %add3A_308 : vector<16xf32> to vector<1x16xf32>
        tpu.vector_store %arg12[%swap3A_309, %swap3A_310], %swap3A_313 {strides = array<i32>} : memref<16x768xf32, #tpu.memory_space<vmem>>, vector<1x16xf32>,
        %get3A_314 = arith.index_cast %scan3A_105 : i32 to index
        %get3A_315 = arith.constant 240 : index
        %get3A_316 = tpu.vector_load %arg8[%get3A_314, %get3A_315] {strides = array<i32>} : memref<16x768xf32, #tpu.memory_space<vmem>>, vector<1x16xf32>,
        %get3A_317 = vector.shape_cast %get3A_316 : vector<1x16xf32> to vector<16xf32>
        %get3A_318 = arith.index_cast %scan3A_105 : i32 to index
        %get3A_319 = arith.constant 240 : index
        %get3A_320 = tpu.vector_load %arg10[%get3A_318, %get3A_319] {strides = array<i32>} : memref<16x768xf32, #tpu.memory_space<vmem>>, vector<1x16xf32>,
        %get3A_321 = vector.shape_cast %get3A_320 : vector<1x16xf32> to vector<16xf32>
        %add3A_322 = arith.addf %get3A_317, %get3A_321 : vector<16xf32>
        %swap3A_323 = arith.index_cast %scan3A_105 : i32 to index
        %swap3A_324 = arith.constant 240 : index
        %swap3A_325 = tpu.vector_load %arg12[%swap3A_323, %swap3A_324] {strides = array<i32>} : memref<16x768xf32, #tpu.memory_space<vmem>>, vector<1x16xf32>,
        %swap3A_326 = vector.shape_cast %swap3A_325 : vector<1x16xf32> to vector<16xf32>
        %swap3A_327 = vector.shape_cast %add3A_322 : vector<16xf32> to vector<1x16xf32>
        tpu.vector_store %arg12[%swap3A_323, %swap3A_324], %swap3A_327 {strides = array<i32>} : memref<16x768xf32, #tpu.memory_space<vmem>>, vector<1x16xf32>,
        %get3A_328 = arith.index_cast %scan3A_105 : i32 to index
        %get3A_329 = arith.constant 256 : index
        %get3A_330 = tpu.vector_load %arg8[%get3A_328, %get3A_329] {strides = array<i32>} : memref<16x768xf32, #tpu.memory_space<vmem>>, vector<1x16xf32>,
        %get3A_331 = vector.shape_cast %get3A_330 : vector<1x16xf32> to vector<16xf32>
        %get3A_332 = arith.index_cast %scan3A_105 : i32 to index
        %get3A_333 = arith.constant 256 : index
        %get3A_334 = tpu.vector_load %arg10[%get3A_332, %get3A_333] {strides = array<i32>} : memref<16x768xf32, #tpu.memory_space<vmem>>, vector<1x16xf32>,
        %get3A_335 = vector.shape_cast %get3A_334 : vector<1x16xf32> to vector<16xf32>
        %add3A_336 = arith.addf %get3A_331, %get3A_335 : vector<16xf32>
        %swap3A_337 = arith.index_cast %scan3A_105 : i32 to index
        %swap3A_338 = arith.constant 256 : index
        %swap3A_339 = tpu.vector_load %arg12[%swap3A_337, %swap3A_338] {strides = array<i32>} : memref<16x768xf32, #tpu.memory_space<vmem>>, vector<1x16xf32>,
        %swap3A_340 = vector.shape_cast %swap3A_339 : vector<1x16xf32> to vector<16xf32>
        %swap3A_341 = vector.shape_cast %add3A_336 : vector<16xf32> to vector<1x16xf32>
        tpu.vector_store %arg12[%swap3A_337, %swap3A_338], %swap3A_341 {strides = array<i32>} : memref<16x768xf32, #tpu.memory_space<vmem>>, vector<1x16xf32>,
        %get3A_342 = arith.index_cast %scan3A_105 : i32 to index
        %get3A_343 = arith.constant 272 : index
        %get3A_344 = tpu.vector_load %arg8[%get3A_342, %get3A_343] {strides = array<i32>} : memref<16x768xf32, #tpu.memory_space<vmem>>, vector<1x16xf32>,
        %get3A_345 = vector.shape_cast %get3A_344 : vector<1x16xf32> to vector<16xf32>
        %get3A_346 = arith.index_cast %scan3A_105 : i32 to index
        %get3A_347 = arith.constant 272 : index
        %get3A_348 = tpu.vector_load %arg10[%get3A_346, %get3A_347] {strides = array<i32>} : memref<16x768xf32, #tpu.memory_space<vmem>>, vector<1x16xf32>,
        %get3A_349 = vector.shape_cast %get3A_348 : vector<1x16xf32> to vector<16xf32>
        %add3A_350 = arith.addf %get3A_345, %get3A_349 : vector<16xf32>
        %swap3A_351 = arith.index_cast %scan3A_105 : i32 to index
        %swap3A_352 = arith.constant 272 : index
        %swap3A_353 = tpu.vector_load %arg12[%swap3A_351, %swap3A_352] {strides = array<i32>} : memref<16x768xf32, #tpu.memory_space<vmem>>, vector<1x16xf32>,
        %swap3A_354 = vector.shape_cast %swap3A_353 : vector<1x16xf32> to vector<16xf32>
        %swap3A_355 = vector.shape_cast %add3A_350 : vector<16xf32> to vector<1x16xf32>
        tpu.vector_store %arg12[%swap3A_351, %swap3A_352], %swap3A_355 {strides = array<i32>} : memref<16x768xf32, #tpu.memory_space<vmem>>, vector<1x16xf32>,
        %get3A_356 = arith.index_cast %scan3A_105 : i32 to index
        %get3A_357 = arith.constant 288 : index
        %get3A_358 = tpu.vector_load %arg8[%get3A_356, %get3A_357] {strides = array<i32>} : memref<16x768xf32, #tpu.memory_space<vmem>>, vector<1x16xf32>,
        %get3A_359 = vector.shape_cast %get3A_358 : vector<1x16xf32> to vector<16xf32>
        %get3A_360 = arith.index_cast %scan3A_105 : i32 to index
        %get3A_361 = arith.constant 288 : index
        %get3A_362 = tpu.vector_load %arg10[%get3A_360, %get3A_361] {strides = array<i32>} : memref<16x768xf32, #tpu.memory_space<vmem>>, vector<1x16xf32>,
        %get3A_363 = vector.shape_cast %get3A_362 : vector<1x16xf32> to vector<16xf32>
        %add3A_364 = arith.addf %get3A_359, %get3A_363 : vector<16xf32>
        %swap3A_365 = arith.index_cast %scan3A_105 : i32 to index
        %swap3A_366 = arith.constant 288 : index
        %swap3A_367 = tpu.vector_load %arg12[%swap3A_365, %swap3A_366] {strides = array<i32>} : memref<16x768xf32, #tpu.memory_space<vmem>>, vector<1x16xf32>,
        %swap3A_368 = vector.shape_cast %swap3A_367 : vector<1x16xf32> to vector<16xf32>
        %swap3A_369 = vector.shape_cast %add3A_364 : vector<16xf32> to vector<1x16xf32>
        tpu.vector_store %arg12[%swap3A_365, %swap3A_366], %swap3A_369 {strides = array<i32>} : memref<16x768xf32, #tpu.memory_space<vmem>>, vector<1x16xf32>,
        %get3A_370 = arith.index_cast %scan3A_105 : i32 to index
        %get3A_371 = arith.constant 304 : index
        %get3A_372 = tpu.vector_load %arg8[%get3A_370, %get3A_371] {strides = array<i32>} : memref<16x768xf32, #tpu.memory_space<vmem>>, vector<1x16xf32>,
        %get3A_373 = vector.shape_cast %get3A_372 : vector<1x16xf32> to vector<16xf32>
        %get3A_374 = arith.index_cast %scan3A_105 : i32 to index
        %get3A_375 = arith.constant 304 : index
        %get3A_376 = tpu.vector_load %arg10[%get3A_374, %get3A_375] {strides = array<i32>} : memref<16x768xf32, #tpu.memory_space<vmem>>, vector<1x16xf32>,
        %get3A_377 = vector.shape_cast %get3A_376 : vector<1x16xf32> to vector<16xf32>
        %add3A_378 = arith.addf %get3A_373, %get3A_377 : vector<16xf32>
        %swap3A_379 = arith.index_cast %scan3A_105 : i32 to index
        %swap3A_380 = arith.constant 304 : index
        %swap3A_381 = tpu.vector_load %arg12[%swap3A_379, %swap3A_380] {strides = array<i32>} : memref<16x768xf32, #tpu.memory_space<vmem>>, vector<1x16xf32>,
        %swap3A_382 = vector.shape_cast %swap3A_381 : vector<1x16xf32> to vector<16xf32>
        %swap3A_383 = vector.shape_cast %add3A_378 : vector<16xf32> to vector<1x16xf32>
        tpu.vector_store %arg12[%swap3A_379, %swap3A_380], %swap3A_383 {strides = array<i32>} : memref<16x768xf32, #tpu.memory_space<vmem>>, vector<1x16xf32>,
        %get3A_384 = arith.index_cast %scan3A_105 : i32 to index
        %get3A_385 = arith.constant 320 : index
        %get3A_386 = tpu.vector_load %arg8[%get3A_384, %get3A_385] {strides = array<i32>} : memref<16x768xf32, #tpu.memory_space<vmem>>, vector<1x16xf32>,
        %get3A_387 = vector.shape_cast %get3A_386 : vector<1x16xf32> to vector<16xf32>
        %get3A_388 = arith.index_cast %scan3A_105 : i32 to index
        %get3A_389 = arith.constant 320 : index
        %get3A_390 = tpu.vector_load %arg10[%get3A_388, %get3A_389] {strides = array<i32>} : memref<16x768xf32, #tpu.memory_space<vmem>>, vector<1x16xf32>,
        %get3A_391 = vector.shape_cast %get3A_390 : vector<1x16xf32> to vector<16xf32>
        %add3A_392 = arith.addf %get3A_387, %get3A_391 : vector<16xf32>
        %swap3A_393 = arith.index_cast %scan3A_105 : i32 to index
        %swap3A_394 = arith.constant 320 : index
        %swap3A_395 = tpu.vector_load %arg12[%swap3A_393, %swap3A_394] {strides = array<i32>} : memref<16x768xf32, #tpu.memory_space<vmem>>, vector<1x16xf32>,
        %swap3A_396 = vector.shape_cast %swap3A_395 : vector<1x16xf32> to vector<16xf32>
        %swap3A_397 = vector.shape_cast %add3A_392 : vector<16xf32> to vector<1x16xf32>
        tpu.vector_store %arg12[%swap3A_393, %swap3A_394], %swap3A_397 {strides = array<i32>} : memref<16x768xf32, #tpu.memory_space<vmem>>, vector<1x16xf32>,
        %get3A_398 = arith.index_cast %scan3A_105 : i32 to index
        %get3A_399 = arith.constant 336 : index
        %get3A_400 = tpu.vector_load %arg8[%get3A_398, %get3A_399] {strides = array<i32>} : memref<16x768xf32, #tpu.memory_space<vmem>>, vector<1x16xf32>,
        %get3A_401 = vector.shape_cast %get3A_400 : vector<1x16xf32> to vector<16xf32>
        %get3A_402 = arith.index_cast %scan3A_105 : i32 to index
        %get3A_403 = arith.constant 336 : index
        %get3A_404 = tpu.vector_load %arg10[%get3A_402, %get3A_403] {strides = array<i32>} : memref<16x768xf32, #tpu.memory_space<vmem>>, vector<1x16xf32>,
        %get3A_405 = vector.shape_cast %get3A_404 : vector<1x16xf32> to vector<16xf32>
        %add3A_406 = arith.addf %get3A_401, %get3A_405 : vector<16xf32>
        %swap3A_407 = arith.index_cast %scan3A_105 : i32 to index
        %swap3A_408 = arith.constant 336 : index
        %swap3A_409 = tpu.vector_load %arg12[%swap3A_407, %swap3A_408] {strides = array<i32>} : memref<16x768xf32, #tpu.memory_space<vmem>>, vector<1x16xf32>,
        %swap3A_410 = vector.shape_cast %swap3A_409 : vector<1x16xf32> to vector<16xf32>
        %swap3A_411 = vector.shape_cast %add3A_406 : vector<16xf32> to vector<1x16xf32>
        tpu.vector_store %arg12[%swap3A_407, %swap3A_408], %swap3A_411 {strides = array<i32>} : memref<16x768xf32, #tpu.memory_space<vmem>>, vector<1x16xf32>,
        %get3A_412 = arith.index_cast %scan3A_105 : i32 to index
        %get3A_413 = arith.constant 352 : index
        %get3A_414 = tpu.vector_load %arg8[%get3A_412, %get3A_413] {strides = array<i32>} : memref<16x768xf32, #tpu.memory_space<vmem>>, vector<1x16xf32>,
        %get3A_415 = vector.shape_cast %get3A_414 : vector<1x16xf32> to vector<16xf32>
        %get3A_416 = arith.index_cast %scan3A_105 : i32 to index
        %get3A_417 = arith.constant 352 : index
        %get3A_418 = tpu.vector_load %arg10[%get3A_416, %get3A_417] {strides = array<i32>} : memref<16x768xf32, #tpu.memory_space<vmem>>, vector<1x16xf32>,
        %get3A_419 = vector.shape_cast %get3A_418 : vector<1x16xf32> to vector<16xf32>
        %add3A_420 = arith.addf %get3A_415, %get3A_419 : vector<16xf32>
        %swap3A_421 = arith.index_cast %scan3A_105 : i32 to index
        %swap3A_422 = arith.constant 352 : index
        %swap3A_423 = tpu.vector_load %arg12[%swap3A_421, %swap3A_422] {strides = array<i32>} : memref<16x768xf32, #tpu.memory_space<vmem>>, vector<1x16xf32>,
        %swap3A_424 = vector.shape_cast %swap3A_423 : vector<1x16xf32> to vector<16xf32>
        %swap3A_425 = vector.shape_cast %add3A_420 : vector<16xf32> to vector<1x16xf32>
        tpu.vector_store %arg12[%swap3A_421, %swap3A_422], %swap3A_425 {strides = array<i32>} : memref<16x768xf32, #tpu.memory_space<vmem>>, vector<1x16xf32>,
        %get3A_426 = arith.index_cast %scan3A_105 : i32 to index
        %get3A_427 = arith.constant 368 : index
        %get3A_428 = tpu.vector_load %arg8[%get3A_426, %get3A_427] {strides = array<i32>} : memref<16x768xf32, #tpu.memory_space<vmem>>, vector<1x16xf32>,
        %get3A_429 = vector.shape_cast %get3A_428 : vector<1x16xf32> to vector<16xf32>
        %get3A_430 = arith.index_cast %scan3A_105 : i32 to index
        %get3A_431 = arith.constant 368 : index
        %get3A_432 = tpu.vector_load %arg10[%get3A_430, %get3A_431] {strides = array<i32>} : memref<16x768xf32, #tpu.memory_space<vmem>>, vector<1x16xf32>,
        %get3A_433 = vector.shape_cast %get3A_432 : vector<1x16xf32> to vector<16xf32>
        %add3A_434 = arith.addf %get3A_429, %get3A_433 : vector<16xf32>
        %swap3A_435 = arith.index_cast %scan3A_105 : i32 to index
        %swap3A_436 = arith.constant 368 : index
        %swap3A_437 = tpu.vector_load %arg12[%swap3A_435, %swap3A_436] {strides = array<i32>} : memref<16x768xf32, #tpu.memory_space<vmem>>, vector<1x16xf32>,
        %swap3A_438 = vector.shape_cast %swap3A_437 : vector<1x16xf32> to vector<16xf32>
        %swap3A_439 = vector.shape_cast %add3A_434 : vector<16xf32> to vector<1x16xf32>
        tpu.vector_store %arg12[%swap3A_435, %swap3A_436], %swap3A_439 {strides = array<i32>} : memref<16x768xf32, #tpu.memory_space<vmem>>, vector<1x16xf32>,
        %get3A_440 = arith.index_cast %scan3A_105 : i32 to index
        %get3A_441 = arith.constant 384 : index
        %get3A_442 = tpu.vector_load %arg8[%get3A_440, %get3A_441] {strides = array<i32>} : memref<16x768xf32, #tpu.memory_space<vmem>>, vector<1x16xf32>,
        %get3A_443 = vector.shape_cast %get3A_442 : vector<1x16xf32> to vector<16xf32>
        %get3A_444 = arith.index_cast %scan3A_105 : i32 to index
        %get3A_445 = arith.constant 384 : index
        %get3A_446 = tpu.vector_load %arg10[%get3A_444, %get3A_445] {strides = array<i32>} : memref<16x768xf32, #tpu.memory_space<vmem>>, vector<1x16xf32>,
        %get3A_447 = vector.shape_cast %get3A_446 : vector<1x16xf32> to vector<16xf32>
        %add3A_448 = arith.addf %get3A_443, %get3A_447 : vector<16xf32>
        %swap3A_449 = arith.index_cast %scan3A_105 : i32 to index
        %swap3A_450 = arith.constant 384 : index
        %swap3A_451 = tpu.vector_load %arg12[%swap3A_449, %swap3A_450] {strides = array<i32>} : memref<16x768xf32, #tpu.memory_space<vmem>>, vector<1x16xf32>,
        %swap3A_452 = vector.shape_cast %swap3A_451 : vector<1x16xf32> to vector<16xf32>
        %swap3A_453 = vector.shape_cast %add3A_448 : vector<16xf32> to vector<1x16xf32>
        tpu.vector_store %arg12[%swap3A_449, %swap3A_450], %swap3A_453 {strides = array<i32>} : memref<16x768xf32, #tpu.memory_space<vmem>>, vector<1x16xf32>,
        %get3A_454 = arith.index_cast %scan3A_105 : i32 to index
        %get3A_455 = arith.constant 400 : index
        %get3A_456 = tpu.vector_load %arg8[%get3A_454, %get3A_455] {strides = array<i32>} : memref<16x768xf32, #tpu.memory_space<vmem>>, vector<1x16xf32>,
        %get3A_457 = vector.shape_cast %get3A_456 : vector<1x16xf32> to vector<16xf32>
        %get3A_458 = arith.index_cast %scan3A_105 : i32 to index
        %get3A_459 = arith.constant 400 : index
        %get3A_460 = tpu.vector_load %arg10[%get3A_458, %get3A_459] {strides = array<i32>} : memref<16x768xf32, #tpu.memory_space<vmem>>, vector<1x16xf32>,
        %get3A_461 = vector.shape_cast %get3A_460 : vector<1x16xf32> to vector<16xf32>
        %add3A_462 = arith.addf %get3A_457, %get3A_461 : vector<16xf32>
        %swap3A_463 = arith.index_cast %scan3A_105 : i32 to index
        %swap3A_464 = arith.constant 400 : index
        %swap3A_465 = tpu.vector_load %arg12[%swap3A_463, %swap3A_464] {strides = array<i32>} : memref<16x768xf32, #tpu.memory_space<vmem>>, vector<1x16xf32>,
        %swap3A_466 = vector.shape_cast %swap3A_465 : vector<1x16xf32> to vector<16xf32>
        %swap3A_467 = vector.shape_cast %add3A_462 : vector<16xf32> to vector<1x16xf32>
        tpu.vector_store %arg12[%swap3A_463, %swap3A_464], %swap3A_467 {strides = array<i32>} : memref<16x768xf32, #tpu.memory_space<vmem>>, vector<1x16xf32>,
        %get3A_468 = arith.index_cast %scan3A_105 : i32 to index
        %get3A_469 = arith.constant 416 : index
        %get3A_470 = tpu.vector_load %arg8[%get3A_468, %get3A_469] {strides = array<i32>} : memref<16x768xf32, #tpu.memory_space<vmem>>, vector<1x16xf32>,
        %get3A_471 = vector.shape_cast %get3A_470 : vector<1x16xf32> to vector<16xf32>
        %get3A_472 = arith.index_cast %scan3A_105 : i32 to index
        %get3A_473 = arith.constant 416 : index
        %get3A_474 = tpu.vector_load %arg10[%get3A_472, %get3A_473] {strides = array<i32>} : memref<16x768xf32, #tpu.memory_space<vmem>>, vector<1x16xf32>,
        %get3A_475 = vector.shape_cast %get3A_474 : vector<1x16xf32> to vector<16xf32>
        %add3A_476 = arith.addf %get3A_471, %get3A_475 : vector<16xf32>
        %swap3A_477 = arith.index_cast %scan3A_105 : i32 to index
        %swap3A_478 = arith.constant 416 : index
        %swap3A_479 = tpu.vector_load %arg12[%swap3A_477, %swap3A_478] {strides = array<i32>} : memref<16x768xf32, #tpu.memory_space<vmem>>, vector<1x16xf32>,
        %swap3A_480 = vector.shape_cast %swap3A_479 : vector<1x16xf32> to vector<16xf32>
        %swap3A_481 = vector.shape_cast %add3A_476 : vector<16xf32> to vector<1x16xf32>
        tpu.vector_store %arg12[%swap3A_477, %swap3A_478], %swap3A_481 {strides = array<i32>} : memref<16x768xf32, #tpu.memory_space<vmem>>, vector<1x16xf32>,
        %get3A_482 = arith.index_cast %scan3A_105 : i32 to index
        %get3A_483 = arith.constant 432 : index
        %get3A_484 = tpu.vector_load %arg8[%get3A_482, %get3A_483] {strides = array<i32>} : memref<16x768xf32, #tpu.memory_space<vmem>>, vector<1x16xf32>,
        %get3A_485 = vector.shape_cast %get3A_484 : vector<1x16xf32> to vector<16xf32>
        %get3A_486 = arith.index_cast %scan3A_105 : i32 to index
        %get3A_487 = arith.constant 432 : index
        %get3A_488 = tpu.vector_load %arg10[%get3A_486, %get3A_487] {strides = array<i32>} : memref<16x768xf32, #tpu.memory_space<vmem>>, vector<1x16xf32>,
        %get3A_489 = vector.shape_cast %get3A_488 : vector<1x16xf32> to vector<16xf32>
        %add3A_490 = arith.addf %get3A_485, %get3A_489 : vector<16xf32>
        %swap3A_491 = arith.index_cast %scan3A_105 : i32 to index
        %swap3A_492 = arith.constant 432 : index
        %swap3A_493 = tpu.vector_load %arg12[%swap3A_491, %swap3A_492] {strides = array<i32>} : memref<16x768xf32, #tpu.memory_space<vmem>>, vector<1x16xf32>,
        %swap3A_494 = vector.shape_cast %swap3A_493 : vector<1x16xf32> to vector<16xf32>
        %swap3A_495 = vector.shape_cast %add3A_490 : vector<16xf32> to vector<1x16xf32>
        tpu.vector_store %arg12[%swap3A_491, %swap3A_492], %swap3A_495 {strides = array<i32>} : memref<16x768xf32, #tpu.memory_space<vmem>>, vector<1x16xf32>,
        %get3A_496 = arith.index_cast %scan3A_105 : i32 to index
        %get3A_497 = arith.constant 448 : index
        %get3A_498 = tpu.vector_load %arg8[%get3A_496, %get3A_497] {strides = array<i32>} : memref<16x768xf32, #tpu.memory_space<vmem>>, vector<1x16xf32>,
        %get3A_499 = vector.shape_cast %get3A_498 : vector<1x16xf32> to vector<16xf32>
        %get3A_500 = arith.index_cast %scan3A_105 : i32 to index
        %get3A_501 = arith.constant 448 : index
        %get3A_502 = tpu.vector_load %arg10[%get3A_500, %get3A_501] {strides = array<i32>} : memref<16x768xf32, #tpu.memory_space<vmem>>, vector<1x16xf32>,
        %get3A_503 = vector.shape_cast %get3A_502 : vector<1x16xf32> to vector<16xf32>
        %add3A_504 = arith.addf %get3A_499, %get3A_503 : vector<16xf32>
        %swap3A_505 = arith.index_cast %scan3A_105 : i32 to index
        %swap3A_506 = arith.constant 448 : index
        %swap3A_507 = tpu.vector_load %arg12[%swap3A_505, %swap3A_506] {strides = array<i32>} : memref<16x768xf32, #tpu.memory_space<vmem>>, vector<1x16xf32>,
        %swap3A_508 = vector.shape_cast %swap3A_507 : vector<1x16xf32> to vector<16xf32>
        %swap3A_509 = vector.shape_cast %add3A_504 : vector<16xf32> to vector<1x16xf32>
        tpu.vector_store %arg12[%swap3A_505, %swap3A_506], %swap3A_509 {strides = array<i32>} : memref<16x768xf32, #tpu.memory_space<vmem>>, vector<1x16xf32>,
        %get3A_510 = arith.index_cast %scan3A_105 : i32 to index
        %get3A_511 = arith.constant 464 : index
        %get3A_512 = tpu.vector_load %arg8[%get3A_510, %get3A_511] {strides = array<i32>} : memref<16x768xf32, #tpu.memory_space<vmem>>, vector<1x16xf32>,
        %get3A_513 = vector.shape_cast %get3A_512 : vector<1x16xf32> to vector<16xf32>
        %get3A_514 = arith.index_cast %scan3A_105 : i32 to index
        %get3A_515 = arith.constant 464 : index
        %get3A_516 = tpu.vector_load %arg10[%get3A_514, %get3A_515] {strides = array<i32>} : memref<16x768xf32, #tpu.memory_space<vmem>>, vector<1x16xf32>,
        %get3A_517 = vector.shape_cast %get3A_516 : vector<1x16xf32> to vector<16xf32>
        %add3A_518 = arith.addf %get3A_513, %get3A_517 : vector<16xf32>
        %swap3A_519 = arith.index_cast %scan3A_105 : i32 to index
        %swap3A_520 = arith.constant 464 : index
        %swap3A_521 = tpu.vector_load %arg12[%swap3A_519, %swap3A_520] {strides = array<i32>} : memref<16x768xf32, #tpu.memory_space<vmem>>, vector<1x16xf32>,
        %swap3A_522 = vector.shape_cast %swap3A_521 : vector<1x16xf32> to vector<16xf32>
        %swap3A_523 = vector.shape_cast %add3A_518 : vector<16xf32> to vector<1x16xf32>
        tpu.vector_store %arg12[%swap3A_519, %swap3A_520], %swap3A_523 {strides = array<i32>} : memref<16x768xf32, #tpu.memory_space<vmem>>, vector<1x16xf32>,
        %get3A_524 = arith.index_cast %scan3A_105 : i32 to index
        %get3A_525 = arith.constant 480 : index
        %get3A_526 = tpu.vector_load %arg8[%get3A_524, %get3A_525] {strides = array<i32>} : memref<16x768xf32, #tpu.memory_space<vmem>>, vector<1x16xf32>,
        %get3A_527 = vector.shape_cast %get3A_526 : vector<1x16xf32> to vector<16xf32>
        %get3A_528 = arith.index_cast %scan3A_105 : i32 to index
        %get3A_529 = arith.constant 480 : index
        %get3A_530 = tpu.vector_load %arg10[%get3A_528, %get3A_529] {strides = array<i32>} : memref<16x768xf32, #tpu.memory_space<vmem>>, vector<1x16xf32>,
        %get3A_531 = vector.shape_cast %get3A_530 : vector<1x16xf32> to vector<16xf32>
        %add3A_532 = arith.addf %get3A_527, %get3A_531 : vector<16xf32>
        %swap3A_533 = arith.index_cast %scan3A_105 : i32 to index
        %swap3A_534 = arith.constant 480 : index
        %swap3A_535 = tpu.vector_load %arg12[%swap3A_533, %swap3A_534] {strides = array<i32>} : memref<16x768xf32, #tpu.memory_space<vmem>>, vector<1x16xf32>,
        %swap3A_536 = vector.shape_cast %swap3A_535 : vector<1x16xf32> to vector<16xf32>
        %swap3A_537 = vector.shape_cast %add3A_532 : vector<16xf32> to vector<1x16xf32>
        tpu.vector_store %arg12[%swap3A_533, %swap3A_534], %swap3A_537 {strides = array<i32>} : memref<16x768xf32, #tpu.memory_space<vmem>>, vector<1x16xf32>,
        %get3A_538 = arith.index_cast %scan3A_105 : i32 to index
        %get3A_539 = arith.constant 496 : index
        %get3A_540 = tpu.vector_load %arg8[%get3A_538, %get3A_539] {strides = array<i32>} : memref<16x768xf32, #tpu.memory_space<vmem>>, vector<1x16xf32>,
        %get3A_541 = vector.shape_cast %get3A_540 : vector<1x16xf32> to vector<16xf32>
        %get3A_542 = arith.index_cast %scan3A_105 : i32 to index
        %get3A_543 = arith.constant 496 : index
        %get3A_544 = tpu.vector_load %arg10[%get3A_542, %get3A_543] {strides = array<i32>} : memref<16x768xf32, #tpu.memory_space<vmem>>, vector<1x16xf32>,
        %get3A_545 = vector.shape_cast %get3A_544 : vector<1x16xf32> to vector<16xf32>
        %add3A_546 = arith.addf %get3A_541, %get3A_545 : vector<16xf32>
        %swap3A_547 = arith.index_cast %scan3A_105 : i32 to index
        %swap3A_548 = arith.constant 496 : index
        %swap3A_549 = tpu.vector_load %arg12[%swap3A_547, %swap3A_548] {strides = array<i32>} : memref<16x768xf32, #tpu.memory_space<vmem>>, vector<1x16xf32>,
        %swap3A_550 = vector.shape_cast %swap3A_549 : vector<1x16xf32> to vector<16xf32>
        %swap3A_551 = vector.shape_cast %add3A_546 : vector<16xf32> to vector<1x16xf32>
        tpu.vector_store %arg12[%swap3A_547, %swap3A_548], %swap3A_551 {strides = array<i32>} : memref<16x768xf32, #tpu.memory_space<vmem>>, vector<1x16xf32>,
        %get3A_552 = arith.index_cast %scan3A_105 : i32 to index
        %get3A_553 = arith.constant 512 : index
        %get3A_554 = tpu.vector_load %arg8[%get3A_552, %get3A_553] {strides = array<i32>} : memref<16x768xf32, #tpu.memory_space<vmem>>, vector<1x16xf32>,
        %get3A_555 = vector.shape_cast %get3A_554 : vector<1x16xf32> to vector<16xf32>
        %get3A_556 = arith.index_cast %scan3A_105 : i32 to index
        %get3A_557 = arith.constant 512 : index
        %get3A_558 = tpu.vector_load %arg10[%get3A_556, %get3A_557] {strides = array<i32>} : memref<16x768xf32, #tpu.memory_space<vmem>>, vector<1x16xf32>,
        %get3A_559 = vector.shape_cast %get3A_558 : vector<1x16xf32> to vector<16xf32>
        %add3A_560 = arith.addf %get3A_555, %get3A_559 : vector<16xf32>
        %swap3A_561 = arith.index_cast %scan3A_105 : i32 to index
        %swap3A_562 = arith.constant 512 : index
        %swap3A_563 = tpu.vector_load %arg12[%swap3A_561, %swap3A_562] {strides = array<i32>} : memref<16x768xf32, #tpu.memory_space<vmem>>, vector<1x16xf32>,
        %swap3A_564 = vector.shape_cast %swap3A_563 : vector<1x16xf32> to vector<16xf32>
        %swap3A_565 = vector.shape_cast %add3A_560 : vector<16xf32> to vector<1x16xf32>
        tpu.vector_store %arg12[%swap3A_561, %swap3A_562], %swap3A_565 {strides = array<i32>} : memref<16x768xf32, #tpu.memory_space<vmem>>, vector<1x16xf32>,
        %get3A_566 = arith.index_cast %scan3A_105 : i32 to index
        %get3A_567 = arith.constant 528 : index
        %get3A_568 = tpu.vector_load %arg8[%get3A_566, %get3A_567] {strides = array<i32>} : memref<16x768xf32, #tpu.memory_space<vmem>>, vector<1x16xf32>,
        %get3A_569 = vector.shape_cast %get3A_568 : vector<1x16xf32> to vector<16xf32>
        %get3A_570 = arith.index_cast %scan3A_105 : i32 to index
        %get3A_571 = arith.constant 528 : index
        %get3A_572 = tpu.vector_load %arg10[%get3A_570, %get3A_571] {strides = array<i32>} : memref<16x768xf32, #tpu.memory_space<vmem>>, vector<1x16xf32>,
        %get3A_573 = vector.shape_cast %get3A_572 : vector<1x16xf32> to vector<16xf32>
        %add3A_574 = arith.addf %get3A_569, %get3A_573 : vector<16xf32>
        %swap3A_575 = arith.index_cast %scan3A_105 : i32 to index
        %swap3A_576 = arith.constant 528 : index
        %swap3A_577 = tpu.vector_load %arg12[%swap3A_575, %swap3A_576] {strides = array<i32>} : memref<16x768xf32, #tpu.memory_space<vmem>>, vector<1x16xf32>,
        %swap3A_578 = vector.shape_cast %swap3A_577 : vector<1x16xf32> to vector<16xf32>
        %swap3A_579 = vector.shape_cast %add3A_574 : vector<16xf32> to vector<1x16xf32>
        tpu.vector_store %arg12[%swap3A_575, %swap3A_576], %swap3A_579 {strides = array<i32>} : memref<16x768xf32, #tpu.memory_space<vmem>>, vector<1x16xf32>,
        %get3A_580 = arith.index_cast %scan3A_105 : i32 to index
        %get3A_581 = arith.constant 544 : index
        %get3A_582 = tpu.vector_load %arg8[%get3A_580, %get3A_581] {strides = array<i32>} : memref<16x768xf32, #tpu.memory_space<vmem>>, vector<1x16xf32>,
        %get3A_583 = vector.shape_cast %get3A_582 : vector<1x16xf32> to vector<16xf32>
        %get3A_584 = arith.index_cast %scan3A_105 : i32 to index
        %get3A_585 = arith.constant 544 : index
        %get3A_586 = tpu.vector_load %arg10[%get3A_584, %get3A_585] {strides = array<i32>} : memref<16x768xf32, #tpu.memory_space<vmem>>, vector<1x16xf32>,
        %get3A_587 = vector.shape_cast %get3A_586 : vector<1x16xf32> to vector<16xf32>
        %add3A_588 = arith.addf %get3A_583, %get3A_587 : vector<16xf32>
        %swap3A_589 = arith.index_cast %scan3A_105 : i32 to index
        %swap3A_590 = arith.constant 544 : index
        %swap3A_591 = tpu.vector_load %arg12[%swap3A_589, %swap3A_590] {strides = array<i32>} : memref<16x768xf32, #tpu.memory_space<vmem>>, vector<1x16xf32>,
        %swap3A_592 = vector.shape_cast %swap3A_591 : vector<1x16xf32> to vector<16xf32>
        %swap3A_593 = vector.shape_cast %add3A_588 : vector<16xf32> to vector<1x16xf32>
        tpu.vector_store %arg12[%swap3A_589, %swap3A_590], %swap3A_593 {strides = array<i32>} : memref<16x768xf32, #tpu.memory_space<vmem>>, vector<1x16xf32>,
        %get3A_594 = arith.index_cast %scan3A_105 : i32 to index
        %get3A_595 = arith.constant 560 : index
        %get3A_596 = tpu.vector_load %arg8[%get3A_594, %get3A_595] {strides = array<i32>} : memref<16x768xf32, #tpu.memory_space<vmem>>, vector<1x16xf32>,
        %get3A_597 = vector.shape_cast %get3A_596 : vector<1x16xf32> to vector<16xf32>
        %get3A_598 = arith.index_cast %scan3A_105 : i32 to index
        %get3A_599 = arith.constant 560 : index
        %get3A_600 = tpu.vector_load %arg10[%get3A_598, %get3A_599] {strides = array<i32>} : memref<16x768xf32, #tpu.memory_space<vmem>>, vector<1x16xf32>,
        %get3A_601 = vector.shape_cast %get3A_600 : vector<1x16xf32> to vector<16xf32>
        %add3A_602 = arith.addf %get3A_597, %get3A_601 : vector<16xf32>
        %swap3A_603 = arith.index_cast %scan3A_105 : i32 to index
        %swap3A_604 = arith.constant 560 : index
        %swap3A_605 = tpu.vector_load %arg12[%swap3A_603, %swap3A_604] {strides = array<i32>} : memref<16x768xf32, #tpu.memory_space<vmem>>, vector<1x16xf32>,
        %swap3A_606 = vector.shape_cast %swap3A_605 : vector<1x16xf32> to vector<16xf32>
        %swap3A_607 = vector.shape_cast %add3A_602 : vector<16xf32> to vector<1x16xf32>
        tpu.vector_store %arg12[%swap3A_603, %swap3A_604], %swap3A_607 {strides = array<i32>} : memref<16x768xf32, #tpu.memory_space<vmem>>, vector<1x16xf32>,
        %get3A_608 = arith.index_cast %scan3A_105 : i32 to index
        %get3A_609 = arith.constant 576 : index
        %get3A_610 = tpu.vector_load %arg8[%get3A_608, %get3A_609] {strides = array<i32>} : memref<16x768xf32, #tpu.memory_space<vmem>>, vector<1x16xf32>,
        %get3A_611 = vector.shape_cast %get3A_610 : vector<1x16xf32> to vector<16xf32>
        %get3A_612 = arith.index_cast %scan3A_105 : i32 to index
        %get3A_613 = arith.constant 576 : index
        %get3A_614 = tpu.vector_load %arg10[%get3A_612, %get3A_613] {strides = array<i32>} : memref<16x768xf32, #tpu.memory_space<vmem>>, vector<1x16xf32>,
        %get3A_615 = vector.shape_cast %get3A_614 : vector<1x16xf32> to vector<16xf32>
        %add3A_616 = arith.addf %get3A_611, %get3A_615 : vector<16xf32>
        %swap3A_617 = arith.index_cast %scan3A_105 : i32 to index
        %swap3A_618 = arith.constant 576 : index
        %swap3A_619 = tpu.vector_load %arg12[%swap3A_617, %swap3A_618] {strides = array<i32>} : memref<16x768xf32, #tpu.memory_space<vmem>>, vector<1x16xf32>,
        %swap3A_620 = vector.shape_cast %swap3A_619 : vector<1x16xf32> to vector<16xf32>
        %swap3A_621 = vector.shape_cast %add3A_616 : vector<16xf32> to vector<1x16xf32>
        tpu.vector_store %arg12[%swap3A_617, %swap3A_618], %swap3A_621 {strides = array<i32>} : memref<16x768xf32, #tpu.memory_space<vmem>>, vector<1x16xf32>,
        %get3A_622 = arith.index_cast %scan3A_105 : i32 to index
        %get3A_623 = arith.constant 592 : index
        %get3A_624 = tpu.vector_load %arg8[%get3A_622, %get3A_623] {strides = array<i32>} : memref<16x768xf32, #tpu.memory_space<vmem>>, vector<1x16xf32>,
        %get3A_625 = vector.shape_cast %get3A_624 : vector<1x16xf32> to vector<16xf32>
        %get3A_626 = arith.index_cast %scan3A_105 : i32 to index
        %get3A_627 = arith.constant 592 : index
        %get3A_628 = tpu.vector_load %arg10[%get3A_626, %get3A_627] {strides = array<i32>} : memref<16x768xf32, #tpu.memory_space<vmem>>, vector<1x16xf32>,
        %get3A_629 = vector.shape_cast %get3A_628 : vector<1x16xf32> to vector<16xf32>
        %add3A_630 = arith.addf %get3A_625, %get3A_629 : vector<16xf32>
        %swap3A_631 = arith.index_cast %scan3A_105 : i32 to index
        %swap3A_632 = arith.constant 592 : index
        %swap3A_633 = tpu.vector_load %arg12[%swap3A_631, %swap3A_632] {strides = array<i32>} : memref<16x768xf32, #tpu.memory_space<vmem>>, vector<1x16xf32>,
        %swap3A_634 = vector.shape_cast %swap3A_633 : vector<1x16xf32> to vector<16xf32>
        %swap3A_635 = vector.shape_cast %add3A_630 : vector<16xf32> to vector<1x16xf32>
        tpu.vector_store %arg12[%swap3A_631, %swap3A_632], %swap3A_635 {strides = array<i32>} : memref<16x768xf32, #tpu.memory_space<vmem>>, vector<1x16xf32>,
        %get3A_636 = arith.index_cast %scan3A_105 : i32 to index
        %get3A_637 = arith.constant 608 : index
        %get3A_638 = tpu.vector_load %arg8[%get3A_636, %get3A_637] {strides = array<i32>} : memref<16x768xf32, #tpu.memory_space<vmem>>, vector<1x16xf32>,
        %get3A_639 = vector.shape_cast %get3A_638 : vector<1x16xf32> to vector<16xf32>
        %get3A_640 = arith.index_cast %scan3A_105 : i32 to index
        %get3A_641 = arith.constant 608 : index
        %get3A_642 = tpu.vector_load %arg10[%get3A_640, %get3A_641] {strides = array<i32>} : memref<16x768xf32, #tpu.memory_space<vmem>>, vector<1x16xf32>,
        %get3A_643 = vector.shape_cast %get3A_642 : vector<1x16xf32> to vector<16xf32>
        %add3A_644 = arith.addf %get3A_639, %get3A_643 : vector<16xf32>
        %swap3A_645 = arith.index_cast %scan3A_105 : i32 to index
        %swap3A_646 = arith.constant 608 : index
        %swap3A_647 = tpu.vector_load %arg12[%swap3A_645, %swap3A_646] {strides = array<i32>} : memref<16x768xf32, #tpu.memory_space<vmem>>, vector<1x16xf32>,
        %swap3A_648 = vector.shape_cast %swap3A_647 : vector<1x16xf32> to vector<16xf32>
        %swap3A_649 = vector.shape_cast %add3A_644 : vector<16xf32> to vector<1x16xf32>
        tpu.vector_store %arg12[%swap3A_645, %swap3A_646], %swap3A_649 {strides = array<i32>} : memref<16x768xf32, #tpu.memory_space<vmem>>, vector<1x16xf32>,
        %get3A_650 = arith.index_cast %scan3A_105 : i32 to index
        %get3A_651 = arith.constant 624 : index
        %get3A_652 = tpu.vector_load %arg8[%get3A_650, %get3A_651] {strides = array<i32>} : memref<16x768xf32, #tpu.memory_space<vmem>>, vector<1x16xf32>,
        %get3A_653 = vector.shape_cast %get3A_652 : vector<1x16xf32> to vector<16xf32>
        %get3A_654 = arith.index_cast %scan3A_105 : i32 to index
        %get3A_655 = arith.constant 624 : index
        %get3A_656 = tpu.vector_load %arg10[%get3A_654, %get3A_655] {strides = array<i32>} : memref<16x768xf32, #tpu.memory_space<vmem>>, vector<1x16xf32>,
        %get3A_657 = vector.shape_cast %get3A_656 : vector<1x16xf32> to vector<16xf32>
        %add3A_658 = arith.addf %get3A_653, %get3A_657 : vector<16xf32>
        %swap3A_659 = arith.index_cast %scan3A_105 : i32 to index
        %swap3A_660 = arith.constant 624 : index
        %swap3A_661 = tpu.vector_load %arg12[%swap3A_659, %swap3A_660] {strides = array<i32>} : memref<16x768xf32, #tpu.memory_space<vmem>>, vector<1x16xf32>,
        %swap3A_662 = vector.shape_cast %swap3A_661 : vector<1x16xf32> to vector<16xf32>
        %swap3A_663 = vector.shape_cast %add3A_658 : vector<16xf32> to vector<1x16xf32>
        tpu.vector_store %arg12[%swap3A_659, %swap3A_660], %swap3A_663 {strides = array<i32>} : memref<16x768xf32, #tpu.memory_space<vmem>>, vector<1x16xf32>,
        %get3A_664 = arith.index_cast %scan3A_105 : i32 to index
        %get3A_665 = arith.constant 640 : index
        %get3A_666 = tpu.vector_load %arg8[%get3A_664, %get3A_665] {strides = array<i32>} : memref<16x768xf32, #tpu.memory_space<vmem>>, vector<1x16xf32>,
        %get3A_667 = vector.shape_cast %get3A_666 : vector<1x16xf32> to vector<16xf32>
        %get3A_668 = arith.index_cast %scan3A_105 : i32 to index
        %get3A_669 = arith.constant 640 : index
        %get3A_670 = tpu.vector_load %arg10[%get3A_668, %get3A_669] {strides = array<i32>} : memref<16x768xf32, #tpu.memory_space<vmem>>, vector<1x16xf32>,
        %get3A_671 = vector.shape_cast %get3A_670 : vector<1x16xf32> to vector<16xf32>
        %add3A_672 = arith.addf %get3A_667, %get3A_671 : vector<16xf32>
        %swap3A_673 = arith.index_cast %scan3A_105 : i32 to index
        %swap3A_674 = arith.constant 640 : index
        %swap3A_675 = tpu.vector_load %arg12[%swap3A_673, %swap3A_674] {strides = array<i32>} : memref<16x768xf32, #tpu.memory_space<vmem>>, vector<1x16xf32>,
        %swap3A_676 = vector.shape_cast %swap3A_675 : vector<1x16xf32> to vector<16xf32>
        %swap3A_677 = vector.shape_cast %add3A_672 : vector<16xf32> to vector<1x16xf32>
        tpu.vector_store %arg12[%swap3A_673, %swap3A_674], %swap3A_677 {strides = array<i32>} : memref<16x768xf32, #tpu.memory_space<vmem>>, vector<1x16xf32>,
        %get3A_678 = arith.index_cast %scan3A_105 : i32 to index
        %get3A_679 = arith.constant 656 : index
        %get3A_680 = tpu.vector_load %arg8[%get3A_678, %get3A_679] {strides = array<i32>} : memref<16x768xf32, #tpu.memory_space<vmem>>, vector<1x16xf32>,
        %get3A_681 = vector.shape_cast %get3A_680 : vector<1x16xf32> to vector<16xf32>
        %get3A_682 = arith.index_cast %scan3A_105 : i32 to index
        %get3A_683 = arith.constant 656 : index
        %get3A_684 = tpu.vector_load %arg10[%get3A_682, %get3A_683] {strides = array<i32>} : memref<16x768xf32, #tpu.memory_space<vmem>>, vector<1x16xf32>,
        %get3A_685 = vector.shape_cast %get3A_684 : vector<1x16xf32> to vector<16xf32>
        %add3A_686 = arith.addf %get3A_681, %get3A_685 : vector<16xf32>
        %swap3A_687 = arith.index_cast %scan3A_105 : i32 to index
        %swap3A_688 = arith.constant 656 : index
        %swap3A_689 = tpu.vector_load %arg12[%swap3A_687, %swap3A_688] {strides = array<i32>} : memref<16x768xf32, #tpu.memory_space<vmem>>, vector<1x16xf32>,
        %swap3A_690 = vector.shape_cast %swap3A_689 : vector<1x16xf32> to vector<16xf32>
        %swap3A_691 = vector.shape_cast %add3A_686 : vector<16xf32> to vector<1x16xf32>
        tpu.vector_store %arg12[%swap3A_687, %swap3A_688], %swap3A_691 {strides = array<i32>} : memref<16x768xf32, #tpu.memory_space<vmem>>, vector<1x16xf32>,
        %get3A_692 = arith.index_cast %scan3A_105 : i32 to index
        %get3A_693 = arith.constant 672 : index
        %get3A_694 = tpu.vector_load %arg8[%get3A_692, %get3A_693] {strides = array<i32>} : memref<16x768xf32, #tpu.memory_space<vmem>>, vector<1x16xf32>,
        %get3A_695 = vector.shape_cast %get3A_694 : vector<1x16xf32> to vector<16xf32>
        %get3A_696 = arith.index_cast %scan3A_105 : i32 to index
        %get3A_697 = arith.constant 672 : index
        %get3A_698 = tpu.vector_load %arg10[%get3A_696, %get3A_697] {strides = array<i32>} : memref<16x768xf32, #tpu.memory_space<vmem>>, vector<1x16xf32>,
        %get3A_699 = vector.shape_cast %get3A_698 : vector<1x16xf32> to vector<16xf32>
        %add3A_700 = arith.addf %get3A_695, %get3A_699 : vector<16xf32>
        %swap3A_701 = arith.index_cast %scan3A_105 : i32 to index
        %swap3A_702 = arith.constant 672 : index
        %swap3A_703 = tpu.vector_load %arg12[%swap3A_701, %swap3A_702] {strides = array<i32>} : memref<16x768xf32, #tpu.memory_space<vmem>>, vector<1x16xf32>,
        %swap3A_704 = vector.shape_cast %swap3A_703 : vector<1x16xf32> to vector<16xf32>
        %swap3A_705 = vector.shape_cast %add3A_700 : vector<16xf32> to vector<1x16xf32>
        tpu.vector_store %arg12[%swap3A_701, %swap3A_702], %swap3A_705 {strides = array<i32>} : memref<16x768xf32, #tpu.memory_space<vmem>>, vector<1x16xf32>,
        %get3A_706 = arith.index_cast %scan3A_105 : i32 to index
        %get3A_707 = arith.constant 688 : index
        %get3A_708 = tpu.vector_load %arg8[%get3A_706, %get3A_707] {strides = array<i32>} : memref<16x768xf32, #tpu.memory_space<vmem>>, vector<1x16xf32>,
        %get3A_709 = vector.shape_cast %get3A_708 : vector<1x16xf32> to vector<16xf32>
        %get3A_710 = arith.index_cast %scan3A_105 : i32 to index
        %get3A_711 = arith.constant 688 : index
        %get3A_712 = tpu.vector_load %arg10[%get3A_710, %get3A_711] {strides = array<i32>} : memref<16x768xf32, #tpu.memory_space<vmem>>, vector<1x16xf32>,
        %get3A_713 = vector.shape_cast %get3A_712 : vector<1x16xf32> to vector<16xf32>
        %add3A_714 = arith.addf %get3A_709, %get3A_713 : vector<16xf32>
        %swap3A_715 = arith.index_cast %scan3A_105 : i32 to index
        %swap3A_716 = arith.constant 688 : index
        %swap3A_717 = tpu.vector_load %arg12[%swap3A_715, %swap3A_716] {strides = array<i32>} : memref<16x768xf32, #tpu.memory_space<vmem>>, vector<1x16xf32>,
        %swap3A_718 = vector.shape_cast %swap3A_717 : vector<1x16xf32> to vector<16xf32>
        %swap3A_719 = vector.shape_cast %add3A_714 : vector<16xf32> to vector<1x16xf32>
        tpu.vector_store %arg12[%swap3A_715, %swap3A_716], %swap3A_719 {strides = array<i32>} : memref<16x768xf32, #tpu.memory_space<vmem>>, vector<1x16xf32>,
        %get3A_720 = arith.index_cast %scan3A_105 : i32 to index
        %get3A_721 = arith.constant 704 : index
        %get3A_722 = tpu.vector_load %arg8[%get3A_720, %get3A_721] {strides = array<i32>} : memref<16x768xf32, #tpu.memory_space<vmem>>, vector<1x16xf32>,
        %get3A_723 = vector.shape_cast %get3A_722 : vector<1x16xf32> to vector<16xf32>
        %get3A_724 = arith.index_cast %scan3A_105 : i32 to index
        %get3A_725 = arith.constant 704 : index
        %get3A_726 = tpu.vector_load %arg10[%get3A_724, %get3A_725] {strides = array<i32>} : memref<16x768xf32, #tpu.memory_space<vmem>>, vector<1x16xf32>,
        %get3A_727 = vector.shape_cast %get3A_726 : vector<1x16xf32> to vector<16xf32>
        %add3A_728 = arith.addf %get3A_723, %get3A_727 : vector<16xf32>
        %swap3A_729 = arith.index_cast %scan3A_105 : i32 to index
        %swap3A_730 = arith.constant 704 : index
        %swap3A_731 = tpu.vector_load %arg12[%swap3A_729, %swap3A_730] {strides = array<i32>} : memref<16x768xf32, #tpu.memory_space<vmem>>, vector<1x16xf32>,
        %swap3A_732 = vector.shape_cast %swap3A_731 : vector<1x16xf32> to vector<16xf32>
        %swap3A_733 = vector.shape_cast %add3A_728 : vector<16xf32> to vector<1x16xf32>
        tpu.vector_store %arg12[%swap3A_729, %swap3A_730], %swap3A_733 {strides = array<i32>} : memref<16x768xf32, #tpu.memory_space<vmem>>, vector<1x16xf32>,
        %get3A_734 = arith.index_cast %scan3A_105 : i32 to index
        %get3A_735 = arith.constant 720 : index
        %get3A_736 = tpu.vector_load %arg8[%get3A_734, %get3A_735] {strides = array<i32>} : memref<16x768xf32, #tpu.memory_space<vmem>>, vector<1x16xf32>,
        %get3A_737 = vector.shape_cast %get3A_736 : vector<1x16xf32> to vector<16xf32>
        %get3A_738 = arith.index_cast %scan3A_105 : i32 to index
        %get3A_739 = arith.constant 720 : index
        %get3A_740 = tpu.vector_load %arg10[%get3A_738, %get3A_739] {strides = array<i32>} : memref<16x768xf32, #tpu.memory_space<vmem>>, vector<1x16xf32>,
        %get3A_741 = vector.shape_cast %get3A_740 : vector<1x16xf32> to vector<16xf32>
        %add3A_742 = arith.addf %get3A_737, %get3A_741 : vector<16xf32>
        %swap3A_743 = arith.index_cast %scan3A_105 : i32 to index
        %swap3A_744 = arith.constant 720 : index
        %swap3A_745 = tpu.vector_load %arg12[%swap3A_743, %swap3A_744] {strides = array<i32>} : memref<16x768xf32, #tpu.memory_space<vmem>>, vector<1x16xf32>,
        %swap3A_746 = vector.shape_cast %swap3A_745 : vector<1x16xf32> to vector<16xf32>
        %swap3A_747 = vector.shape_cast %add3A_742 : vector<16xf32> to vector<1x16xf32>
        tpu.vector_store %arg12[%swap3A_743, %swap3A_744], %swap3A_747 {strides = array<i32>} : memref<16x768xf32, #tpu.memory_space<vmem>>, vector<1x16xf32>,
        %get3A_748 = arith.index_cast %scan3A_105 : i32 to index
        %get3A_749 = arith.constant 736 : index
        %get3A_750 = tpu.vector_load %arg8[%get3A_748, %get3A_749] {strides = array<i32>} : memref<16x768xf32, #tpu.memory_space<vmem>>, vector<1x16xf32>,
        %get3A_751 = vector.shape_cast %get3A_750 : vector<1x16xf32> to vector<16xf32>
        %get3A_752 = arith.index_cast %scan3A_105 : i32 to index
        %get3A_753 = arith.constant 736 : index
        %get3A_754 = tpu.vector_load %arg10[%get3A_752, %get3A_753] {strides = array<i32>} : memref<16x768xf32, #tpu.memory_space<vmem>>, vector<1x16xf32>,
        %get3A_755 = vector.shape_cast %get3A_754 : vector<1x16xf32> to vector<16xf32>
        %add3A_756 = arith.addf %get3A_751, %get3A_755 : vector<16xf32>
        %swap3A_757 = arith.index_cast %scan3A_105 : i32 to index
        %swap3A_758 = arith.constant 736 : index
        %swap3A_759 = tpu.vector_load %arg12[%swap3A_757, %swap3A_758] {strides = array<i32>} : memref<16x768xf32, #tpu.memory_space<vmem>>, vector<1x16xf32>,
        %swap3A_760 = vector.shape_cast %swap3A_759 : vector<1x16xf32> to vector<16xf32>
        %swap3A_761 = vector.shape_cast %add3A_756 : vector<16xf32> to vector<1x16xf32>
        tpu.vector_store %arg12[%swap3A_757, %swap3A_758], %swap3A_761 {strides = array<i32>} : memref<16x768xf32, #tpu.memory_space<vmem>>, vector<1x16xf32>,
        %get3A_762 = arith.index_cast %scan3A_105 : i32 to index
        %get3A_763 = arith.constant 752 : index
        %get3A_764 = tpu.vector_load %arg8[%get3A_762, %get3A_763] {strides = array<i32>} : memref<16x768xf32, #tpu.memory_space<vmem>>, vector<1x16xf32>,
        %get3A_765 = vector.shape_cast %get3A_764 : vector<1x16xf32> to vector<16xf32>
        %get3A_766 = arith.index_cast %scan3A_105 : i32 to index
        %get3A_767 = arith.constant 752 : index
        %get3A_768 = tpu.vector_load %arg10[%get3A_766, %get3A_767] {strides = array<i32>} : memref<16x768xf32, #tpu.memory_space<vmem>>, vector<1x16xf32>,
        %get3A_769 = vector.shape_cast %get3A_768 : vector<1x16xf32> to vector<16xf32>
        %add3A_770 = arith.addf %get3A_765, %get3A_769 : vector<16xf32>
        %swap3A_771 = arith.index_cast %scan3A_105 : i32 to index
        %swap3A_772 = arith.constant 752 : index
        %swap3A_773 = tpu.vector_load %arg12[%swap3A_771, %swap3A_772] {strides = array<i32>} : memref<16x768xf32, #tpu.memory_space<vmem>>, vector<1x16xf32>,
        %swap3A_774 = vector.shape_cast %swap3A_773 : vector<1x16xf32> to vector<16xf32>
        %swap3A_775 = vector.shape_cast %add3A_770 : vector<16xf32> to vector<1x16xf32>
        tpu.vector_store %arg12[%swap3A_771, %swap3A_772], %swap3A_775 {strides = array<i32>} : memref<16x768xf32, #tpu.memory_space<vmem>>, vector<1x16xf32>,
      }
      %scan3A_92 = arith.constant 16 : i32
      %mul3A_93 = arith.constant 16 : i32
      %mul3A_94 = arith.muli %add3A_72, %mul3A_93 : i32
      %add3A_95 = arith.addi %mul3A_2, %mul3A_94 : i32
      %dma_start3A_96 = arith.constant 0 : i32
      %dma_start3A_97 = tpu.memref_slice %arg5[%add3A_95, %dma_start3A_96] : memref<4096x768xf32, #tpu.memory_space<hbm>> -> memref<16x768xf32, #tpu.memory_space<hbm>>
      %dma_start3A_98 = arith.constant 0 : i32
      %dma_start3A_99 = tpu.memref_slice %arg5[%add3A_95, %dma_start3A_98] : memref<4096x768xf32, #tpu.memory_space<hbm>> -> memref<16x768xf32, #tpu.memory_space<hbm>>
      tpu.enqueue_dma source(%arg12 : memref<16x768xf32, #tpu.memory_space<vmem>>) target(%dma_start3A_99 : memref<16x768xf32, #tpu.memory_space<hbm>>) target_semaphore(%arg18 : memref<!tpu.dma_semaphore, #tpu.memory_space<semaphore_mem>>)
      %lt3A_100 = arith.constant 3 : i32
      %lt3A_101 = arith.cmpi slt, %scan3A_36, %lt3A_100 : i32
      %convert_element_type3A_102 = arith.extui %lt3A_101 : i1 to i32
      %cond3A_103 = arith.constant 0 : i32
      %cond3A_104 = arith.cmpi ne, %convert_element_type3A_102, %cond3A_103 : i32
      scf.if %cond3A_104 {
        %add3A_105 = arith.constant 2 : i32
        %add3A_106 = arith.addi %add3A_72, %add3A_105 : i32
        %mul3A_107 = arith.constant 16 : i32
        %mul3A_108 = arith.muli %add3A_106, %mul3A_107 : i32
        %add3A_109 = arith.addi %mul3A_2, %mul3A_108 : i32
        %dma_start3A_110 = arith.constant 0 : i32
        %dma_start3A_111 = tpu.memref_slice %arg2[%add3A_109, %dma_start3A_110] : memref<16384x768xf32, #tpu.memory_space<hbm>> -> memref<16x768xf32, #tpu.memory_space<hbm>>
        %dma_start3A_112 = arith.constant 0 : i32
        %dma_start3A_113 = tpu.memref_slice %arg2[%add3A_109, %dma_start3A_112] : memref<16384x768xf32, #tpu.memory_space<hbm>> -> memref<16x768xf32, #tpu.memory_space<hbm>>
        tpu.enqueue_dma source(%dma_start3A_113 : memref<16x768xf32, #tpu.memory_space<hbm>>) target(%arg8 : memref<16x768xf32, #tpu.memory_space<vmem>>) target_semaphore(%arg14 : memref<!tpu.dma_semaphore, #tpu.memory_space<semaphore_mem>>)
        %mul3A_114 = arith.constant 16 : i32
        %mul3A_115 = arith.muli %add3A_106, %mul3A_114 : i32
        %dma_start3A_116 = tpu.memref_slice %arg6[%mul3A_115] : memref<128xi32, #tpu.memory_space<vmem>> -> memref<16xi32, #tpu.memory_space<vmem>>
        %dma_start3A_117 = arith.constant 0 : i32
        %dma_start3A_118 = arith.constant 0 : i32
        %dma_start3A_119 = tpu.memref_slice %arg4[%dma_start3A_117, %dma_start3A_118] : memref<512x768xf32, #tpu.memory_space<hbm>> -> memref<512x768xf32, #tpu.memory_space<hbm>>
        tpu.enqueue_indirect_dma source(%dma_start3A_119 : memref<512x768xf32, #tpu.memory_space<hbm>>) target(%arg10 : memref<16x768xf32, #tpu.memory_space<vmem>>) offsets(%dma_start3A_116 : memref<16xi32, #tpu.memory_space<vmem>>) semaphore(%arg16 : memref<!tpu.dma_semaphore, #tpu.memory_space<semaphore_mem>>)
      } else {
      }
    }
    %scan3A_28 = arith.constant 4 : i32
    %dma_wait3A = arith.constant 0 : i32
    %dma_wait3A_29 = tpu.memref_slice %arg5[%mul3A_2, %dma_wait3A] : memref<4096x768xf32, #tpu.memory_space<hbm>> -> memref<16x768xf32, #tpu.memory_space<hbm>>
    %dma_wait3A_30 = arith.constant 0 : i32
    %dma_wait3A_31 = tpu.memref_slice %arg5[%mul3A_2, %dma_wait3A_30] : memref<4096x768xf32, #tpu.memory_space<hbm>> -> memref<16x768xf32, #tpu.memory_space<hbm>>
    tpu.wait_dma2 semaphore(%arg17 : memref<!tpu.dma_semaphore, #tpu.memory_space<semaphore_mem>>) src(%arg11 : memref<16x768xf32, #tpu.memory_space<vmem>>) dst(%dma_wait3A_31 : memref<16x768xf32, #tpu.memory_space<hbm>>)
    %dma_wait3A_32 = arith.constant 0 : i32
    %dma_wait3A_33 = tpu.memref_slice %arg5[%mul3A_2, %dma_wait3A_32] : memref<4096x768xf32, #tpu.memory_space<hbm>> -> memref<16x768xf32, #tpu.memory_space<hbm>>
    %dma_wait3A_34 = arith.constant 0 : i32
    %dma_wait3A_35 = tpu.memref_slice %arg5[%mul3A_2, %dma_wait3A_34] : memref<4096x768xf32, #tpu.memory_space<hbm>> -> memref<16x768xf32, #tpu.memory_space<hbm>>
    tpu.wait_dma2 semaphore(%arg18 : memref<!tpu.dma_semaphore, #tpu.memory_space<semaphore_mem>>) src(%arg12 : memref<16x768xf32, #tpu.memory_space<vmem>>) dst(%dma_wait3A_35 : memref<16x768xf32, #tpu.memory_space<hbm>>)
    return
  }
}

module attributes {stable_mosaic.version = 14 : i64} {
  func.func @_table_idx_body(%arg0: memref<8x768xf32, #tpu.memory_space<vmem>>, %arg1: memref<64x768xf32, #tpu.memory_space<vmem>>, %arg2: memref<768x768xf32, #tpu.memory_space<vmem>>, %arg3: memref<768x768xf32, #tpu.memory_space<vmem>>, %arg4: memref<1x768xf32, #tpu.memory_space<vmem>>, %arg5: memref<32x512xi32, #tpu.memory_space<vmem>>, %arg6: memref<32x512xi32, #tpu.memory_space<vmem>>, %arg7: memref<512x768xf32, #tpu.memory_space<vmem>>, %arg8: memref<32x512xi32, #tpu.memory_space<vmem>>, %arg9: memref<8x768xf32, #tpu.memory_space<vmem>>, %arg10: memref<64x768xf32, #tpu.memory_space<vmem>>) attributes {dimension_semantics = [], scalar_prefetch = 0 : i64, scratch_operands = 0 : i64, tpu.core_type = #tpu.core_type<tc>} {
    %get3A = arith.constant 0 : index
    %get3A_0 = arith.constant 0 : index
    %get3A_1 = vector.load %arg0[%get3A, %get3A_0] : memref<8x768xf32, #tpu.memory_space<vmem>>, vector<8x768xf32>
    %get3A_2 = arith.constant 0 : index
    %get3A_3 = arith.constant 0 : index
    %get3A_4 = vector.load %arg2[%get3A_2, %get3A_3] : memref<768x768xf32, #tpu.memory_space<vmem>>, vector<768x768xf32>
    %dot_general3A = arith.constant dense<0.000000e+00> : vector<8x768xf32>
    %dot_general3A_5 = tpu.matmul %get3A_1, %get3A_4, %dot_general3A {dimension_numbers = #tpu.dot_dimension_numbers<[1], [1], [0], [0], [0, 0, 1, 0], [], []>, transpose_lhs_hint = false} : vector<8x768xf32>, vector<768x768xf32>, vector<8x768xf32> -> vector<8x768xf32>
    %get3A_6 = arith.constant 0 : index
    %get3A_7 = arith.constant 0 : index
    %get3A_8 = vector.load %arg1[%get3A_6, %get3A_7] : memref<64x768xf32, #tpu.memory_space<vmem>>, vector<64x768xf32>
    %get3A_9 = arith.constant 0 : index
    %get3A_10 = arith.constant 0 : index
    %get3A_11 = vector.load %arg3[%get3A_9, %get3A_10] : memref<768x768xf32, #tpu.memory_space<vmem>>, vector<768x768xf32>
    %dot_general3A_12 = arith.constant dense<0.000000e+00> : vector<64x768xf32>
    %dot_general3A_13 = tpu.matmul %get3A_8, %get3A_11, %dot_general3A_12 {dimension_numbers = #tpu.dot_dimension_numbers<[1], [1], [0], [0], [0, 0, 1, 0], [], []>, transpose_lhs_hint = false} : vector<64x768xf32>, vector<768x768xf32>, vector<64x768xf32> -> vector<64x768xf32>
    %get3A_14 = arith.constant 0 : index
    %get3A_15 = arith.constant 0 : index
    %get3A_16 = vector.load %arg4[%get3A_14, %get3A_15] : memref<1x768xf32, #tpu.memory_space<vmem>>, vector<1x768xf32>
    %add3A = vector.broadcast %get3A_16 : vector<1x768xf32> to vector<64x768xf32>
    %add3A_17 = arith.addf %dot_general3A_13, %add3A : vector<64x768xf32>
    %swap3A = arith.constant 0 : index
    %swap3A_18 = arith.constant 0 : index
    %swap3A_19 = vector.load %arg9[%swap3A, %swap3A_18] : memref<8x768xf32, #tpu.memory_space<vmem>>, vector<8x768xf32>
    tpu.vector_store %arg9[%swap3A, %swap3A_18], %dot_general3A_5 {strides = array<i32>} : memref<8x768xf32, #tpu.memory_space<vmem>>, vector<8x768xf32>,
    %swap3A_20 = arith.constant 0 : index
    %swap3A_21 = arith.constant 0 : index
    %swap3A_22 = vector.load %arg10[%swap3A_20, %swap3A_21] : memref<64x768xf32, #tpu.memory_space<vmem>>, vector<64x768xf32>
    tpu.vector_store %arg10[%swap3A_20, %swap3A_21], %add3A_17 {strides = array<i32>} : memref<64x768xf32, #tpu.memory_space<vmem>>, vector<64x768xf32>,
    %slice3A = vector.extract_strided_slice %dot_general3A_5 {offsets = [0, 0], sizes = [1, 768], strides = [1, 1]} : vector<8x768xf32> to vector<1x768xf32>
    %add3A_23 = vector.broadcast %slice3A : vector<1x768xf32> to vector<64x768xf32>
    %add3A_24 = arith.addf %add3A_17, %add3A_23 : vector<64x768xf32>
    %swap3A_25 = arith.constant 0 : index
    %swap3A_26 = arith.constant 0 : index
    %swap3A_27 = vector.load %arg7[%swap3A_25, %swap3A_26] : memref<512x768xf32, #tpu.memory_space<vmem>>, vector<64x768xf32>
    tpu.vector_store %arg7[%swap3A_25, %swap3A_26], %add3A_24 {strides = array<i32>} : memref<512x768xf32, #tpu.memory_space<vmem>>, vector<64x768xf32>,
    %slice3A_28 = vector.extract_strided_slice %dot_general3A_5 {offsets = [1, 0], sizes = [1, 768], strides = [1, 1]} : vector<8x768xf32> to vector<1x768xf32>
    %add3A_29 = vector.broadcast %slice3A_28 : vector<1x768xf32> to vector<64x768xf32>
    %add3A_30 = arith.addf %add3A_17, %add3A_29 : vector<64x768xf32>
    %swap3A_31 = arith.constant 64 : index
    %swap3A_32 = arith.constant 0 : index
    %swap3A_33 = vector.load %arg7[%swap3A_31, %swap3A_32] : memref<512x768xf32, #tpu.memory_space<vmem>>, vector<64x768xf32>
    tpu.vector_store %arg7[%swap3A_31, %swap3A_32], %add3A_30 {strides = array<i32>} : memref<512x768xf32, #tpu.memory_space<vmem>>, vector<64x768xf32>,
    %slice3A_34 = vector.extract_strided_slice %dot_general3A_5 {offsets = [2, 0], sizes = [1, 768], strides = [1, 1]} : vector<8x768xf32> to vector<1x768xf32>
    %add3A_35 = vector.broadcast %slice3A_34 : vector<1x768xf32> to vector<64x768xf32>
    %add3A_36 = arith.addf %add3A_17, %add3A_35 : vector<64x768xf32>
    %swap3A_37 = arith.constant 128 : index
    %swap3A_38 = arith.constant 0 : index
    %swap3A_39 = vector.load %arg7[%swap3A_37, %swap3A_38] : memref<512x768xf32, #tpu.memory_space<vmem>>, vector<64x768xf32>
    tpu.vector_store %arg7[%swap3A_37, %swap3A_38], %add3A_36 {strides = array<i32>} : memref<512x768xf32, #tpu.memory_space<vmem>>, vector<64x768xf32>,
    %slice3A_40 = vector.extract_strided_slice %dot_general3A_5 {offsets = [3, 0], sizes = [1, 768], strides = [1, 1]} : vector<8x768xf32> to vector<1x768xf32>
    %add3A_41 = vector.broadcast %slice3A_40 : vector<1x768xf32> to vector<64x768xf32>
    %add3A_42 = arith.addf %add3A_17, %add3A_41 : vector<64x768xf32>
    %swap3A_43 = arith.constant 192 : index
    %swap3A_44 = arith.constant 0 : index
    %swap3A_45 = vector.load %arg7[%swap3A_43, %swap3A_44] : memref<512x768xf32, #tpu.memory_space<vmem>>, vector<64x768xf32>
    tpu.vector_store %arg7[%swap3A_43, %swap3A_44], %add3A_42 {strides = array<i32>} : memref<512x768xf32, #tpu.memory_space<vmem>>, vector<64x768xf32>,
    %slice3A_46 = vector.extract_strided_slice %dot_general3A_5 {offsets = [4, 0], sizes = [1, 768], strides = [1, 1]} : vector<8x768xf32> to vector<1x768xf32>
    %add3A_47 = vector.broadcast %slice3A_46 : vector<1x768xf32> to vector<64x768xf32>
    %add3A_48 = arith.addf %add3A_17, %add3A_47 : vector<64x768xf32>
    %swap3A_49 = arith.constant 256 : index
    %swap3A_50 = arith.constant 0 : index
    %swap3A_51 = vector.load %arg7[%swap3A_49, %swap3A_50] : memref<512x768xf32, #tpu.memory_space<vmem>>, vector<64x768xf32>
    tpu.vector_store %arg7[%swap3A_49, %swap3A_50], %add3A_48 {strides = array<i32>} : memref<512x768xf32, #tpu.memory_space<vmem>>, vector<64x768xf32>,
    %slice3A_52 = vector.extract_strided_slice %dot_general3A_5 {offsets = [5, 0], sizes = [1, 768], strides = [1, 1]} : vector<8x768xf32> to vector<1x768xf32>
    %add3A_53 = vector.broadcast %slice3A_52 : vector<1x768xf32> to vector<64x768xf32>
    %add3A_54 = arith.addf %add3A_17, %add3A_53 : vector<64x768xf32>
    %swap3A_55 = arith.constant 320 : index
    %swap3A_56 = arith.constant 0 : index
    %swap3A_57 = vector.load %arg7[%swap3A_55, %swap3A_56] : memref<512x768xf32, #tpu.memory_space<vmem>>, vector<64x768xf32>
    tpu.vector_store %arg7[%swap3A_55, %swap3A_56], %add3A_54 {strides = array<i32>} : memref<512x768xf32, #tpu.memory_space<vmem>>, vector<64x768xf32>,
    %slice3A_58 = vector.extract_strided_slice %dot_general3A_5 {offsets = [6, 0], sizes = [1, 768], strides = [1, 1]} : vector<8x768xf32> to vector<1x768xf32>
    %add3A_59 = vector.broadcast %slice3A_58 : vector<1x768xf32> to vector<64x768xf32>
    %add3A_60 = arith.addf %add3A_17, %add3A_59 : vector<64x768xf32>
    %swap3A_61 = arith.constant 384 : index
    %swap3A_62 = arith.constant 0 : index
    %swap3A_63 = vector.load %arg7[%swap3A_61, %swap3A_62] : memref<512x768xf32, #tpu.memory_space<vmem>>, vector<64x768xf32>
    tpu.vector_store %arg7[%swap3A_61, %swap3A_62], %add3A_60 {strides = array<i32>} : memref<512x768xf32, #tpu.memory_space<vmem>>, vector<64x768xf32>,
    %slice3A_64 = vector.extract_strided_slice %dot_general3A_5 {offsets = [7, 0], sizes = [1, 768], strides = [1, 1]} : vector<8x768xf32> to vector<1x768xf32>
    %add3A_65 = vector.broadcast %slice3A_64 : vector<1x768xf32> to vector<64x768xf32>
    %add3A_66 = arith.addf %add3A_17, %add3A_65 : vector<64x768xf32>
    %swap3A_67 = arith.constant 448 : index
    %swap3A_68 = arith.constant 0 : index
    %swap3A_69 = vector.load %arg7[%swap3A_67, %swap3A_68] : memref<512x768xf32, #tpu.memory_space<vmem>>, vector<64x768xf32>
    tpu.vector_store %arg7[%swap3A_67, %swap3A_68], %add3A_66 {strides = array<i32>} : memref<512x768xf32, #tpu.memory_space<vmem>>, vector<64x768xf32>,
    %get3A_70 = arith.constant 0 : index
    %get3A_71 = arith.constant 0 : index
    %get3A_72 = vector.load %arg5[%get3A_70, %get3A_71] : memref<32x512xi32, #tpu.memory_space<vmem>>, vector<32x512xi32>
    %mul3A = arith.constant 64 : i32
    %mul3A_73 = vector.broadcast %mul3A : i32 to vector<32x512xi32>
    %mul3A_74 = arith.muli %get3A_72, %mul3A_73 : vector<32x512xi32>
    %get3A_75 = arith.constant 0 : index
    %get3A_76 = arith.constant 0 : index
    %get3A_77 = vector.load %arg6[%get3A_75, %get3A_76] : memref<32x512xi32, #tpu.memory_space<vmem>>, vector<32x512xi32>
    %add3A_78 = arith.addi %mul3A_74, %get3A_77 : vector<32x512xi32>
    %swap3A_79 = arith.constant 0 : index
    %swap3A_80 = arith.constant 0 : index
    %swap3A_81 = vector.load %arg8[%swap3A_79, %swap3A_80] : memref<32x512xi32, #tpu.memory_space<vmem>>, vector<32x512xi32>
    tpu.vector_store %arg8[%swap3A_79, %swap3A_80], %add3A_78 {strides = array<i32>} : memref<32x512xi32, #tpu.memory_space<vmem>>, vector<32x512xi32>,
    return
  }
}

module attributes {stable_mosaic.version = 14 : i64} {
  func.func @_tc_rows_body(%arg0: i32, %arg1: memref<1x1x512xi32, #tpu.memory_space<vmem>>, %arg2: memref<1x1x512xi32, #tpu.memory_space<vmem>>, %arg3: memref<8x768xf32, #tpu.memory_space<vmem>>, %arg4: memref<64x768xf32, #tpu.memory_space<vmem>>, %arg5: memref<512x768xf32, #tpu.memory_space<vmem>>, %arg6: memref<512x768xf32, #tpu.memory_space<vmem>>) attributes {dimension_semantics = [#tpu.dimension_semantics<arbitrary>], iteration_bounds = array<i64: 24>, scalar_prefetch = 0 : i64, scratch_operands = 0 : i64, tpu.core_type = #tpu.core_type<tc>, window_params = [{transform_indices = @transform_0, window_bounds = array<i64: 1, 1, 512>}, {transform_indices = @transform_1, window_bounds = array<i64: 1, 1, 512>}, {pipeline_mode = #tpu.pipeline_mode<synchronous>, transform_indices = @transform_2, window_bounds = array<i64: 8, 768>}, {pipeline_mode = #tpu.pipeline_mode<synchronous>, transform_indices = @transform_3, window_bounds = array<i64: 64, 768>}, {transform_indices = @transform_4, window_bounds = array<i64: 512, 768>}, {transform_indices = @transform_5, window_bounds = array<i64: 512, 768>}]} {
    %get3A = arith.constant 0 : index
    %get3A_0 = arith.constant 0 : index
    %get3A_1 = arith.constant 0 : index
    %get3A_2 = vector.load %arg1[%get3A, %get3A_0, %get3A_1] : memref<1x1x512xi32, #tpu.memory_space<vmem>>, vector<1x1x512xi32>
    %get3A_3 = vector.shape_cast %get3A_2 : vector<1x1x512xi32> to vector<1x512xi32>
    %get3A_4 = arith.constant 0 : index
    %get3A_5 = arith.constant 0 : index
    %get3A_6 = arith.constant 0 : index
    %get3A_7 = vector.load %arg2[%get3A_4, %get3A_5, %get3A_6] : memref<1x1x512xi32, #tpu.memory_space<vmem>>, vector<1x1x512xi32>
    %get3A_8 = vector.shape_cast %get3A_7 : vector<1x1x512xi32> to vector<1x512xi32>
    %iota3A = tpu.iota {dimensions = array<i32: 0>} : vector<8x512xi32>
    %eq3A = vector.broadcast %get3A_3 : vector<1x512xi32> to vector<8x512xi32>
    %eq3A_9 = arith.cmpi eq, %iota3A, %eq3A : vector<8x512xi32>
    %convert_element_type3A = arith.extui %eq3A_9 : vector<8x512xi1> to vector<8x512xi32>
    %convert_element_type3A_10 = arith.sitofp %convert_element_type3A : vector<8x512xi32> to vector<8x512xf32>
    %convert_element_type3A_11 = arith.truncf %convert_element_type3A_10 : vector<8x512xf32> to vector<8x512xbf16>
    %iota3A_12 = tpu.iota {dimensions = array<i32: 0>} : vector<64x512xi32>
    %eq3A_13 = vector.broadcast %get3A_8 : vector<1x512xi32> to vector<64x512xi32>
    %eq3A_14 = arith.cmpi eq, %iota3A_12, %eq3A_13 : vector<64x512xi32>
    %convert_element_type3A_15 = arith.extui %eq3A_14 : vector<64x512xi1> to vector<64x512xi32>
    %convert_element_type3A_16 = arith.sitofp %convert_element_type3A_15 : vector<64x512xi32> to vector<64x512xf32>
    %convert_element_type3A_17 = arith.truncf %convert_element_type3A_16 : vector<64x512xf32> to vector<64x512xbf16>
    %get3A_18 = arith.constant 0 : index
    %get3A_19 = arith.constant 0 : index
    %get3A_20 = vector.load %arg3[%get3A_18, %get3A_19] : memref<8x768xf32, #tpu.memory_space<vmem>>, vector<8x768xf32>
    %convert_element_type3A_21 = arith.truncf %get3A_20 : vector<8x768xf32> to vector<8x768xbf16>
    %dot_general3A = arith.constant dense<0.000000e+00> : vector<512x768xf32>
    %dot_general3A_22 = tpu.matmul %convert_element_type3A_11, %convert_element_type3A_21, %dot_general3A {dimension_numbers = #tpu.dot_dimension_numbers<[0], [0], [1], [1], [0, 1, 1, 1], [], []>, transpose_lhs_hint = false} : vector<8x512xbf16>, vector<8x768xbf16>, vector<512x768xf32> -> vector<512x768xf32>
    %get3A_23 = arith.constant 0 : index
    %get3A_24 = arith.constant 0 : index
    %get3A_25 = vector.load %arg4[%get3A_23, %get3A_24] : memref<64x768xf32, #tpu.memory_space<vmem>>, vector<64x768xf32>
    %convert_element_type3A_26 = arith.truncf %get3A_25 : vector<64x768xf32> to vector<64x768xbf16>
    %dot_general3A_27 = arith.constant dense<0.000000e+00> : vector<512x768xf32>
    %dot_general3A_28 = tpu.matmul %convert_element_type3A_17, %convert_element_type3A_26, %dot_general3A_27 {dimension_numbers = #tpu.dot_dimension_numbers<[0], [0], [1], [1], [0, 1, 1, 1], [], []>, transpose_lhs_hint = false} : vector<64x512xbf16>, vector<64x768xbf16>, vector<512x768xf32> -> vector<512x768xf32>
    %add3A = arith.addf %dot_general3A_22, %dot_general3A_28 : vector<512x768xf32>
    %get3A_29 = arith.constant 0 : index
    %get3A_30 = arith.constant 0 : index
    %get3A_31 = vector.load %arg5[%get3A_29, %get3A_30] : memref<512x768xf32, #tpu.memory_space<vmem>>, vector<512x768xf32>
    %add3A_32 = arith.addf %get3A_31, %add3A : vector<512x768xf32>
    %swap3A = arith.constant 0 : index
    %swap3A_33 = arith.constant 0 : index
    %swap3A_34 = vector.load %arg6[%swap3A, %swap3A_33] : memref<512x768xf32, #tpu.memory_space<vmem>>, vector<512x768xf32>
    tpu.vector_store %arg6[%swap3A, %swap3A_33], %add3A_32 {strides = array<i32>} : memref<512x768xf32, #tpu.memory_space<vmem>>, vector<512x768xf32>,
    return
  }
  func.func @transform_0(%arg0: i32) -> (i32, i32, i32) {
    %add3A = arith.constant 8 : i32
    %add3A_0 = arith.addi %arg0, %add3A : i32
    %c0_i32 = arith.constant 0 : i32
    %c0_i32_1 = arith.constant 0 : i32
    %c0_i32_2 = arith.constant 0 : i32
    return %add3A_0, %c0_i32, %c0_i32_1 : i32, i32, i32
  }
  func.func @transform_1(%arg0: i32) -> (i32, i32, i32) {
    %add3A = arith.constant 8 : i32
    %add3A_0 = arith.addi %arg0, %add3A : i32
    %c0_i32 = arith.constant 0 : i32
    %c0_i32_1 = arith.constant 0 : i32
    %c0_i32_2 = arith.constant 0 : i32
    return %add3A_0, %c0_i32, %c0_i32_1 : i32, i32, i32
  }
  func.func @transform_2(%arg0: i32) -> (i32, i32) {
    %c0_i32 = arith.constant 0 : i32
    %c0_i32_0 = arith.constant 0 : i32
    %c0_i32_1 = arith.constant 0 : i32
    return %c0_i32, %c0_i32_0 : i32, i32
  }
  func.func @transform_3(%arg0: i32) -> (i32, i32) {
    %c0_i32 = arith.constant 0 : i32
    %c0_i32_0 = arith.constant 0 : i32
    %c0_i32_1 = arith.constant 0 : i32
    return %c0_i32, %c0_i32_0 : i32, i32
  }
  func.func @transform_4(%arg0: i32) -> (i32, i32) {
    %add3A = arith.constant 8 : i32
    %add3A_0 = arith.addi %arg0, %add3A : i32
    %c0_i32 = arith.constant 0 : i32
    %c0_i32_1 = arith.constant 0 : i32
    return %add3A_0, %c0_i32 : i32, i32
  }
  func.func @transform_5(%arg0: i32) -> (i32, i32) {
    %add3A = arith.constant 8 : i32
    %add3A_0 = arith.addi %arg0, %add3A : i32
    %c0_i32 = arith.constant 0 : i32
    %c0_i32_1 = arith.constant 0 : i32
    return %add3A_0, %c0_i32 : i32, i32
  }
}

</mosaic_0001>

<sc_bundles>
// kernel: kernel.5.cloned.1.call-start
scs
__scs_entry_jumppad:
0x0: {  	(pc) =	sbr.rel $0x88, $3  }
0x1: {  	(tag) =	ssettag $0x0;
	lr =	simm.s32 $0x1  }
0x2: {  	[smem:$0x3F9A] =	sst lr;
	_ =	strace $0xD0000000  }
0x3: {  	_ = 	snop  }
0x4: {  	_ = 	snop  }
0x5: {  	_ = 	snop  }
0x6: {  	_ = 	snop  }
0x7: {  	_ = 	snop  }
__scs_overlays_trampoline_lowered:
0x8: {  	[smem:$0x3FA9] =	sst s0  }
0x9: {  	[smem:$0x3FAA] =	sst s1  }
0xa: {  	[smem:$0x3FAB] =	sst s2  }
0xb: {  	[smem:$0x3FAC] =	sst s3  }
0xc: {  	[smem:$0x3FAD] =	sst s4  }
0xd: {  	[smem:$0x3FAE] =	sst s5  }
0xe: {  	[smem:$0x3FAF] =	sst s6  }
0xf: {  	[smem:$0x3FB0] =	sst s7  }
0x10: {  	[smem:$0x3FB1] =	sst s8  }
0x11: {  	[smem:$0x3FB2] =	sst s9;
	s0 =	simm.s32 @!p0 $0x0  }
0x12: {  	s1 =	sld [smem:$0x3F98];
	s0 =	simm.s32 @p0 $0x1  }
0x13: {  	[smem:$0x3FB3] =	sst s0;
	s0 =	simm.s32 @!p1 $0x0  }
0x14: {  	s2 =	sld [smem:$0x3F97];
	s0 =	simm.s32 @p1 $0x1  }
0x15: {  	[smem:$0x3FB4] =	sst s0;
	s0 =	simm.s32 @!p2 $0x0  }
0x16: {  	s3 =	sld [smem:$0x3FDB];
	s0 =	simm.s32 @p2 $0x1  }
0x17: {  	s4 =	simm.s32 $0x1BF5;
	[smem:$0x3FB6] =	sst s0  }
0x18: {  	s0 =	sld [smem:$0x3F99];
	_ =	swait.ge [sflag:s4], $0x0  }
0x19: {  	s7 =	sld [smem:$0x3F9A]  }
0x1a: {  	s8 =	sadd.s32 $0xFFFFE003, lr  }
0x1b: {  	s9 =	sadd.s32 $0xFFFFFEF7, lr;
	s5 =	simm.s32 $0xFFFFFFFF;
	p2 =	slt.u32 s8, $0xFFFFF086  }
0x1c: {  	p1 =	slt.u32 s9, $0xF7A;
	s5 =	simm.s32 @!p2 $0x0  }
0x1d: {  	s5 =	simm.s32 @p1 $0x1;
	p0 =	seq.s32 s7, s2  }
0x1e: {  	s7 =	smul.u32 @!p0 $0xF7A, s2;
	p2 =	seq.s32 @!p0 s5, $0x0  }
0x1f: {  	s9 =	smul.u32 $0xF7A, s1;
	s8 =	simm.s32 @!p0 $0x1BF5;
	p2 =	por !p2, p0  }
0x20: {  	[sflag:s8] =	ssyncset.s32 @!p0 $0xFFFFF086;
	s6 =	sadd.s32 @!p0 s3, s7;
	s7 =	simm.s32 @!p0 $0x108  }
0x21: {  	s3 =	sadd.s32 s3, s9;
	s6 =	sadd.s32 @!p0 $0x88, s6;
	s7 =	simm.s32 @p2 $0x1082  }
0x22: {  	[simem:s7], [sflag:s8] =	dma.local @!p0 [hbm:s6], $0xF7A  }
0x23: {  	s9 =	sor.u32 $0xD0000000, s2;
	s6 =	simm.s32 $0x108;
	_ =	swait.ge @!p0 [sflag:s8], $0x0  }
0x24: {  	s3 =	sadd.s32 $0x88, s3;
	s6 =	simm.s32 @!p1 $0x1082;
	[sflag:s4] =	ssyncset.s32 $0xFFFFF086  }
0x25: {  	[simem:s6], [sflag:s4] =	dma.local [hbm:s3], $0xF7A  }
0x26: {  	[smem:$0x3F9A] =	sst s1;
	(tag) =	ssettag s2;
	_ =	strace s9  }
0x27: {  	s1 =	sld [smem:$0x3FAA]  }
0x28: {  	s2 =	sld [smem:$0x3FAB]  }
0x29: {  	s4 =	sld [smem:$0x3FAD]  }
0x2a: {  	p0 =	seq.s32 s5, $0x0;
	s5 =	sld [smem:$0x3FAE]  }
0x2b: {  	s6 =	sld [smem:$0x3FAF]  }
0x2c: {  	s7 =	sld [smem:$0x3FB0]  }
0x2d: {  	s3 =	simm.s32 $0x108;
	s8 =	sld [smem:$0x3FB1]  }
0x2e: {  	s3 =	simm.s32 @!p0 $0x1082;
	s9 =	sld [smem:$0x3FB2]  }
0x2f: {  	lr =	sadd.s32 s0, s3;
	s0 =	sld [smem:$0x3FA9]  }
0x30: {  	s3 =	sld [smem:$0x3FAC]  }
0x31: {  	[smem:$0x3FB5] =	sst s10  }
0x32: {  	s10 =	sld [smem:$0x3FB3];
	_ =	sdelay $0x3  }
0x33: {  	p0 =	seq.s32 s10, $0x1;
	s10 =	sld [smem:$0x3FB5];
	_ =	sdelay $0x3  }
0x34: {  	[smem:$0x3FB5] =	sst s10  }
0x35: {  	s10 =	sld [smem:$0x3FB4];
	_ =	sdelay $0x3  }
0x36: {  	p1 =	seq.s32 s10, $0x1;
	s10 =	sld [smem:$0x3FB5];
	_ =	sdelay $0x3  }
0x37: {  	[smem:$0x3FB5] =	sst s10  }
0x38: {  	s10 =	sld [smem:$0x3FB6]  }
0x39: {  	_ = 	snop;
	(pc) =	sbr.ind lr, $3  }
0x3a: {  	_ = 	snop  }
0x3b: {  	_ = 	snop  }
0x3c: {  	p2 =	seq.s32 s10, $0x1;
	s10 =	sld [smem:$0x3FB5]  }
0x3d: {  	_ =	shalt  }
0x3e: {  	_ =	shalt  }
0x3f: {  	_ =	shalt  }
0x40: {  	_ =	shalt  }
0x41: {  	_ =	shalt  }
0x42: {  	_ =	shalt  }
0x43: {  	_ =	shalt  }
0x44: {  	_ =	shalt  }
0x45: {  	_ =	shalt  }
0x46: {  	_ =	shalt  }
0x47: {  	_ =	shalt  }
0x48: {  	_ =	shalt  }
0x49: {  	_ =	shalt  }
0x4a: {  	_ =	shalt  }
0x4b: {  	_ =	shalt  }
0x4c: {  	_ =	shalt  }
0x4d: {  	_ =	shalt  }
0x4e: {  	_ =	shalt  }
0x4f: {  	_ =	shalt  }
0x50: {  	_ =	shalt  }
0x51: {  	_ =	shalt  }
0x52: {  	_ =	shalt  }
0x53: {  	_ =	shalt  }
0x54: {  	_ =	shalt  }
0x55: {  	_ =	shalt  }
0x56: {  	_ =	shalt  }
0x57: {  	_ =	shalt  }
0x58: {  	_ =	shalt  }
0x59: {  	_ =	shalt  }
0x5a: {  	_ =	shalt  }
0x5b: {  	_ =	shalt  }
0x5c: {  	_ =	shalt  }
0x5d: {  	_ =	shalt  }
0x5e: {  	_ =	shalt  }
0x5f: {  	_ =	shalt  }
0x60: {  	_ =	shalt  }
0x61: {  	_ =	shalt  }
0x62: {  	_ =	shalt  }
0x63: {  	_ =	shalt  }
0x64: {  	_ =	shalt  }
0x65: {  	_ =	shalt  }
0x66: {  	_ =	shalt  }
0x67: {  	_ =	shalt  }
0x68: {  	_ =	shalt  }
0x69: {  	_ =	shalt  }
0x6a: {  	_ =	shalt  }
0x6b: {  	_ =	shalt  }
0x6c: {  	_ =	shalt  }
0x6d: {  	_ =	shalt  }
0x6e: {  	_ =	shalt  }
0x6f: {  	_ =	shalt  }
0x70: {  	_ =	shalt  }
0x71: {  	_ =	shalt  }
0x72: {  	_ =	shalt  }
0x73: {  	_ =	shalt  }
0x74: {  	_ =	shalt  }
0x75: {  	_ =	shalt  }
0x76: {  	_ =	shalt  }
0x77: {  	_ =	shalt  }
0x78: {  	_ =	shalt  }
0x79: {  	_ =	shalt  }
0x7a: {  	_ =	shalt  }
0x7b: {  	_ =	shalt  }
0x7c: {  	_ =	shalt  }
0x7d: {  	_ =	shalt  }
0x7e: {  	_ =	shalt  }
0x7f: {  	_ =	shalt  }
0x80: {  	_ =	shalt  }
0x81: {  	_ =	shalt  }
0x82: {  	_ =	shalt  }
0x83: {  	_ =	shalt  }
0x84: {  	_ =	shalt  }
0x85: {  	_ =	shalt  }
0x86: {  	_ =	shalt  }
0x87: {  	_ =	shalt  }
.Lfunc_end0:
.L_simem_size_0:
called_computation_lowered:
.L_overlay_start_0:
0x88: {  	s2 =	sld [smem:$0x3FD9]  }
0x89: {  	s3 =	sld [smem:$0x3FFE];
	_ =	sdelay $0x1  }
0x8a: {  	s1 =	srdreg.scid  }
0x8b: {  	s0 =	sand.u32 $0x1, s1  }
0x8c: {  	s17 =	sshll.u32 s0, $0xA;
	s2 =	sadd.s32 s3, s2  }
0x8d: {  	s2 =	sadd.s32 s2, s17  }
0x8e: {  	[smem:$0x3FC1] =	sst s2  }
0x8f: {  	_ = 	snop  }
0x90: {  	s2 =	sld [smem:$0x3FC9];
	(tm) =	ssettm $0x1  }
0x91: {  	s18 =	sld [smem:$0x3FFB];
	_ =	sdelay $0x3  }
0x92: {  	_ =	strace s18  }
0x93: {  	s3 =	sld [smem:$0x3FFC];
	_ =	sdelay $0x3  }
0x94: {  	_ =	strace s3  }
0x95: {  	s3 =	sld [smem:$0x3FFD];
	_ =	sdelay $0x3  }
0x96: {  	_ =	strace s3  }
0x97: {  	_ =	strace $0x8FFFFFFF  }
0x98: {  	s19 =	sld [smem:$0x3FDB];
	_ =	sdelay $0x1  }
0x99: {  	s4 =	simm.s32 $_scs_section_size  }
0x9a: {  	s5 =	simm.s32 $_size__tile_overlayer_lowered;
	s6 =	simm.s32 $_tile_overlayer_lowered  }
0x9b: {  	s22 =	simm.s32 $0x1BFF;
	s21 =	sshll.u32 s6, $0x1;
	s3 =	sadd.s32 s4, s19  }
0x9c: {  	s7 =	simm.s32 $0x0;
	s20 =	sshll.u32 s5, $0x1;
	s5 =	sadd.s32 s21, s3  }
0x9d: {  	[timem:s7], [sflag:s22] =	dma.local [hbm:s5], s20  }
0x9e: {  	_ =	swait.ge [sflag:s22], s20  }
0x9f: {  	s4 =	ssub.s32 $0x0, s20;
	[sflag:s22] =	ssyncset.done $0x0  }
0xa0: {  	[sflag:s22] =	ssyncadd.s32 s4;
	_ =	sdelay $0x1  }
0xa1: {  	s23 =	simm.s32 $0x1B8B  }
0xa2: {  	_ =	swait.ge [sflag:s23], $0x1  }
0xa3: {  	[sflag:s23] =	ssyncset.done $0x0  }
0xa4: {  	s25 =	simm.s32 $0x1B8E;
	s24 =	sld [smem:$0x3FFE];
	[sflag:s23] =	ssyncadd.s32 $0xFFFFFFFF  }
0xa5: {  	s26 =	simm.s32 $execute0_lowered;
	[smem:$0x3FD2] =	sst s25  }
0xa6: {  	s5 =	sshll.u32 s26, $0x1;
	_ =	strace $0x80000046;
	[dreg:$0x1] =	wrdreg $0xFFFFFFFF  }
0xa7: {  	s28 =	simm.s32 $_size_execute0_lowered;
	s3 =	sadd.s32 s3, s5;
	[dreg:$0x0] =	wrdreg $0x0  }
0xa8: {  	s5 =	sshll.u32 s28, $0x1;
	[dreg:$0x2] =	wrdreg s3  }
0xa9: {  	[dreg:$0x3] =	wrdreg s5  }
0xaa: {  	[dreg:$0x4] =	wrdreg $0xC0  }
0xab: {  	_ =	task [dreg:s7], $0x5FFFF  }
0xac: {  	[dreg:$0x1] =	wrdreg $0xFFFFFFFF  }
0xad: {  	[dreg:$0x0] =	wrdreg $0x60  }
0xae: {  	[dreg:$0x2] =	wrdreg s2  }
0xaf: {  	[dreg:$0x3] =	wrdreg s24  }
0xb0: {  	[dreg:$0x4] =	wrdreg $0x9  }
0xb1: {  	_ =	task.clear_ibuf [dreg:s7], $0x5FFFF;
	_ =	strace $0x90000046  }
0xb2: {  	s29 =	simm.s32 $0x9;
	_ =	strace $0x80000048  }
0xb3: {  	_ =	swait.ge [sflag:s29], $0x1  }
0xb4: {  	[sflag:s29] =	ssyncadd.s32 $0xFFFFFFFF  }
0xb5: {  	_ =	strace $0x90000048  }
0xb6: {  	_ =	sfence  }
0xb7: {  	s30 =	sld [smem:$0x0];
	_ =	sdelay $0x2  }
0xb8: {  	s31 =	sshll.u32 s1, $0xD;
	s1 =	sshrl.u32 s1, $0x2  }
0xb9: {  	s3 =	sand.u32 $0x4000, s31;
	s1 =	sadd.s32 s1, s30  }
0xba: {  	s0 =	sor.u32 s3, s0;
	s1 =	sshll.u32 s1, $0x11  }
0xbb: {  	s0 =	sor.u32 s1, s0  }
0xbc: {  	s0 =	sadd.s32 $0x8F2B, s0  }
0xbd: {  	[sflag:s0] =	ssyncadd.remote.s32 $0x1  }
0xbe: {  	_ =	sfence.sel $0xFFFF  }
0xbf: {  	[dreg:$0x0] =	wrdreg $0xFFFFFFFF;
	(pc) =	sbr.abs _section_cstart, $3  }
0xc0: {  	[dreg:$0x1] =	wrdreg $0xFFFFFFFF  }
0xc1: {  	_ =	task.clear_ibuf [dreg:s7], $0x2FFFF;
	_ =	strace $0x9FFFFFFF  }
0xc2: {  	(tm) =	ssettm $0x7FFFFFFF  }
0xc3: {  	_ =	shalt  }
tec
execute0_lowered:
.L_overlay_start_1:
0x0: {  	(tag) =	ssettag $0x1  }
0x1: {  	s0 =	srdreg.scid;
	s2 =	rddreg [dreg:$0x0]  }
0x2: {  	s3 =	stileid.u32;
	s1 =	rddreg [dreg:$0x1];
	s22 =	simm.s32 $0x3080  }
0x3: {  	s23 =	simm.s32 $0x9080;
	s24 =	simm.s32 $0x9880;
	s25 =	simm.s32 $0xA080  }
0x4: {  	s28 =	simm.s32 $0xB080;
	s29 =	simm.s32 $0xB880;
	s30 =	simm.s32 $0x1  }
0x5: {  	s31 =	simm.s32 $0x3;
	s15 =	simm.s32 $0x4;
	s16 =	simm.s32 $0xF080  }
0x6: {  	s17 =	simm.s32 $0x5;
	s18 =	simm.s32 $0x6;
	s19 =	simm.s32 $0x0  }
0x7: {  	s0 =	sand.u32 $0x1, s0;
	s4 =	sshll.u32 s3, $0x8;
	s3 =	simm.s32 $0x0  }
0x8: {  	s10 =	sadd.s32 $0x1400, s1;
	s13 =	sadd.s32 $0xE000, s1;
	s5 =	sshll.u32 s0, $0x7  }
0x9: {  	[smem:$0x7FF] =	sst s3;
	s0 =	ssub.s32 $0x2, s0;
	s4 =	sor.u32 s5, s4  }
0xa: {  	_ =	strace $0x80000047;
	s8 =	sshrl.u32 s0, $0x1;
	s6 =	sshrl.u32 s4, $0x3  }
0xb: {  	s5 =	sadd.s32 $0x1200, s1;
	s0 =	ssub.s32 s0, s8;
	s9 =	smul.u32 $0x300, s6  }
.Ltmp0:
0xc: {  	s7 =	sadd.s32 s6, s1;
	s0 =	smax.u32 s0, $0x1;
	(pc) =	sbr.rel .LBB2_1-.Ltmp0, $4  }
0xd: {  	s6 =	sadd.s32 $0xDA00, s1;
	s7 =	sadd.s32 $0xD200, s7;
	[dreg:$0x6] =	wrdreg s0  }
0xe: {  	v2 =	vlaneseq.u32;
	s0 =	simm.s32 $0x2;
	[dreg:$0x3] =	wrdreg s7;
	s26 =	sadd.s32 s2, s9  }
0xf: {  	vm0 =	vmmov $0xffff;
	v1 =	vshrl.u32 v2, $0x3;
	s9 =	sadd.s32 $0x1300, s1;
	[dreg:$0x4] =	wrdreg s26;
	s7 =	sadd.s32 $0x600, s26  }
0x10: {  	v0 =	vand.u32 $0x7, v2;
	v2 =	vor.u32 $0x8, v2;
	v1 =	vmul.u32 $0x8, v1;
	s1 =	simm.s32 $0xC080;
	s26 =	simm.s32 $0xA880;
	[dreg:$0x5] =	wrdreg s7  }
.LBB2_8:
0x11: {  	_ =	swait.ge [sflag:s17], $0x3000  }
0x12: {  	[sflag:s17] =	ssyncset.done $0x0  }
0x13: {  	[sflag:s17] =	ssyncadd.s32 $0xFFFFD000  }
0x14: {  	_ =	swait.ge [sflag:s18], $0x3000  }
0x15: {  	s19 =	sadd.s32 $0x1, s19;
	s7 =	rddreg [dreg:$0x6]  }
0x16: {  	p0 =	sne.s32 s19, s7  }
.Ltmp1:
0x17: {  	_ = 	snop;
	(pc) =	sbr.rel @!p0 .LBB2_9-.Ltmp1, $3  }
0x18: {  	_ =	sdelay $0x1  }
0x19: {  	[sflag:s18] =	ssyncset.done $0x0  }
0x1a: {  	[sflag:s18] =	ssyncadd.s32 $0xFFFFD000  }
.LBB2_1:
0x1b: {  	s7 =	rddreg [dreg:$0x3];
	s14 =	simm.s32 $0x7  }
0x1c: {  	[tilespmem:s3], [sflag:$0x7] =	stream.linear.gather [hbm4b:s7+s3], $0x80, $0x38;
	[tilespmem:$0x12080] =	vst v63  }
0x1d: {  	_ =	swait.ge [sflag:s14], $0x80  }
0x1e: {  	[sflag:s14] =	ssyncset.done $0x0  }
0x1f: {  	s8 =	simm.s32 $0x80;
	s20 =	rddreg [dreg:$0x4];
	[sflag:s14] =	ssyncadd.s32 $0xFFFFFF80  }
0x20: {  	[tilespmem:s8], [sflag:$0x1] =	stream.linear.gather [hbm4b:s20+s3], $0x3000, $0x38;
	[tilespmem:$0x12080] =	vst v63  }
0x21: {  	v3 =	vld [tilespmem:$0x0];
	_ =	sdelay $0x4  }
0x22: {  	v4 =	vshrl.u32 v3, $0x3  }
0x23: {  	v4 =	vmul.u32 $0x30, v4  }
0x24: {  	v3 =	vand.u32 $0x7, v3  }
0x25: {  	v3 =	vor.u32 v3, v4  }
0x26: {  	v4 =	vperm.xlane v3, v0;
	_ =	sdelay $0x1  }
0x27: {  	v4 =	vadd.s32 v1, v4;
	_ =	sdelay $0x3  }
0x28: {  	s21 =	simm.s32 $0x6080;
	v3 =	vperm.xlane v3, v2  }
0x29: {  	[tilespmem:s21], [sflag:$0x3] =	stream.indirect_vreg.gather [hbm4b:s5+s3], $0x80, v4, vm0, $0xb8;
	[tilespmem:$0x12080] =	vst v63  }
0x2a: {  	s8 =	simm.s32 $0x6880;
	v3 =	vadd.s32 v1, v3  }
0x2b: {  	[tilespmem:s8], [sflag:$0x3] =	stream.indirect_vreg.gather [hbm4b:s9+s3], $0x80, v4, vm0, $0xb8;
	[tilespmem:$0x12080] =	vst v63  }
0x2c: {  	s11 =	simm.s32 $0x7080  }
0x2d: {  	[tilespmem:s11], [sflag:$0x3] =	stream.indirect_vreg.gather [hbm4b:s10+s3], $0x80, v4, vm0, $0xb8;
	[tilespmem:$0x12080] =	vst v63  }
0x2e: {  	s12 =	simm.s32 $0x7880  }
0x2f: {  	[tilespmem:s12], [sflag:$0x3] =	stream.indirect_vreg.gather [hbm4b:s5+s3], $0x80, v3, vm0, $0xb8;
	[tilespmem:$0x12080] =	vst v63  }
0x30: {  	s14 =	simm.s32 $0x8080  }
0x31: {  	[tilespmem:s14], [sflag:$0x3] =	stream.indirect_vreg.gather [hbm4b:s9+s3], $0x80, v3, vm0, $0xb8;
	[tilespmem:$0x12080] =	vst v63  }
0x32: {  	s20 =	simm.s32 $0x8880  }
0x33: {  	[tilespmem:s20], [sflag:$0x3] =	stream.indirect_vreg.gather [hbm4b:s10+s3], $0x80, v3, vm0, $0xb8;
	[tilespmem:$0x12080] =	vst v63  }
0x34: {  	s21 =	rddreg [dreg:$0x5]  }
0x35: {  	[tilespmem:s22], [sflag:$0x2] =	stream.linear.gather [hbm4b:s21+s3], $0x3000, $0x38;
	[tilespmem:$0x12080] =	vst v63  }
0x36: {  	v3 =	vld [tilespmem:$0x10];
	_ =	sdelay $0x4  }
0x37: {  	v63 =	vshrl.u32 v3, $0x3  }
0x38: {  	v4 =	vmul.u32 $0x30, v63  }
0x39: {  	v3 =	vand.u32 $0x7, v3  }
0x3a: {  	v3 =	vor.u32 v3, v4  }
0x3b: {  	v4 =	vperm.xlane v3, v0;
	_ =	sdelay $0x1  }
0x3c: {  	v4 =	vadd.s32 v1, v4;
	_ =	sdelay $0x3  }
0x3d: {  	v3 =	vperm.xlane v3, v2  }
0x3e: {  	[tilespmem:s23], [sflag:$0x4] =	stream.indirect_vreg.gather [hbm4b:s5+s3], $0x80, v4, vm0, $0xb8;
	[tilespmem:$0x12080] =	vst v63  }
0x3f: {  	v3 =	vadd.s32 v1, v3  }
0x40: {  	[tilespmem:s24], [sflag:$0x4] =	stream.indirect_vreg.gather [hbm4b:s9+s3], $0x80, v4, vm0, $0xb8;
	[tilespmem:$0x12080] =	vst v63  }
0x41: {  	_ = 	snop  }
0x42: {  	[tilespmem:s25], [sflag:$0x4] =	stream.indirect_vreg.gather [hbm4b:s10+s3], $0x80, v4, vm0, $0xb8;
	[tilespmem:$0x12080] =	vst v63  }
0x43: {  	_ = 	snop  }
0x44: {  	[tilespmem:s26], [sflag:$0x4] =	stream.indirect_vreg.gather [hbm4b:s5+s3], $0x80, v3, vm0, $0xb8;
	[tilespmem:$0x12080] =	vst v63  }
0x45: {  	_ = 	snop  }
0x46: {  	[tilespmem:s28], [sflag:$0x4] =	stream.indirect_vreg.gather [hbm4b:s9+s3], $0x80, v3, vm0, $0xb8;
	[tilespmem:$0x12080] =	vst v63  }
0x47: {  	s20 =	simm.s32 $0x0  }
0x48: {  	[tilespmem:s29], [sflag:$0x4] =	stream.indirect_vreg.gather [hbm4b:s10+s3], $0x80, v3, vm0, $0xb8;
	[tilespmem:$0x12080] =	vst v63  }
.LBB2_2:
0x49: {  	_ =	swait.ge [sflag:s30], $0x3000  }
0x4a: {  	[sflag:s30] =	ssyncset.done $0x0  }
0x4b: {  	[sflag:s30] =	ssyncadd.s32 $0xFFFFD000  }
0x4c: {  	_ =	swait.ge [sflag:s31], $0x3000  }
0x4d: {  	p0 =	seq.s32 s20, $0x0;
	[sflag:s31] =	ssyncset.done $0x0  }
0x4e: {  	s8 =	simm.s32 $0x0;
	s7 =	simm.s32 @!p0 $0x5;
	[sflag:s31] =	ssyncadd.s32 $0xFFFFD000  }
0x4f: {  	s11 =	simm.s32 $0x0;
	s8 =	smul.u32 $0x1800, s8;
	_ =	swait.ge @!p0 [sflag:s7], $0x3000  }
0x50: {  	s11 =	sand.u32 $0x380, s11;
	[sflag:s7] =	ssyncset.done @!p0 $0x0  }
0x51: {  	[sflag:s7] =	ssyncadd.s32 @!p0 $0xFFFFD000;
	s7 =	sor.u32 s11, s8  }
0x52: {  	v3 =	vld [tilespmem:s7+$0x14F0]  }
0x53: {  	v4 =	vld [tilespmem:s7+$0x74F0]  }
0x54: {  	v5 =	vld [tilespmem:s7+$0x80]  }
0x55: {  	v6 =	vld [tilespmem:s7+$0x6080]  }
0x56: {  	v7 =	vld [tilespmem:s7+$0x90]  }
0x57: {  	v8 =	vld [tilespmem:s7+$0x6090]  }
0x58: {  	v9 =	vld [tilespmem:s7+$0xA0]  }
0x59: {  	v10 =	vld [tilespmem:s7+$0xB0]  }
0x5a: {  	v11 =	vld [tilespmem:s7+$0x74A0];
	v3 =	vadd.f32 v4, v3  }
0x5b: {  	v4 =	vld [tilespmem:s7+$0x60A0]  }
0x5c: {  	v5 =	vadd.f32 v6, v5;
	[tilespmem:s7+$0xD4F0] =	vst v3;
	v3 =	vld [tilespmem:s7+$0x60B0]  }
0x5d: {  	v6 =	vld [tilespmem:s7+$0xC0]  }
0x5e: {  	[tilespmem:s7+$0xC080] =	vst v5;
	v5 =	vadd.f32 v8, v7;
	v7 =	vld [tilespmem:s7+$0x60C0]  }
0x5f: {  	v8 =	vld [tilespmem:s7+$0x60D0]  }
0x60: {  	[tilespmem:s7+$0xC090] =	vst v5;
	v5 =	vld [tilespmem:s7+$0xD0];
	v4 =	vadd.f32 v4, v9  }
0x61: {  	v9 =	vld [tilespmem:s7+$0x60E0];
	v3 =	vadd.f32 v3, v10  }
0x62: {  	[tilespmem:s7+$0xC0A0] =	vst v4;
	v4 =	vld [tilespmem:s7+$0xE0]  }
0x63: {  	[tilespmem:s7+$0xC0B0] =	vst v3;
	v3 =	vadd.f32 v7, v6;
	v6 =	vld [tilespmem:s7+$0xF0]  }
0x64: {  	v7 =	vld [tilespmem:s7+$0x60F0]  }
0x65: {  	[tilespmem:s7+$0xC0C0] =	vst v3;
	v3 =	vadd.f32 v8, v5;
	v5 =	vld [tilespmem:s7+$0x480]  }
0x66: {  	v8 =	vld [tilespmem:s7+$0x6480]  }
0x67: {  	[tilespmem:s7+$0xC0D0] =	vst v3;
	v3 =	vadd.f32 v9, v4;
	v4 =	vld [tilespmem:s7+$0x490]  }
0x68: {  	v9 =	vld [tilespmem:s7+$0x6490]  }
0x69: {  	[tilespmem:s7+$0xC0E0] =	vst v3;
	v3 =	vadd.f32 v7, v6;
	v6 =	vld [tilespmem:s7+$0x4A0]  }
0x6a: {  	v7 =	vld [tilespmem:s7+$0x64A0]  }
0x6b: {  	[tilespmem:s7+$0xC0F0] =	vst v3;
	v3 =	vadd.f32 v8, v5;
	v5 =	vld [tilespmem:s7+$0x4B0]  }
0x6c: {  	v8 =	vld [tilespmem:s7+$0x64B0]  }
0x6d: {  	[tilespmem:s7+$0xC480] =	vst v3;
	v3 =	vadd.f32 v9, v4;
	v4 =	vld [tilespmem:s7+$0x4C0]  }
0x6e: {  	v9 =	vld [tilespmem:s7+$0x64C0]  }
0x6f: {  	[tilespmem:s7+$0xC490] =	vst v3;
	v3 =	vadd.f32 v7, v6;
	v6 =	vld [tilespmem:s7+$0x4D0]  }
0x70: {  	v7 =	vld [tilespmem:s7+$0x64D0]  }
0x71: {  	[tilespmem:s7+$0xC4A0] =	vst v3;
	v3 =	vadd.f32 v8, v5;
	v5 =	vld [tilespmem:s7+$0x4E0]  }
0x72: {  	v8 =	vld [tilespmem:s7+$0x64E0]  }
0x73: {  	[tilespmem:s7+$0xC4B0] =	vst v3;
	v3 =	vadd.f32 v9, v4;
	v4 =	vld [tilespmem:s7+$0x4F0]  }
0x74: {  	v9 =	vld [tilespmem:s7+$0x64F0]  }
0x75: {  	[tilespmem:s7+$0xC4C0] =	vst v3;
	v3 =	vadd.f32 v7, v6;
	v6 =	vld [tilespmem:s7+$0x880]  }
0x76: {  	v7 =	vld [tilespmem:s7+$0x6880]  }
0x77: {  	[tilespmem:s7+$0xC4D0] =	vst v3;
	v3 =	vadd.f32 v8, v5;
	v5 =	vld [tilespmem:s7+$0x890]  }
0x78: {  	v8 =	vld [tilespmem:s7+$0x6890]  }
0x79: {  	[tilespmem:s7+$0xC4E0] =	vst v3;
	v3 =	vadd.f32 v9, v4;
	v4 =	vld [tilespmem:s7+$0x8A0]  }
0x7a: {  	v9 =	vld [tilespmem:s7+$0x68A0]  }
0x7b: {  	[tilespmem:s7+$0xC4F0] =	vst v3;
	v3 =	vadd.f32 v7, v6;
	v6 =	vld [tilespmem:s7+$0x8B0]  }
0x7c: {  	v7 =	vld [tilespmem:s7+$0x68B0]  }
0x7d: {  	[tilespmem:s7+$0xC880] =	vst v3;
	v3 =	vadd.f32 v8, v5;
	v5 =	vld [tilespmem:s7+$0x8C0]  }
0x7e: {  	v8 =	vld [tilespmem:s7+$0x68C0]  }
0x7f: {  	[tilespmem:s7+$0xC890] =	vst v3;
	v3 =	vadd.f32 v9, v4;
	v4 =	vld [tilespmem:s7+$0x8D0]  }
0x80: {  	v9 =	vld [tilespmem:s7+$0x68D0]  }
0x81: {  	[tilespmem:s7+$0xC8A0] =	vst v3;
	v3 =	vadd.f32 v7, v6;
	v6 =	vld [tilespmem:s7+$0x8E0]  }
0x82: {  	v7 =	vld [tilespmem:s7+$0x68E0]  }
0x83: {  	[tilespmem:s7+$0xC8B0] =	vst v3;
	v3 =	vadd.f32 v8, v5;
	v5 =	vld [tilespmem:s7+$0x8F0]  }
0x84: {  	v8 =	vld [tilespmem:s7+$0x68F0]  }
0x85: {  	[tilespmem:s7+$0xC8C0] =	vst v3;
	v3 =	vadd.f32 v9, v4;
	v4 =	vld [tilespmem:s7+$0xC80]  }
0x86: {  	v9 =	vld [tilespmem:s7+$0x6C80]  }
0x87: {  	[tilespmem:s7+$0xC8D0] =	vst v3;
	v3 =	vadd.f32 v7, v6;
	v6 =	vld [tilespmem:s7+$0xC90]  }
0x88: {  	v7 =	vld [tilespmem:s7+$0x6C90]  }
0x89: {  	[tilespmem:s7+$0xC8E0] =	vst v3;
	v3 =	vadd.f32 v8, v5;
	v5 =	vld [tilespmem:s7+$0xCA0]  }
0x8a: {  	v8 =	vld [tilespmem:s7+$0x6CA0]  }
0x8b: {  	[tilespmem:s7+$0xC8F0] =	vst v3;
	v3 =	vadd.f32 v9, v4;
	v4 =	vld [tilespmem:s7+$0xCB0]  }
0x8c: {  	v9 =	vld [tilespmem:s7+$0x6CB0]  }
0x8d: {  	[tilespmem:s7+$0xCC80] =	vst v3;
	v3 =	vadd.f32 v7, v6;
	v6 =	vld [tilespmem:s7+$0xCC0]  }
0x8e: {  	v7 =	vld [tilespmem:s7+$0x6CC0]  }
0x8f: {  	[tilespmem:s7+$0xCC90] =	vst v3;
	v3 =	vadd.f32 v8, v5;
	v5 =	vld [tilespmem:s7+$0xCD0]  }
0x90: {  	v8 =	vld [tilespmem:s7+$0x6CD0]  }
0x91: {  	[tilespmem:s7+$0xCCA0] =	vst v3;
	v3 =	vadd.f32 v9, v4;
	v4 =	vld [tilespmem:s7+$0xCE0]  }
0x92: {  	v9 =	vld [tilespmem:s7+$0x6CE0]  }
0x93: {  	[tilespmem:s7+$0xCCB0] =	vst v3;
	v3 =	vadd.f32 v7, v6;
	v6 =	vld [tilespmem:s7+$0xCF0]  }
0x94: {  	v7 =	vld [tilespmem:s7+$0x6CF0]  }
0x95: {  	[tilespmem:s7+$0xCCC0] =	vst v3;
	v3 =	vadd.f32 v8, v5;
	v5 =	vld [tilespmem:s7+$0x1080]  }
0x96: {  	v8 =	vld [tilespmem:s7+$0x7080]  }
0x97: {  	[tilespmem:s7+$0xCCD0] =	vst v3;
	v3 =	vadd.f32 v9, v4;
	v4 =	vld [tilespmem:s7+$0x1090]  }
0x98: {  	v9 =	vld [tilespmem:s7+$0x7090]  }
0x99: {  	[tilespmem:s7+$0xCCE0] =	vst v3;
	v3 =	vadd.f32 v7, v6;
	v6 =	vld [tilespmem:s7+$0x10A0]  }
0x9a: {  	v7 =	vld [tilespmem:s7+$0x70A0]  }
0x9b: {  	[tilespmem:s7+$0xCCF0] =	vst v3;
	v3 =	vadd.f32 v8, v5;
	v5 =	vld [tilespmem:s7+$0x10B0]  }
0x9c: {  	v8 =	vld [tilespmem:s7+$0x70B0]  }
0x9d: {  	[tilespmem:s7+$0xD080] =	vst v3;
	v3 =	vadd.f32 v9, v4;
	v4 =	vld [tilespmem:s7+$0x10C0]  }
0x9e: {  	v9 =	vld [tilespmem:s7+$0x70C0]  }
0x9f: {  	[tilespmem:s7+$0xD090] =	vst v3;
	v3 =	vadd.f32 v7, v6;
	v6 =	vld [tilespmem:s7+$0x10D0]  }
0xa0: {  	v7 =	vld [tilespmem:s7+$0x70D0]  }
0xa1: {  	[tilespmem:s7+$0xD0A0] =	vst v3;
	v3 =	vadd.f32 v8, v5;
	v5 =	vld [tilespmem:s7+$0x10E0]  }
0xa2: {  	v8 =	vld [tilespmem:s7+$0x70E0]  }
0xa3: {  	[tilespmem:s7+$0xD0B0] =	vst v3;
	v3 =	vadd.f32 v9, v4;
	v4 =	vld [tilespmem:s7+$0x10F0]  }
0xa4: {  	v9 =	vld [tilespmem:s7+$0x70F0]  }
0xa5: {  	[tilespmem:s7+$0xD0C0] =	vst v3;
	v3 =	vadd.f32 v7, v6;
	v6 =	vld [tilespmem:s7+$0x1480]  }
0xa6: {  	v7 =	vld [tilespmem:s7+$0x7480]  }
0xa7: {  	v10 =	vld [tilespmem:s7+$0x7490];
	[tilespmem:s7+$0xD0D0] =	vst v3;
	v3 =	vadd.f32 v8, v5  }
0xa8: {  	v8 =	vld [tilespmem:s7+$0x1490]  }
0xa9: {  	[tilespmem:s7+$0xD0E0] =	vst v3;
	v3 =	vadd.f32 v9, v4;
	v9 =	vld [tilespmem:s7+$0x14A0]  }
0xaa: {  	v5 =	vld [tilespmem:s7+$0x14B0]  }
0xab: {  	[tilespmem:s7+$0xD0F0] =	vst v3;
	v3 =	vadd.f32 v7, v6;
	v7 =	vld [tilespmem:s7+$0x74B0]  }
0xac: {  	v6 =	vld [tilespmem:s7+$0x74C0]  }
0xad: {  	v4 =	vadd.f32 v10, v8;
	[tilespmem:s7+$0xD480] =	vst v3;
	v3 =	vld [tilespmem:s7+$0x14C0]  }
0xae: {  	s21 =	sshll.u32 s20, $0x5;
	s14 =	simm.s32 $0x0;
	v8 =	vld [tilespmem:s7+$0x74D0];
	v9 =	vadd.f32 v11, v9  }
0xaf: {  	s12 =	simm.s32 $0x2;
	s8 =	smul.u32 $0x1800, s14;
	s11 =	simm.s32 $0x80;
	[tilespmem:s7+$0xD490] =	vst v4;
	v4 =	vld [tilespmem:s7+$0x14D0]  }
.LBB2_3:
0xb0: {  	p1 =	sne.s32 s12, $0xF;
	s14 =	sand.u32 $0x380, s11;
	[tilespmem:s7+$0xD4A0] =	vst v9;
	v5 =	vadd.f32 v7, v5;
	v7 =	vld [tilespmem:s7+$0x14E0]  }
0xb1: {  	s8 =	sor.u32 s14, s8;
	v9 =	vld [tilespmem:s7+$0x74E0]  }
0xb2: {  	v10 =	vld [tilespmem:s8+$0x14F0];
	[tilespmem:s7+$0xD4B0] =	vst v5;
	v3 =	vadd.f32 v6, v3  }
0xb3: {  	v5 =	vld [tilespmem:s8+$0x74F0]  }
0xb4: {  	v6 =	vld [tilespmem:s8+$0x80];
	[tilespmem:s7+$0xD4C0] =	vst v3;
	v3 =	vadd.f32 v8, v4  }
0xb5: {  	v4 =	vld [tilespmem:s8+$0x6080]  }
0xb6: {  	v8 =	vld [tilespmem:s8+$0x90];
	[tilespmem:s7+$0xD4D0] =	vst v3;
	v3 =	vadd.f32 v9, v7  }
0xb7: {  	v7 =	vld [tilespmem:s8+$0x6090]  }
0xb8: {  	v9 =	vld [tilespmem:s8+$0xA0];
	v5 =	vadd.f32 v5, v10;
	[tilespmem:s7+$0xD4E0] =	vst v3;
	s7 =	smov.u32 s8  }
0xb9: {  	v3 =	vld [tilespmem:s7+$0x60A0]  }
0xba: {  	v4 =	vadd.f32 v4, v6;
	v6 =	vld [tilespmem:s7+$0xB0];
	[tilespmem:s7+$0xD4F0] =	vst v5  }
0xbb: {  	v5 =	vld [tilespmem:s7+$0x60B0]  }
0xbc: {  	[tilespmem:s7+$0xC080] =	vst v4;
	v4 =	vadd.f32 v7, v8;
	v7 =	vld [tilespmem:s7+$0xC0]  }
0xbd: {  	v8 =	vld [tilespmem:s7+$0x60C0]  }
0xbe: {  	[tilespmem:s7+$0xC090] =	vst v4;
	v3 =	vadd.f32 v3, v9;
	v4 =	vld [tilespmem:s7+$0xD0]  }
0xbf: {  	v9 =	vld [tilespmem:s7+$0x60D0]  }
0xc0: {  	[tilespmem:s7+$0xC0A0] =	vst v3;
	v3 =	vadd.f32 v5, v6;
	v5 =	vld [tilespmem:s7+$0xE0]  }
0xc1: {  	v6 =	vld [tilespmem:s7+$0x60E0]  }
0xc2: {  	[tilespmem:s7+$0xC0B0] =	vst v3;
	v3 =	vadd.f32 v8, v7;
	v7 =	vld [tilespmem:s7+$0xF0]  }
0xc3: {  	v8 =	vld [tilespmem:s7+$0x60F0]  }
0xc4: {  	[tilespmem:s7+$0xC0C0] =	vst v3;
	v3 =	vadd.f32 v9, v4;
	v4 =	vld [tilespmem:s7+$0x480]  }
0xc5: {  	v9 =	vld [tilespmem:s7+$0x6480]  }
0xc6: {  	[tilespmem:s7+$0xC0D0] =	vst v3;
	v3 =	vadd.f32 v6, v5;
	v5 =	vld [tilespmem:s7+$0x490]  }
0xc7: {  	v6 =	vld [tilespmem:s7+$0x6490]  }
0xc8: {  	[tilespmem:s7+$0xC0E0] =	vst v3;
	v3 =	vadd.f32 v8, v7;
	v7 =	vld [tilespmem:s7+$0x4A0]  }
0xc9: {  	v8 =	vld [tilespmem:s7+$0x64A0]  }
0xca: {  	[tilespmem:s7+$0xC0F0] =	vst v3;
	v3 =	vadd.f32 v9, v4;
	v4 =	vld [tilespmem:s7+$0x4B0]  }
0xcb: {  	v9 =	vld [tilespmem:s7+$0x64B0]  }
0xcc: {  	[tilespmem:s7+$0xC480] =	vst v3;
	v3 =	vadd.f32 v6, v5;
	v5 =	vld [tilespmem:s7+$0x4C0]  }
0xcd: {  	v6 =	vld [tilespmem:s7+$0x64C0]  }
0xce: {  	[tilespmem:s7+$0xC490] =	vst v3;
	v3 =	vadd.f32 v8, v7;
	v7 =	vld [tilespmem:s7+$0x4D0]  }
0xcf: {  	v8 =	vld [tilespmem:s7+$0x64D0]  }
0xd0: {  	[tilespmem:s7+$0xC4A0] =	vst v3;
	v3 =	vadd.f32 v9, v4;
	v4 =	vld [tilespmem:s7+$0x4E0]  }
0xd1: {  	v9 =	vld [tilespmem:s7+$0x64E0]  }
0xd2: {  	[tilespmem:s7+$0xC4B0] =	vst v3;
	v3 =	vadd.f32 v6, v5;
	v5 =	vld [tilespmem:s7+$0x4F0]  }
0xd3: {  	v6 =	vld [tilespmem:s7+$0x64F0]  }
0xd4: {  	[tilespmem:s7+$0xC4C0] =	vst v3;
	v3 =	vadd.f32 v8, v7;
	v7 =	vld [tilespmem:s7+$0x880]  }
0xd5: {  	v8 =	vld [tilespmem:s7+$0x6880]  }
0xd6: {  	[tilespmem:s7+$0xC4D0] =	vst v3;
	v3 =	vadd.f32 v9, v4;
	v4 =	vld [tilespmem:s7+$0x890]  }
0xd7: {  	v9 =	vld [tilespmem:s7+$0x6890]  }
0xd8: {  	[tilespmem:s7+$0xC4E0] =	vst v3;
	v3 =	vadd.f32 v6, v5;
	v5 =	vld [tilespmem:s7+$0x8A0]  }
0xd9: {  	v6 =	vld [tilespmem:s7+$0x68A0]  }
0xda: {  	[tilespmem:s7+$0xC4F0] =	vst v3;
	v3 =	vadd.f32 v8, v7;
	v7 =	vld [tilespmem:s7+$0x8B0]  }
0xdb: {  	v8 =	vld [tilespmem:s7+$0x68B0]  }
0xdc: {  	[tilespmem:s7+$0xC880] =	vst v3;
	v3 =	vadd.f32 v9, v4;
	v4 =	vld [tilespmem:s7+$0x8C0]  }
0xdd: {  	v9 =	vld [tilespmem:s7+$0x68C0]  }
0xde: {  	[tilespmem:s7+$0xC890] =	vst v3;
	v3 =	vadd.f32 v6, v5;
	v5 =	vld [tilespmem:s7+$0x8D0]  }
0xdf: {  	v6 =	vld [tilespmem:s7+$0x68D0]  }
0xe0: {  	[tilespmem:s7+$0xC8A0] =	vst v3;
	v3 =	vadd.f32 v8, v7;
	v7 =	vld [tilespmem:s7+$0x8E0]  }
0xe1: {  	v8 =	vld [tilespmem:s7+$0x68E0]  }
0xe2: {  	[tilespmem:s7+$0xC8B0] =	vst v3;
	v3 =	vadd.f32 v9, v4;
	v4 =	vld [tilespmem:s7+$0x8F0]  }
0xe3: {  	v9 =	vld [tilespmem:s7+$0x68F0]  }
0xe4: {  	[tilespmem:s7+$0xC8C0] =	vst v3;
	v3 =	vadd.f32 v6, v5;
	v5 =	vld [tilespmem:s7+$0xC80]  }
0xe5: {  	v6 =	vld [tilespmem:s7+$0x6C80]  }
0xe6: {  	[tilespmem:s7+$0xC8D0] =	vst v3;
	v3 =	vadd.f32 v8, v7;
	v7 =	vld [tilespmem:s7+$0xC90]  }
0xe7: {  	v8 =	vld [tilespmem:s7+$0x6C90]  }
0xe8: {  	[tilespmem:s7+$0xC8E0] =	vst v3;
	v3 =	vadd.f32 v9, v4;
	v4 =	vld [tilespmem:s7+$0xCA0]  }
0xe9: {  	v9 =	vld [tilespmem:s7+$0x6CA0]  }
0xea: {  	[tilespmem:s7+$0xC8F0] =	vst v3;
	v3 =	vadd.f32 v6, v5;
	v5 =	vld [tilespmem:s7+$0xCB0]  }
0xeb: {  	v6 =	vld [tilespmem:s7+$0x6CB0]  }
0xec: {  	[tilespmem:s7+$0xCC80] =	vst v3;
	v3 =	vadd.f32 v8, v7;
	v7 =	vld [tilespmem:s7+$0xCC0]  }
0xed: {  	v8 =	vld [tilespmem:s7+$0x6CC0]  }
0xee: {  	[tilespmem:s7+$0xCC90] =	vst v3;
	v3 =	vadd.f32 v9, v4;
	v4 =	vld [tilespmem:s7+$0xCD0]  }
0xef: {  	v9 =	vld [tilespmem:s7+$0x6CD0]  }
0xf0: {  	[tilespmem:s7+$0xCCA0] =	vst v3;
	v3 =	vadd.f32 v6, v5;
	v5 =	vld [tilespmem:s7+$0xCE0]  }
0xf1: {  	v6 =	vld [tilespmem:s7+$0x6CE0]  }
0xf2: {  	[tilespmem:s7+$0xCCB0] =	vst v3;
	v3 =	vadd.f32 v8, v7;
	v7 =	vld [tilespmem:s7+$0xCF0]  }
0xf3: {  	v8 =	vld [tilespmem:s7+$0x6CF0]  }
0xf4: {  	[tilespmem:s7+$0xCCC0] =	vst v3;
	v3 =	vadd.f32 v9, v4;
	v4 =	vld [tilespmem:s7+$0x1080]  }
0xf5: {  	v9 =	vld [tilespmem:s7+$0x7080]  }
0xf6: {  	[tilespmem:s7+$0xCCD0] =	vst v3;
	v3 =	vadd.f32 v6, v5;
	v5 =	vld [tilespmem:s7+$0x1090]  }
0xf7: {  	v6 =	vld [tilespmem:s7+$0x7090]  }
0xf8: {  	[tilespmem:s7+$0xCCE0] =	vst v3;
	v3 =	vadd.f32 v8, v7;
	v7 =	vld [tilespmem:s7+$0x10A0]  }
0xf9: {  	v8 =	vld [tilespmem:s7+$0x70A0]  }
0xfa: {  	[tilespmem:s7+$0xCCF0] =	vst v3;
	v3 =	vadd.f32 v9, v4;
	v4 =	vld [tilespmem:s7+$0x10B0]  }
0xfb: {  	v9 =	vld [tilespmem:s7+$0x70B0]  }
0xfc: {  	[tilespmem:s7+$0xD080] =	vst v3;
	v3 =	vadd.f32 v6, v5;
	v5 =	vld [tilespmem:s7+$0x10C0]  }
0xfd: {  	v6 =	vld [tilespmem:s7+$0x70C0]  }
0xfe: {  	[tilespmem:s7+$0xD090] =	vst v3;
	v3 =	vadd.f32 v8, v7;
	v7 =	vld [tilespmem:s7+$0x10D0]  }
0xff: {  	v8 =	vld [tilespmem:s7+$0x70D0]  }
0x100: {  	[tilespmem:s7+$0xD0A0] =	vst v3;
	v3 =	vadd.f32 v9, v4;
	v4 =	vld [tilespmem:s7+$0x10E0]  }
0x101: {  	v9 =	vld [tilespmem:s7+$0x70E0]  }
0x102: {  	[tilespmem:s7+$0xD0B0] =	vst v3;
	v3 =	vadd.f32 v6, v5;
	v5 =	vld [tilespmem:s7+$0x10F0]  }
0x103: {  	v6 =	vld [tilespmem:s7+$0x70F0]  }
0x104: {  	[tilespmem:s7+$0xD0C0] =	vst v3;
	v3 =	vadd.f32 v8, v7;
	v7 =	vld [tilespmem:s7+$0x1480]  }
0x105: {  	v8 =	vld [tilespmem:s7+$0x7480]  }
0x106: {  	[tilespmem:s7+$0xD0D0] =	vst v3;
	v3 =	vadd.f32 v9, v4;
	v4 =	vld [tilespmem:s7+$0x1490]  }
0x107: {  	v9 =	vld [tilespmem:s7+$0x7490]  }
0x108: {  	[tilespmem:s7+$0xD0E0] =	vst v3;
	v3 =	vadd.f32 v6, v5;
	v10 =	vld [tilespmem:s7+$0x14A0]  }
0x109: {  	v11 =	vld [tilespmem:s7+$0x74A0]  }
0x10a: {  	[tilespmem:s7+$0xD0F0] =	vst v3;
	v3 =	vadd.f32 v8, v7;
	v5 =	vld [tilespmem:s7+$0x14B0]  }
.Ltmp2:
0x10b: {  	v7 =	vld [tilespmem:s7+$0x74B0];
	(pc) =	sbr.rel @p1 .LBB2_3-.Ltmp2, $4  }
0x10c: {  	[tilespmem:s7+$0xD480] =	vst v3;
	v4 =	vadd.f32 v9, v4;
	v3 =	vld [tilespmem:s7+$0x14C0]  }
0x10d: {  	v6 =	vld [tilespmem:s7+$0x74C0]  }
0x10e: {  	s8 =	sshrl.u32 s12, $0x3;
	[tilespmem:s7+$0xD490] =	vst v4;
	v9 =	vadd.f32 v11, v10;
	v4 =	vld [tilespmem:s7+$0x14D0]  }
0x10f: {  	s11 =	sadd.s32 $0x80, s11;
	s12 =	sadd.s32 $0x1, s12;
	s8 =	smul.u32 $0x1800, s8;
	v8 =	vld [tilespmem:s7+$0x74D0]  }
0x110: {  	s11 =	sand.u32 $0x380, s11;
	v56 =	vld [tilespmem:s7+$0x14E0];
	v5 =	vadd.f32 v7, v5  }
0x111: {  	[tilespmem:s7+$0xD4A0] =	vst v9;
	v57 =	vld [tilespmem:s7+$0x74E0];
	s11 =	sor.u32 s11, s8  }
0x112: {  	v10 =	vld [tilespmem:s11+$0x14F0];
	[tilespmem:s7+$0xD4B0] =	vst v5;
	v3 =	vadd.f32 v6, v3  }
0x113: {  	v5 =	vld [tilespmem:s11+$0x74F0]  }
0x114: {  	v58 =	vld [tilespmem:s11+$0x80];
	[tilespmem:s7+$0xD4C0] =	vst v3;
	v3 =	vadd.f32 v8, v4  }
0x115: {  	v59 =	vld [tilespmem:s11+$0x6080]  }
0x116: {  	v60 =	vld [tilespmem:s11+$0x90];
	[tilespmem:s7+$0xD4D0] =	vst v3;
	v3 =	vadd.f32 v57, v56  }
0x117: {  	v61 =	vld [tilespmem:s11+$0x6090]  }
0x118: {  	v62 =	vld [tilespmem:s11+$0xA0];
	[tilespmem:s7+$0xD4E0] =	vst v3  }
0x119: {  	v3 =	vld [tilespmem:s11+$0x60A0]  }
0x11a: {  	v11 =	vld [tilespmem:s11+$0xB0]  }
0x11b: {  	v12 =	vld [tilespmem:s11+$0x60B0]  }
0x11c: {  	v13 =	vld [tilespmem:s11+$0xC0]  }
0x11d: {  	v14 =	vld [tilespmem:s11+$0x60C0]  }
0x11e: {  	v15 =	vld [tilespmem:s11+$0xD0]  }
0x11f: {  	v16 =	vld [tilespmem:s11+$0x60D0]  }
0x120: {  	v17 =	vld [tilespmem:s11+$0xE0]  }
0x121: {  	v18 =	vld [tilespmem:s11+$0x60E0]  }
0x122: {  	v19 =	vld [tilespmem:s11+$0xF0]  }
0x123: {  	v20 =	vld [tilespmem:s11+$0x60F0]  }
0x124: {  	v21 =	vld [tilespmem:s11+$0x480]  }
0x125: {  	v22 =	vld [tilespmem:s11+$0x6480]  }
0x126: {  	v23 =	vld [tilespmem:s11+$0x490]  }
0x127: {  	v24 =	vld [tilespmem:s11+$0x6490]  }
0x128: {  	v25 =	vld [tilespmem:s11+$0x4A0]  }
0x129: {  	v26 =	vld [tilespmem:s11+$0x64A0]  }
0x12a: {  	v27 =	vld [tilespmem:s11+$0x4B0]  }
0x12b: {  	v28 =	vld [tilespmem:s11+$0x64B0]  }
0x12c: {  	v29 =	vld [tilespmem:s11+$0x4C0]  }
0x12d: {  	v30 =	vld [tilespmem:s11+$0x64C0]  }
0x12e: {  	v31 =	vld [tilespmem:s11+$0x4D0]  }
0x12f: {  	v32 =	vld [tilespmem:s11+$0x64D0]  }
0x130: {  	v33 =	vld [tilespmem:s11+$0x4E0]  }
0x131: {  	v34 =	vld [tilespmem:s11+$0x64E0]  }
0x132: {  	v35 =	vld [tilespmem:s11+$0x4F0]  }
0x133: {  	v36 =	vld [tilespmem:s11+$0x64F0]  }
0x134: {  	v37 =	vld [tilespmem:s11+$0x880]  }
0x135: {  	v38 =	vld [tilespmem:s11+$0x6880]  }
0x136: {  	v39 =	vld [tilespmem:s11+$0x890]  }
0x137: {  	v40 =	vld [tilespmem:s11+$0x6890]  }
0x138: {  	v41 =	vld [tilespmem:s11+$0x8A0]  }
0x139: {  	v42 =	vld [tilespmem:s11+$0x68A0]  }
0x13a: {  	v43 =	vld [tilespmem:s11+$0x8B0]  }
0x13b: {  	v44 =	vld [tilespmem:s11+$0x68B0]  }
0x13c: {  	v45 =	vld [tilespmem:s11+$0x8C0]  }
0x13d: {  	v46 =	vld [tilespmem:s11+$0x68C0]  }
0x13e: {  	v47 =	vld [tilespmem:s11+$0x8D0]  }
0x13f: {  	v48 =	vld [tilespmem:s11+$0x68D0]  }
0x140: {  	v49 =	vld [tilespmem:s11+$0x8E0]  }
0x141: {  	v50 =	vld [tilespmem:s11+$0x68E0]  }
0x142: {  	v51 =	vld [tilespmem:s11+$0x8F0]  }
0x143: {  	v52 =	vld [tilespmem:s11+$0x68F0]  }
0x144: {  	v53 =	vld [tilespmem:s11+$0xC80]  }
0x145: {  	v54 =	vld [tilespmem:s11+$0x6C80]  }
0x146: {  	v55 =	vld [tilespmem:s11+$0xC90]  }
0x147: {  	v5 =	vadd.f32 v5, v10;
	v10 =	vld [tilespmem:s11+$0x6C90]  }
0x148: {  	v6 =	vld [tilespmem:s11+$0xCA0];
	v4 =	vadd.f32 v59, v58  }
0x149: {  	v7 =	vld [tilespmem:s11+$0x6CA0];
	[tilespmem:s11+$0xD4F0] =	vst v5;
	v63 =	vadd.f32 v61, v60  }
0x14a: {  	v8 =	vld [tilespmem:s11+$0x6CB0];
	[tilespmem:s11+$0xC080] =	vst v4;
	v3 =	vadd.f32 v3, v62  }
0x14b: {  	v9 =	vld [tilespmem:s11+$0xCC0];
	[tilespmem:s11+$0xC090] =	vst v63;
	v12 =	vadd.f32 v12, v11  }
0x14c: {  	v57 =	vld [tilespmem:s11+$0x70A0];
	[tilespmem:s11+$0xC0A0] =	vst v3;
	v3 =	vadd.f32 v14, v13  }
0x14d: {  	v58 =	vld [tilespmem:s11+$0x10B0];
	v16 =	vadd.f32 v16, v15;
	[tilespmem:s11+$0xC0B0] =	vst v12  }
0x14e: {  	v4 =	vld [tilespmem:s11+$0xCB0];
	[tilespmem:s11+$0xC0C0] =	vst v3;
	v3 =	vadd.f32 v18, v17  }
0x14f: {  	v60 =	vld [tilespmem:s11+$0x70B0];
	v20 =	vadd.f32 v20, v19;
	[tilespmem:s11+$0xC0D0] =	vst v16  }
0x150: {  	v61 =	vld [tilespmem:s11+$0x10C0];
	[tilespmem:s11+$0xC0E0] =	vst v3;
	v3 =	vadd.f32 v22, v21  }
0x151: {  	v11 =	vld [tilespmem:s11+$0x6CC0];
	v24 =	vadd.f32 v24, v23;
	[tilespmem:s11+$0xC0F0] =	vst v20  }
0x152: {  	v15 =	vld [tilespmem:s11+$0x6CE0];
	[tilespmem:s11+$0xC480] =	vst v3;
	v3 =	vadd.f32 v26, v25  }
0x153: {  	v28 =	vadd.f32 v28, v27;
	v19 =	vld [tilespmem:s11+$0x7080];
	[tilespmem:s11+$0xC490] =	vst v24  }
0x154: {  	v63 =	vld [tilespmem:s11+$0x70C0];
	[tilespmem:s11+$0xC4A0] =	vst v3;
	v3 =	vadd.f32 v30, v29  }
0x155: {  	v32 =	vadd.f32 v32, v31;
	v36 =	vadd.f32 v36, v35;
	v35 =	vld [tilespmem:s11+$0x70D0];
	[tilespmem:s11+$0xC4B0] =	vst v28  }
0x156: {  	v56 =	vadd.f32 v40, v39;
	v39 =	vld [tilespmem:s11+$0x10F0];
	[tilespmem:s11+$0xC4C0] =	vst v3;
	v3 =	vadd.f32 v34, v33  }
0x157: {  	v40 =	vld [tilespmem:s11+$0x70F0];
	[tilespmem:s11+$0xC4D0] =	vst v32  }
0x158: {  	v59 =	vadd.f32 v44, v43;
	v43 =	vld [tilespmem:s11+$0x7480];
	[tilespmem:s11+$0xC4E0] =	vst v3;
	v3 =	vadd.f32 v38, v37  }
0x159: {  	v44 =	vld [tilespmem:s11+$0x1490];
	[tilespmem:s11+$0xC4F0] =	vst v36  }
0x15a: {  	v62 =	vadd.f32 v48, v47;
	v47 =	vld [tilespmem:s11+$0x14A0];
	[tilespmem:s11+$0xC880] =	vst v3;
	v3 =	vadd.f32 v42, v41  }
0x15b: {  	v20 =	vld [tilespmem:s11+$0x1090];
	[tilespmem:s11+$0xC890] =	vst v56  }
0x15c: {  	v21 =	vld [tilespmem:s11+$0x7090];
	[tilespmem:s11+$0xC8A0] =	vst v3;
	v3 =	vadd.f32 v46, v45  }
0x15d: {  	v12 =	vld [tilespmem:s11+$0xCD0];
	[tilespmem:s11+$0xC8B0] =	vst v59  }
0x15e: {  	v13 =	vld [tilespmem:s11+$0x6CD0];
	[tilespmem:s11+$0xC8C0] =	vst v3;
	v3 =	vadd.f32 v50, v49  }
0x15f: {  	v14 =	vld [tilespmem:s11+$0xCE0];
	[tilespmem:s11+$0xC8D0] =	vst v62;
	v4 =	vadd.f32 v8, v4  }
0x160: {  	v16 =	vld [tilespmem:s11+$0xCF0];
	[tilespmem:s11+$0xC8E0] =	vst v3;
	v3 =	vadd.f32 v54, v53  }
0x161: {  	v36 =	vld [tilespmem:s11+$0x10E0];
	[tilespmem:s11+$0xCCB0] =	vst v4;
	v48 =	vadd.f32 v21, v20  }
0x162: {  	v56 =	vld [tilespmem:s11+$0x14D0];
	[tilespmem:s11+$0xCC80] =	vst v3;
	v3 =	vadd.f32 v7, v6  }
0x163: {  	v18 =	vld [tilespmem:s11+$0x1080];
	v34 =	vadd.f32 v52, v51;
	[tilespmem:s11+$0xD090] =	vst v48  }
0x164: {  	v59 =	vld [tilespmem:s11+$0x14E0];
	[tilespmem:s11+$0xCCA0] =	vst v3;
	v3 =	vadd.f32 v11, v9  }
0x165: {  	v22 =	vld [tilespmem:s11+$0x10A0];
	v51 =	vadd.f32 v60, v58;
	[tilespmem:s11+$0xC8F0] =	vst v34  }
0x166: {  	v17 =	vld [tilespmem:s11+$0x6CF0];
	[tilespmem:s11+$0xCCC0] =	vst v3;
	v3 =	vadd.f32 v15, v14  }
0x167: {  	v33 =	vld [tilespmem:s11+$0x10D0];
	v37 =	vadd.f32 v10, v55;
	[tilespmem:s11+$0xD0B0] =	vst v51  }
0x168: {  	v52 =	vld [tilespmem:s11+$0x74B0];
	[tilespmem:s11+$0xCCE0] =	vst v3;
	v3 =	vadd.f32 v19, v18  }
0x169: {  	v38 =	vld [tilespmem:s11+$0x70E0];
	[tilespmem:s11+$0xCC90] =	vst v37;
	v42 =	vadd.f32 v13, v12  }
0x16a: {  	v46 =	vld [tilespmem:s11+$0x7490];
	[tilespmem:s11+$0xD080] =	vst v3;
	v3 =	vadd.f32 v57, v22  }
0x16b: {  	v41 =	vld [tilespmem:s11+$0x1480];
	[tilespmem:s11+$0xCCD0] =	vst v42;
	v45 =	vadd.f32 v17, v16  }
0x16c: {  	v50 =	vld [tilespmem:s11+$0x14B0];
	[tilespmem:s11+$0xD0A0] =	vst v3;
	v3 =	vadd.f32 v63, v61  }
0x16d: {  	[tilespmem:s11+$0xCCF0] =	vst v45;
	v49 =	vld [tilespmem:s11+$0x74A0];
	v54 =	vadd.f32 v35, v33  }
0x16e: {  	v55 =	vld [tilespmem:s11+$0x74C0];
	[tilespmem:s11+$0xD0C0] =	vst v3;
	v3 =	vadd.f32 v38, v36  }
0x16f: {  	v53 =	vld [tilespmem:s11+$0x14C0];
	v60 =	vadd.f32 v46, v44;
	[tilespmem:s11+$0xD0D0] =	vst v54  }
0x170: {  	v58 =	vld [tilespmem:s11+$0x74D0];
	[tilespmem:s11+$0xD0E0] =	vst v3;
	v3 =	vadd.f32 v43, v41  }
0x171: {  	[tilespmem:s11+$0xD490] =	vst v60;
	v62 =	vadd.f32 v52, v50;
	v61 =	vld [tilespmem:s11+$0x74E0]  }
0x172: {  	[tilespmem:s11+$0xD480] =	vst v3;
	v3 =	vadd.f32 v49, v47  }
0x173: {  	[tilespmem:s11+$0xD4B0] =	vst v62;
	v57 =	vadd.f32 v40, v39  }
0x174: {  	s12 =	sor.u32 s4, s21;
	p1 =	seq.s32 s20, $0x3;
	[tilespmem:s11+$0xD4A0] =	vst v3;
	v3 =	vadd.f32 v55, v53  }
0x175: {  	s8 =	sadd.s32 @!p1 $0x20, s21;
	s7 =	sshrl.u32 s12, $0x3;
	[tilespmem:s11+$0xD0F0] =	vst v57;
	v63 =	vadd.f32 v58, v56  }
0x176: {  	s8 =	sadd.s32 @!p1 s4, s8;
	s7 =	smul.u32 $0x300, s7;
	[tilespmem:s11+$0xD4C0] =	vst v3;
	v3 =	vadd.f32 v61, v59  }
0x177: {  	s8 =	sshrl.u32 @!p1 s8, $0x3;
	[tilespmem:s11+$0xD4D0] =	vst v63  }
0x178: {  	s8 =	smul.u32 @!p1 $0x300, s8;
	s14 =	sadd.s32 s6, s7;
	[tilespmem:s11+$0xD4E0] =	vst v3  }
0x179: {  	[hbm4b:s14+s3] =	stream.linear.scatter [tilespmem:s1], [sflag:$0x5], $0x3000, $0x38;
	[tilespmem:$0x12080] =	vst v63  }
0x17a: {  	s8 =	sadd.s32 @!p1 s2, s8;
	s12 =	simm.s32 @!p1 $0x80;
	s11 =	simm.s32 @!p1 $0x0  }
0x17b: {  	[tilespmem:s12], [sflag:$0x1] =	stream.linear.gather @!p1 [hbm4b:s8+s11], $0x3000, $0x38;
	[tilespmem:$0x12080] =	vst v63  }
0x17c: {  	v3 =	vld @!p1 [tilespmem:s21+$0x20];
	_ =	sdelay $0x4  }
0x17d: {  	v4 =	vshrl.u32 @!p1 v3, $0x3  }
0x17e: {  	v4 =	vmul.u32 @!p1 $0x30, v4  }
0x17f: {  	v5 =	vlaneseq.u32 @!p1;
	v3 =	vand.u32 @!p1 $0x7, v3  }
0x180: {  	v6 =	vshrl.u32 @!p1 v5, $0x3;
	v3 =	vor.u32 @!p1 v3, v4;
	v4 =	vand.u32 @!p1 $0x7, v5  }
0x181: {  	v6 =	vmul.u32 @!p1 $0x8, v6;
	v4 =	vperm.xlane @!p1 v3, v4;
	_ =	sdelay $0x1  }
0x182: {  	v4 =	vadd.s32 @!p1 v6, v4;
	_ =	sdelay $0x2  }
0x183: {  	v5 =	vor.u32 @!p1 $0x8, v5  }
0x184: {  	vm1 =	vmmov @!p1 $0xffff;
	s8 =	simm.s32 @!p1 $0x6080;
	v3 =	vperm.xlane @!p1 v3, v5  }
0x185: {  	[tilespmem:s8], [sflag:$0x3] =	stream.indirect_vreg.gather @!p1 [hbm4b:s5+s11], $0x80, v4, vm1, $0xb8;
	[tilespmem:$0x12080] =	vst v63  }
0x186: {  	v3 =	vadd.s32 @!p1 v6, v3;
	s8 =	simm.s32 @!p1 $0x6880  }
0x187: {  	[tilespmem:s8], [sflag:$0x3] =	stream.indirect_vreg.gather @!p1 [hbm4b:s9+s11], $0x80, v4, vm1, $0xb8;
	[tilespmem:$0x12080] =	vst v63  }
0x188: {  	s8 =	simm.s32 @!p1 $0x7080  }
0x189: {  	[tilespmem:s8], [sflag:$0x3] =	stream.indirect_vreg.gather @!p1 [hbm4b:s10+s11], $0x80, v4, vm1, $0xb8;
	[tilespmem:$0x12080] =	vst v63  }
0x18a: {  	s8 =	simm.s32 @!p1 $0x7880  }
0x18b: {  	[tilespmem:s8], [sflag:$0x3] =	stream.indirect_vreg.gather @!p1 [hbm4b:s5+s11], $0x80, v3, vm1, $0xb8;
	[tilespmem:$0x12080] =	vst v63  }
0x18c: {  	s8 =	simm.s32 @!p1 $0x8080  }
0x18d: {  	[tilespmem:s8], [sflag:$0x3] =	stream.indirect_vreg.gather @!p1 [hbm4b:s9+s11], $0x80, v3, vm1, $0xb8;
	[tilespmem:$0x12080] =	vst v63  }
0x18e: {  	s8 =	simm.s32 @!p1 $0x8880  }
0x18f: {  	[tilespmem:s8], [sflag:$0x3] =	stream.indirect_vreg.gather @!p1 [hbm4b:s10+s11], $0x80, v3, vm1, $0xb8;
	[tilespmem:$0x12080] =	vst v63  }
0x190: {  	_ =	swait.ge [sflag:s0], $0x3000  }
0x191: {  	[sflag:s0] =	ssyncset.done $0x0  }
0x192: {  	[sflag:s0] =	ssyncadd.s32 $0xFFFFD000  }
0x193: {  	_ =	swait.ge [sflag:s15], $0x3000  }
0x194: {  	[sflag:s15] =	ssyncset.done $0x0  }
0x195: {  	s8 =	simm.s32 @!p0 $0x6;
	[sflag:s15] =	ssyncadd.s32 $0xFFFFD000  }
0x196: {  	_ =	swait.ge @!p0 [sflag:s8], $0x3000  }
0x197: {  	[sflag:s8] =	ssyncset.done @!p0 $0x0  }
0x198: {  	s12 =	simm.s32 $0x0;
	s11 =	simm.s32 $0x0;
	[sflag:s8] =	ssyncadd.s32 @!p0 $0xFFFFD000  }
.LBB2_5:
0x199: {  	s8 =	sshrl.u32 s12, $0x3  }
0x19a: {  	s8 =	smul.u32 $0x1800, s8  }
0x19b: {  	s14 =	sand.u32 $0x380, s11  }
0x19c: {  	s8 =	sor.u32 s14, s8  }
0x19d: {  	v3 =	vld [tilespmem:s8+$0x3080]  }
0x19e: {  	v4 =	vld [tilespmem:s8+$0x9080]  }
0x19f: {  	v5 =	vld [tilespmem:s8+$0x3090]  }
0x1a0: {  	v6 =	vld [tilespmem:s8+$0x9090]  }
0x1a1: {  	v7 =	vld [tilespmem:s8+$0x30A0]  }
0x1a2: {  	v8 =	vld [tilespmem:s8+$0x90A0]  }
0x1a3: {  	v9 =	vld [tilespmem:s8+$0x30B0]  }
0x1a4: {  	v10 =	vld [tilespmem:s8+$0x90B0]  }
0x1a5: {  	v11 =	vld [tilespmem:s8+$0x30C0]  }
0x1a6: {  	v13 =	vld [tilespmem:s8+$0x30D0]  }
0x1a7: {  	v14 =	vld [tilespmem:s8+$0x90D0]  }
0x1a8: {  	v15 =	vld [tilespmem:s8+$0x30E0]  }
0x1a9: {  	v16 =	vld [tilespmem:s8+$0x90E0]  }
0x1aa: {  	v17 =	vld [tilespmem:s8+$0x30F0]  }
0x1ab: {  	v18 =	vld [tilespmem:s8+$0x90F0]  }
0x1ac: {  	v19 =	vld [tilespmem:s8+$0x3480]  }
0x1ad: {  	v20 =	vld [tilespmem:s8+$0x9480]  }
0x1ae: {  	v21 =	vld [tilespmem:s8+$0x3490]  }
0x1af: {  	v22 =	vld [tilespmem:s8+$0x9490]  }
0x1b0: {  	v23 =	vld [tilespmem:s8+$0x34A0]  }
0x1b1: {  	v24 =	vld [tilespmem:s8+$0x94A0]  }
0x1b2: {  	v25 =	vld [tilespmem:s8+$0x34B0]  }
0x1b3: {  	v26 =	vld [tilespmem:s8+$0x94B0]  }
0x1b4: {  	v27 =	vld [tilespmem:s8+$0x34D0]  }
0x1b5: {  	v28 =	vld [tilespmem:s8+$0x94D0]  }
0x1b6: {  	v29 =	vld [tilespmem:s8+$0x34E0]  }
0x1b7: {  	v30 =	vld [tilespmem:s8+$0x94E0]  }
0x1b8: {  	v31 =	vld [tilespmem:s8+$0x34F0]  }
0x1b9: {  	v32 =	vld [tilespmem:s8+$0x94F0]  }
0x1ba: {  	v33 =	vld [tilespmem:s8+$0x3880]  }
0x1bb: {  	v34 =	vld [tilespmem:s8+$0x9880]  }
0x1bc: {  	v35 =	vld [tilespmem:s8+$0x3890]  }
0x1bd: {  	v36 =	vld [tilespmem:s8+$0x9890]  }
0x1be: {  	v37 =	vld [tilespmem:s8+$0x38A0]  }
0x1bf: {  	v38 =	vld [tilespmem:s8+$0x98A0]  }
0x1c0: {  	v47 =	vld [tilespmem:s8+$0x38B0];
	v3 =	vadd.f32 v4, v3  }
0x1c1: {  	v48 =	vld [tilespmem:s8+$0x98B0];
	v5 =	vadd.f32 v6, v5  }
0x1c2: {  	v49 =	vld [tilespmem:s8+$0x38D0];
	v50 =	vadd.f32 v10, v9;
	[tilespmem:s8+$0xF080] =	vst v3  }
0x1c3: {  	v51 =	vld [tilespmem:s8+$0x98D0];
	v3 =	vadd.f32 v8, v7;
	[tilespmem:s8+$0xF090] =	vst v5  }
0x1c4: {  	v52 =	vld [tilespmem:s8+$0x38E0];
	v53 =	vadd.f32 v16, v15;
	[tilespmem:s8+$0xF0B0] =	vst v50  }
0x1c5: {  	v54 =	vld [tilespmem:s8+$0x98E0];
	[tilespmem:s8+$0xF0A0] =	vst v3;
	v3 =	vadd.f32 v14, v13  }
0x1c6: {  	v55 =	vld [tilespmem:s8+$0x38F0];
	v56 =	vadd.f32 v20, v19;
	[tilespmem:s8+$0xF0E0] =	vst v53  }
0x1c7: {  	v57 =	vld [tilespmem:s8+$0x98F0];
	[tilespmem:s8+$0xF0D0] =	vst v3;
	v3 =	vadd.f32 v18, v17  }
0x1c8: {  	v58 =	vld [tilespmem:s8+$0x3C80];
	v59 =	vadd.f32 v24, v23;
	[tilespmem:s8+$0xF480] =	vst v56  }
0x1c9: {  	v60 =	vld [tilespmem:s8+$0x9C80];
	[tilespmem:s8+$0xF0F0] =	vst v3;
	v3 =	vadd.f32 v22, v21  }
0x1ca: {  	v61 =	vld [tilespmem:s8+$0x3C90];
	v62 =	vadd.f32 v28, v27;
	[tilespmem:s8+$0xF4A0] =	vst v59  }
0x1cb: {  	v63 =	vld [tilespmem:s8+$0x9C90];
	[tilespmem:s8+$0xF490] =	vst v3;
	v3 =	vadd.f32 v26, v25  }
0x1cc: {  	v40 =	vld [tilespmem:s8+$0xA080];
	v28 =	vadd.f32 v36, v35;
	[tilespmem:s8+$0xF4D0] =	vst v62  }
0x1cd: {  	v24 =	vld [tilespmem:s8+$0x3CA0];
	[tilespmem:s8+$0xF4B0] =	vst v3;
	v3 =	vadd.f32 v30, v29  }
0x1ce: {  	v27 =	vld [tilespmem:s8+$0x3CB0];
	v4 =	vadd.f32 v48, v47;
	[tilespmem:s8+$0xF890] =	vst v28  }
0x1cf: {  	v35 =	vld [tilespmem:s8+$0x3CF0];
	[tilespmem:s8+$0xF4E0] =	vst v3;
	v3 =	vadd.f32 v34, v33  }
0x1d0: {  	v36 =	vadd.f32 v60, v58;
	[tilespmem:s8+$0xF8B0] =	vst v4;
	v26 =	vld [tilespmem:s8+$0x9CA0]  }
0x1d1: {  	v25 =	vadd.f32 v32, v31;
	v31 =	vld [tilespmem:s8+$0x9CD0];
	[tilespmem:s8+$0xF880] =	vst v3;
	v3 =	vadd.f32 v38, v37  }
0x1d2: {  	[tilespmem:s8+$0xFC80] =	vst v36;
	v32 =	vld [tilespmem:s8+$0x3CE0]  }
0x1d3: {  	v30 =	vld [tilespmem:s8+$0x3CD0];
	[tilespmem:s8+$0xF8A0] =	vst v3;
	v3 =	vadd.f32 v51, v49  }
0x1d4: {  	[tilespmem:s8+$0xF4F0] =	vst v25;
	v29 =	vld [tilespmem:s8+$0x9CB0];
	v33 =	vadd.f32 v54, v52  }
0x1d5: {  	v37 =	vld [tilespmem:s8+$0x9CF0];
	[tilespmem:s8+$0xF8D0] =	vst v3;
	v3 =	vadd.f32 v57, v55  }
0x1d6: {  	v34 =	vld [tilespmem:s8+$0x9CE0];
	v39 =	vadd.f32 v26, v24;
	[tilespmem:s8+$0xF8E0] =	vst v33  }
0x1d7: {  	v38 =	vld [tilespmem:s8+$0x4080];
	[tilespmem:s8+$0xF8F0] =	vst v3;
	v3 =	vadd.f32 v63, v61  }
0x1d8: {  	v12 =	vld [tilespmem:s8+$0x90C0];
	[tilespmem:s8+$0xFCA0] =	vst v39;
	v42 =	vadd.f32 v31, v30  }
0x1d9: {  	v41 =	vld [tilespmem:s8+$0x34C0];
	[tilespmem:s8+$0xFC90] =	vst v3;
	v3 =	vadd.f32 v29, v27  }
0x1da: {  	v43 =	vld [tilespmem:s8+$0x94C0];
	[tilespmem:s8+$0xFCD0] =	vst v42;
	v45 =	vadd.f32 v37, v35  }
0x1db: {  	v44 =	vld [tilespmem:s8+$0x38C0];
	[tilespmem:s8+$0xFCB0] =	vst v3;
	v3 =	vadd.f32 v34, v32  }
0x1dc: {  	v46 =	vld [tilespmem:s8+$0x98C0];
	v47 =	vadd.f32 v40, v38;
	[tilespmem:s8+$0xFCF0] =	vst v45  }
0x1dd: {  	s14 =	sadd.s32 $0x1000, s8;
	v48 =	vld [tilespmem:s8+$0x9CC0];
	[tilespmem:s8+$0xFCE0] =	vst v3  }
0x1de: {  	v3 =	vld [tilespmem:s8+$0x3CC0];
	[tilespmem:s14+$0xF080] =	vst v47  }
0x1df: {  	v49 =	vld [tilespmem:s8+$0x4090]  }
0x1e0: {  	v8 =	vld [tilespmem:s8+$0xA090]  }
0x1e1: {  	v6 =	vadd.f32 v46, v44  }
0x1e2: {  	v50 =	vadd.f32 v12, v11  }
0x1e3: {  	v5 =	vadd.f32 v43, v41;
	[tilespmem:s8+$0xF8C0] =	vst v6  }
0x1e4: {  	[tilespmem:s8+$0xF0C0] =	vst v50;
	v3 =	vadd.f32 v48, v3  }
0x1e5: {  	[tilespmem:s8+$0xF4C0] =	vst v5;
	v4 =	vadd.f32 v8, v49  }
0x1e6: {  	[tilespmem:s8+$0xFCC0] =	vst v3  }
0x1e7: {  	[tilespmem:s14+$0xF090] =	vst v4  }
0x1e8: {  	v3 =	vld [tilespmem:s8+$0x40A0]  }
0x1e9: {  	v4 =	vld [tilespmem:s8+$0xA0A0];
	_ =	sdelay $0x4  }
0x1ea: {  	v3 =	vadd.f32 v4, v3;
	_ =	sdelay $0x1  }
0x1eb: {  	[tilespmem:s14+$0xF0A0] =	vst v3  }
0x1ec: {  	v3 =	vld [tilespmem:s8+$0x40B0]  }
0x1ed: {  	v51 =	vld [tilespmem:s8+$0xA0B0];
	_ =	sdelay $0x4  }
0x1ee: {  	v3 =	vadd.f32 v51, v3;
	_ =	sdelay $0x1  }
0x1ef: {  	[tilespmem:s14+$0xF0B0] =	vst v3  }
0x1f0: {  	v3 =	vld [tilespmem:s8+$0x40C0]  }
0x1f1: {  	v52 =	vld [tilespmem:s8+$0xA0C0];
	_ =	sdelay $0x4  }
0x1f2: {  	v3 =	vadd.f32 v52, v3;
	_ =	sdelay $0x1  }
0x1f3: {  	[tilespmem:s14+$0xF0C0] =	vst v3  }
0x1f4: {  	v3 =	vld [tilespmem:s8+$0x40D0]  }
0x1f5: {  	v53 =	vld [tilespmem:s8+$0xA0D0];
	_ =	sdelay $0x4  }
0x1f6: {  	v3 =	vadd.f32 v53, v3;
	_ =	sdelay $0x1  }
0x1f7: {  	[tilespmem:s14+$0xF0D0] =	vst v3  }
0x1f8: {  	v3 =	vld [tilespmem:s8+$0x40E0]  }
0x1f9: {  	v54 =	vld [tilespmem:s8+$0xA0E0];
	_ =	sdelay $0x4  }
0x1fa: {  	v3 =	vadd.f32 v54, v3;
	_ =	sdelay $0x1  }
0x1fb: {  	[tilespmem:s14+$0xF0E0] =	vst v3  }
0x1fc: {  	v3 =	vld [tilespmem:s8+$0x40F0]  }
0x1fd: {  	v55 =	vld [tilespmem:s8+$0xA0F0];
	_ =	sdelay $0x4  }
0x1fe: {  	v3 =	vadd.f32 v55, v3;
	_ =	sdelay $0x1  }
0x1ff: {  	[tilespmem:s14+$0xF0F0] =	vst v3  }
0x200: {  	v3 =	vld [tilespmem:s8+$0x4480]  }
0x201: {  	v56 =	vld [tilespmem:s8+$0xA480];
	_ =	sdelay $0x4  }
0x202: {  	v3 =	vadd.f32 v56, v3  }
0x203: {  	s14 =	sadd.s32 $0x1400, s8  }
0x204: {  	[tilespmem:s14+$0xF080] =	vst v3  }
0x205: {  	v3 =	vld [tilespmem:s8+$0x4490]  }
0x206: {  	v57 =	vld [tilespmem:s8+$0xA490];
	_ =	sdelay $0x4  }
0x207: {  	v3 =	vadd.f32 v57, v3;
	_ =	sdelay $0x1  }
0x208: {  	[tilespmem:s14+$0xF090] =	vst v3  }
0x209: {  	v3 =	vld [tilespmem:s8+$0x44A0]  }
0x20a: {  	v58 =	vld [tilespmem:s8+$0xA4A0];
	_ =	sdelay $0x4  }
0x20b: {  	v3 =	vadd.f32 v58, v3;
	_ =	sdelay $0x1  }
0x20c: {  	[tilespmem:s14+$0xF0A0] =	vst v3  }
0x20d: {  	v3 =	vld [tilespmem:s8+$0x44B0]  }
0x20e: {  	v59 =	vld [tilespmem:s8+$0xA4B0];
	_ =	sdelay $0x4  }
0x20f: {  	v3 =	vadd.f32 v59, v3;
	_ =	sdelay $0x1  }
0x210: {  	[tilespmem:s14+$0xF0B0] =	vst v3  }
0x211: {  	v3 =	vld [tilespmem:s8+$0x44C0]  }
0x212: {  	v60 =	vld [tilespmem:s8+$0xA4C0];
	_ =	sdelay $0x4  }
0x213: {  	v3 =	vadd.f32 v60, v3;
	_ =	sdelay $0x1  }
0x214: {  	[tilespmem:s14+$0xF0C0] =	vst v3  }
0x215: {  	v3 =	vld [tilespmem:s8+$0x44D0]  }
0x216: {  	v61 =	vld [tilespmem:s8+$0xA4D0];
	_ =	sdelay $0x4  }
0x217: {  	v3 =	vadd.f32 v61, v3;
	_ =	sdelay $0x1  }
0x218: {  	[tilespmem:s14+$0xF0D0] =	vst v3  }
0x219: {  	v3 =	vld [tilespmem:s8+$0x44E0]  }
0x21a: {  	v62 =	vld [tilespmem:s8+$0xA4E0];
	_ =	sdelay $0x4  }
0x21b: {  	v3 =	vadd.f32 v62, v3;
	_ =	sdelay $0x1  }
0x21c: {  	[tilespmem:s14+$0xF0E0] =	vst v3  }
0x21d: {  	v3 =	vld [tilespmem:s8+$0x44F0]  }
0x21e: {  	v63 =	vld [tilespmem:s8+$0xA4F0];
	_ =	sdelay $0x1  }
0x21f: {  	p0 =	sne.s32 s12, $0xF  }
.Ltmp3:
0x220: {  	_ = 	snop;
	(pc) =	sbr.rel @p0 .LBB2_5-.Ltmp3, $3  }
0x221: {  	_ = 	snop  }
0x222: {  	v3 =	vadd.f32 v63, v3;
	_ =	sdelay $0x1  }
0x223: {  	s11 =	sadd.s32 $0x80, s11;
	s12 =	sadd.s32 $0x1, s12;
	[tilespmem:s14+$0xF0F0] =	vst v3  }
.Ltmp4:
0x224: {  	(pc) =	sbr.rel @p1 .LBB2_8-.Ltmp4, $3  }
0x225: {  	_ =	sdelay $0x1  }
0x226: {  	s7 =	sadd.s32 s13, s7  }
0x227: {  	[hbm4b:s7+s3] =	stream.linear.scatter [tilespmem:s16], [sflag:$0x6], $0x3000, $0x38;
	[tilespmem:$0x12080] =	vst v63  }
0x228: {  	s7 =	sadd.s32 $0x30, s21  }
0x229: {  	s7 =	sadd.s32 s4, s7  }
0x22a: {  	s7 =	sshrl.u32 s7, $0x3  }
0x22b: {  	s7 =	smul.u32 $0x300, s7;
	_ =	sdelay $0x1  }
0x22c: {  	s7 =	sadd.s32 s2, s7  }
0x22d: {  	[tilespmem:s22], [sflag:$0x2] =	stream.linear.gather [hbm4b:s7+s3], $0x3000, $0x38;
	[tilespmem:$0x12080] =	vst v63  }
0x22e: {  	v3 =	vld [tilespmem:s21+$0x30];
	_ =	sdelay $0x4  }
0x22f: {  	v4 =	vshrl.u32 v3, $0x3  }
0x230: {  	v4 =	vmul.u32 $0x30, v4  }
0x231: {  	v3 =	vand.u32 $0x7, v3  }
0x232: {  	v3 =	vor.u32 v3, v4  }
0x233: {  	v4 =	vperm.xlane v3, v0;
	_ =	sdelay $0x1  }
0x234: {  	v4 =	vadd.s32 v1, v4;
	_ =	sdelay $0x3  }
0x235: {  	v3 =	vperm.xlane v3, v2  }
0x236: {  	[tilespmem:s23], [sflag:$0x4] =	stream.indirect_vreg.gather [hbm4b:s5+s3], $0x80, v4, vm0, $0xb8;
	[tilespmem:$0x12080] =	vst v63  }
0x237: {  	v3 =	vadd.s32 v1, v3  }
0x238: {  	[tilespmem:s24], [sflag:$0x4] =	stream.indirect_vreg.gather [hbm4b:s9+s3], $0x80, v4, vm0, $0xb8;
	[tilespmem:$0x12080] =	vst v63  }
0x239: {  	_ = 	snop  }
0x23a: {  	[tilespmem:s25], [sflag:$0x4] =	stream.indirect_vreg.gather [hbm4b:s10+s3], $0x80, v4, vm0, $0xb8;
	[tilespmem:$0x12080] =	vst v63  }
0x23b: {  	_ = 	snop  }
0x23c: {  	[tilespmem:s26], [sflag:$0x4] =	stream.indirect_vreg.gather [hbm4b:s5+s3], $0x80, v3, vm0, $0xb8;
	[tilespmem:$0x12080] =	vst v63  }
.Ltmp5:
0x23d: {  	_ = 	snop;
	(pc) =	sbr.rel .LBB2_2-.Ltmp5, $4  }
0x23e: {  	_ = 	snop  }
0x23f: {  	[tilespmem:s28], [sflag:$0x4] =	stream.indirect_vreg.gather [hbm4b:s9+s3], $0x80, v3, vm0, $0xb8;
	[tilespmem:$0x12080] =	vst v63  }
0x240: {  	s20 =	sadd.s32 $0x1, s20  }
0x241: {  	[tilespmem:s29], [sflag:$0x4] =	stream.indirect_vreg.gather [hbm4b:s10+s3], $0x80, v3, vm0, $0xb8;
	[tilespmem:$0x12080] =	vst v63  }
.LBB2_9:
0x242: {  	_ =	sfence.sel $0x180000  }
0x243: {  	[bflag:$0x0] =	sbarrier.arrive $0xFFFF  }
0x244: {  	_ =	strace $0x90000047  }
0x245: {  	s0 =	stileid.u32;
	[bflag:$0x2] =	sbarrier.arrive $0xFFFF  }
0x246: {  	p0 =	sne.s32 s0, $0x0;
	s0 =	rddreg [dreg:$0x2]  }
0x247: {  	s0 =	sadd.s32 @!p0 $0x100000, s0  }
0x248: {  	[sflag:s0] =	ssyncadd.tile.s32 @!p0 $0x1;
	_ =	shalt  }
.Lfunc_end2:
_tile_overlayer_lowered:
.L_overlay_start_2:
0x249: {  	(tag) =	ssettag $0x2  }
0x24a: {  	s0 =	rddreg [dreg:$0x0];
	s2 =	stileid.u32  }
0x24b: {  	s1 =	rddreg [dreg:$0x1];
	p0 =	sne.s32 s2, $0x0  }
0x24c: {  	s3 =	rddreg [dreg:$0x2];
	[bflag:$0x3] =	sbarrier.arrive $0xFFFF;
	s2 =	simm.s32 @!p0 $0x1C07  }
0x24d: {  	[timem:s3], [sflag:s2] =	dma.local @!p0 [hbm:s0], s1  }
0x24e: {  	s0 =	simm.s32 @!p0 $0x7  }
0x24f: {  	_ =	swait.ge @!p0 [sflag:s0], s1  }
0x250: {  	s1 =	ssub.s32 @!p0 $0x0, s1;
	[sflag:s0] =	ssyncset.done @!p0 $0x0  }
0x251: {  	[sflag:s0] =	ssyncadd.s32 @!p0 s1  }
0x252: {  	[bflag:$0x3] =	sbarrier.arrive $0xFFFF  }
0x253: {  	_ =	shalt  }

</sc_bundles>
